<compile_context>
chip_gen: v7x
topology: tpu7x:2x2x1
jax: 0.10.2.dev20260603
libtpu: 0.0.44.dev20260713+nightly
codegen_flags: <defaults>
</compile_context>

<pallas_src>
import functools

import jax
import jax.numpy as jnp
from jax import lax
from jax.experimental import pallas as pl
from jax.experimental.pallas import tpu as pltpu, tpu_sc as plsc

_BINS = 10
_NC, _NS, _L = 2, 16, 16
_NW = _NC * _NS
_NSAMP = 4194304
_TOTAL = _NSAMP * 2
_CHUNK = 32768
_NCH = 5
_PER_W = _NCH * _CHUNK
_PAIRS = _CHUNK // (2 * _L)
_ROWS = 32768
_SC_ROWS = (_NW * _PER_W) // 256
_TC_R = 512
_TC_G = (_ROWS - _SC_ROWS) // _TC_R

_P4 = (0.10668473260369177, -0.3935358023019218, 0.9797534129748494,
       0.0009250321113056853)
_NLOG2E = -1.4426950408889634


def _ghm_body(x_hbm, t_hbm, out_hbm, xb0, xb1, tb0, tb1, cnt, sm,
              semx0, semx1, semt0, semt1):
    c = lax.axis_index("c")
    s = lax.axis_index("s")
    wid = s * _NC + c
    base = wid * _PER_W
    sbase = wid * (_PER_W // 2)

    xbuf = (xb0, xb1)
    tbuf = (tb0, tb1)
    semx = (semx0, semx1)
    semt = (semt0, semt1)

    zero16 = jnp.zeros((_L,), jnp.float32)
    for r in range(_BINS):
        cnt[r] = zero16
        sm[r] = zero16

    iota = lax.iota(jnp.int32, _L)
    ones = jnp.ones((_L,), jnp.float32)

    def start(g):
        b = g % 2
        dx = pltpu.async_copy(
            x_hbm.at[pl.ds(base + g * _CHUNK, _CHUNK)], xbuf[b], semx[b])
        dt = pltpu.async_copy(
            t_hbm.at[pl.ds(sbase + g * (_CHUNK // 2), _CHUNK // 2)],
            tbuf[b], semt[b])
        return dx, dt

    def accum(xv, yv):
        ax = jnp.abs(xv)
        e = jnp.exp(-ax)
        pos = (xv >= 0.0) != yv
        q = jnp.float32(_BINS - 0.0001) / (1.0 + e)
        g9 = jnp.where(pos, q, jnp.float32(_BINS - 0.0001) - q)
        bin_ = g9.astype(jnp.int32)
        p = jnp.full((_L,), _P4[0], jnp.float32)
        for coef in _P4[1:]:
            p = p * e + jnp.float32(coef)
        bce = jnp.where(pos, ax, 0.0) + p
        plsc.addupdate_scatter(cnt, [bin_, iota], ones)
        plsc.addupdate_scatter(sm, [bin_, iota], bce)

    pending = {0: start(0)}
    for g in range(_NCH):
        b = g % 2
        if g + 1 < _NCH:
            pending[g + 1] = start(g + 1)
        dx, dt = pending.pop(g)
        dx.wait()
        dt.wait()

        @plsc.parallel_loop(0, _PAIRS, unroll=4)
        def inner(i, xr=xbuf[b], tr=tbuf[b]):
            blk = lax.shift_right_logical(i, 3)
            sub = lax.bitwise_and(i, 7)
            off0 = blk * 256 + sub * _L
            x0 = xr[pl.ds(off0, _L)]
            x1 = xr[pl.ds(off0 + 128, _L)]
            tg = tr[pl.ds(i * _L, _L)]
            y0 = tg == 0
            accum(x0, y0)
            accum(x1, jnp.logical_not(y0))

    pltpu.sync_copy(cnt, out_hbm.at[wid, 0])
    pltpu.sync_copy(sm, out_hbm.at[wid, 1])


@functools.partial(
    pl.kernel,
    out_type=jax.ShapeDtypeStruct((_NW, 2, _BINS, _L), jnp.float32),
    mesh=plsc.VectorSubcoreMesh(
        core_axis_name="c", subcore_axis_name="s",
        num_cores=_NC, num_subcores=_NS),
    compiler_params=pltpu.CompilerParams(needs_layout_passes=False),
    scratch_types=[
        pltpu.VMEM((_CHUNK,), jnp.float32),
        pltpu.VMEM((_CHUNK,), jnp.float32),
        pltpu.VMEM((_CHUNK // 2,), jnp.int32),
        pltpu.VMEM((_CHUNK // 2,), jnp.int32),
        pltpu.VMEM((_BINS, _L), jnp.float32),
        pltpu.VMEM((_BINS, _L), jnp.float32),
        pltpu.SemaphoreType.DMA,
        pltpu.SemaphoreType.DMA,
        pltpu.SemaphoreType.DMA,
        pltpu.SemaphoreType.DMA,
    ],
)
def _ghm_pass(x_hbm, t_hbm, out_hbm, *rest):
    _ghm_body(x_hbm, t_hbm, out_hbm, *rest)


def _tc_body(x_ref, t_ref, o_ref):
    c = jnp.float32(_BINS - 0.0001)
    xv = x_ref[...]
    tb = t_ref[...]
    t2 = jnp.broadcast_to(tb[:, None, :], (_TC_R, 2, 128))
    t2 = t2.reshape(2 * _TC_R, 128)
    odd = (lax.broadcasted_iota(jnp.int32, (2 * _TC_R, 128), 0) & 1) == 1
    yv = (t2 == 0) != odd
    ax = jnp.abs(xv)
    e = jnp.exp(-ax)
    pos = (xv >= 0.0) != yv
    d = 1.0 + e
    q = c / d
    g9 = jnp.where(pos, q, c - q)
    p = jnp.full(e.shape, _P4[0], jnp.float32)
    for coef in _P4[1:]:
        p = p * e + jnp.float32(coef)
    bce = jnp.where(pos, ax, 0.0) + p
    cnts = [jnp.float32(2 * _TC_R * 128)]
    sms = [jnp.sum(bce)]
    for k in range(1, _BINS):
        m = (g9 >= jnp.float32(k)).astype(jnp.float32)
        cnts.append(jnp.sum(m))
        sms.append(jnp.sum(m * bce))
    o_ref[0, 0, :] = jnp.stack(cnts)
    o_ref[0, 1, :] = jnp.stack(sms)


def _ghm_tc(x2d, t2d):
    return pl.pallas_call(
        _tc_body,
        grid=(_TC_G,),
        in_specs=[
            pl.BlockSpec((2 * _TC_R, 128), lambda i: (_SC_ROWS // _TC_R + i, 0)),
            pl.BlockSpec((_TC_R, 128), lambda i: (_SC_ROWS // _TC_R + i, 0)),
        ],
        out_specs=pl.BlockSpec((1, 2, _BINS), lambda i: (i, 0, 0)),
        out_shape=jax.ShapeDtypeStruct((_TC_G, 2, _BINS), jnp.float32),
    )(x2d, t2d)


def kernel(x, target):
    x_lin = x.reshape(32768, 128, 2).transpose(0, 2, 1).reshape(-1)
    tgt = target.astype(jnp.int32)
    parts = _ghm_pass(x_lin, tgt)
    tc = _ghm_tc(x_lin.reshape(2 * _ROWS, 128), tgt.reshape(_ROWS, 128))
    cnt = parts[:, 0].sum(axis=(0, 2))
    sums = parts[:, 1].sum(axis=(0, 2))
    cum = tc.sum(axis=0)
    zero = jnp.zeros((1,), jnp.float32)
    cnt = cnt + cum[0] - jnp.concatenate([cum[0, 1:], zero])
    sums = sums + cum[1] - jnp.concatenate([cum[1, 1:], zero])
    nonempty = jnp.sum(cnt > 0).astype(jnp.float32)
    gd = jnp.clip(cnt * nonempty, 0.0001, None)
    return jnp.sum(sums / gd)

# --- scband reference (transcript-rebuilt; emitter-appended) ---
"""Pipeline reference for scband-ghm-loss-11596411700016 (READ-ONLY COPY).

The authoritative reference and input builder live on the scoring server;
editing this copy changes nothing except your own understanding.
"""

import jax, jax.numpy as jnp
import numpy as np

BINS = 10
ALPHA = 0.75
NUM_CLASSES = 2
N_SAMPLES = 4194304


def setup_inputs(seed: int = 0) -> dict:
    key = jax.random.key(seed)
    k1, k2 = jax.random.split(key)
    x = jax.random.normal(k1, (N_SAMPLES, NUM_CLASSES), dtype=jnp.float32)
    target = jax.random.randint(k2, (N_SAMPLES,), 0, NUM_CLASSES, dtype=jnp.int64)
    return {"x": x, "target": target}


def _bce_with_logits(x, y):
    # elementwise binary_cross_entropy_with_logits, numerically stable
    return jnp.maximum(x, 0.0) - x * y + jnp.log1p(jnp.exp(-jnp.abs(x)))


def reference(x, target):
    # GHM-C style concrete instantiation of the abstract GHM_Loss:
    #   _custom_loss_grad(x, y) = sigmoid(x) - y
    #   _custom_loss(x, y, w)   = mean(w * BCEWithLogits(x, y))
    target = target.reshape(-1, 1)
    batch_size = target.shape[0]
    # y.scatter_(1, target, 1) -> one-hot
    y = jax.nn.one_hot(target[:, 0], NUM_CLASSES, dtype=jnp.float32)
    # gradient norm g, detached
    g = jax.lax.stop_gradient(jnp.abs(jax.nn.sigmoid(x) - y))
    # _g2bin
    bin_idx = jnp.floor(g * (BINS - 0.0001)).astype(jnp.int32)
    # histogram over bins (the per-bin loop in torch == bincount)
    bin_count = jnp.bincount(bin_idx.ravel(), length=BINS).astype(jnp.float32)
    N = x.shape[0] * x.shape[1]
    # first call: _last_bin_count is None, so bin_count used as-is (no EMA)
    nonempty_bins = jnp.sum(bin_count > 0).astype(jnp.float32)
    gd = jnp.clip(bin_count * nonempty_bins, 0.0001, None)
    beta = N / gd
    weight = jax.lax.stop_gradient(beta[bin_idx])
    loss = jnp.mean(weight * _bce_with_logits(x, y))
    return loss

if __name__ == "__main__":
    import jax
    _d = setup_inputs()
    print(jax.jit(kernel)(*tuple(_d.values())))

</pallas_src>

<mosaic_0001>
#map = affine_map<(d0, d1) -> (0)>
#map1 = affine_map<(d0, d1) -> (0, 0, 0, 0)>
module attributes {stable_mosaic.version = 14 : i64} {
  func.func @_ghm_pass(%arg0: i32, %arg1: i32, %arg2: memref<8388608xf32, #tpu.memory_space<hbm>>, %arg3: memref<4194304xi32, #tpu.memory_space<hbm>>, %arg4: memref<32x2x10x16xf32, #tpu.memory_space<hbm>>, %arg5: memref<32768xf32, #tpu.memory_space<vmem>>, %arg6: memref<32768xf32, #tpu.memory_space<vmem>>, %arg7: memref<16384xi32, #tpu.memory_space<vmem>>, %arg8: memref<16384xi32, #tpu.memory_space<vmem>>, %arg9: memref<10x16xf32, #tpu.memory_space<vmem>>, %arg10: memref<10x16xf32, #tpu.memory_space<vmem>>, %arg11: memref<!tpu.dma_semaphore, #tpu.memory_space<semaphore_mem>>, %arg12: memref<!tpu.dma_semaphore, #tpu.memory_space<semaphore_mem>>, %arg13: memref<!tpu.dma_semaphore, #tpu.memory_space<semaphore_mem>>, %arg14: memref<!tpu.dma_semaphore, #tpu.memory_space<semaphore_mem>>) attributes {dimension_semantics = [#tpu.dimension_semantics<core_parallel>, #tpu.dimension_semantics<subcore_parallel>], iteration_bounds = array<i64: 2, 16>, scalar_prefetch = 0 : i64, scratch_operands = 10 : i64, tpu.core_type = #tpu.core_type<sc_vector_subcore>, window_params = [{transform_indices = #map}, {transform_indices = #map}, {transform_indices = #map1}]} {
    %mul3A = arith.constant 2 : i32
    %mul3A_0 = arith.muli %arg1, %mul3A : i32
    %add3A = arith.addi %mul3A_0, %arg0 : i32
    %mul3A_1 = arith.constant 163840 : i32
    %mul3A_2 = arith.muli %add3A, %mul3A_1 : i32
    %mul3A_3 = arith.constant 81920 : i32
    %mul3A_4 = arith.muli %add3A, %mul3A_3 : i32
    %broadcast_in_dim3A = arith.constant 0.000000e+00 : f32
    %broadcast_in_dim3A_5 = vector.broadcast %broadcast_in_dim3A : f32 to vector<16xf32>
    %swap3A = arith.constant 0 : i32
    %swap3A_6 = arith.index_cast %swap3A : i32 to index
    %swap3A_7 = arith.constant 0 : index
    %swap3A_8 = tpu.vector_load %arg9[%swap3A_6, %swap3A_7] {strides = array<i32>} : memref<10x16xf32, #tpu.memory_space<vmem>>, vector<16xf32>,
    tpu.vector_store %arg9[%swap3A_6, %swap3A_7], %broadcast_in_dim3A_5 {strides = array<i32>} : memref<10x16xf32, #tpu.memory_space<vmem>>, vector<16xf32>,
    %swap3A_9 = arith.constant 0 : i32
    %swap3A_10 = arith.index_cast %swap3A_9 : i32 to index
    %swap3A_11 = arith.constant 0 : index
    %swap3A_12 = tpu.vector_load %arg10[%swap3A_10, %swap3A_11] {strides = array<i32>} : memref<10x16xf32, #tpu.memory_space<vmem>>, vector<16xf32>,
    tpu.vector_store %arg10[%swap3A_10, %swap3A_11], %broadcast_in_dim3A_5 {strides = array<i32>} : memref<10x16xf32, #tpu.memory_space<vmem>>, vector<16xf32>,
    %swap3A_13 = arith.constant 1 : i32
    %swap3A_14 = arith.index_cast %swap3A_13 : i32 to index
    %swap3A_15 = arith.constant 0 : index
    %swap3A_16 = tpu.vector_load %arg9[%swap3A_14, %swap3A_15] {strides = array<i32>} : memref<10x16xf32, #tpu.memory_space<vmem>>, vector<16xf32>,
    tpu.vector_store %arg9[%swap3A_14, %swap3A_15], %broadcast_in_dim3A_5 {strides = array<i32>} : memref<10x16xf32, #tpu.memory_space<vmem>>, vector<16xf32>,
    %swap3A_17 = arith.constant 1 : i32
    %swap3A_18 = arith.index_cast %swap3A_17 : i32 to index
    %swap3A_19 = arith.constant 0 : index
    %swap3A_20 = tpu.vector_load %arg10[%swap3A_18, %swap3A_19] {strides = array<i32>} : memref<10x16xf32, #tpu.memory_space<vmem>>, vector<16xf32>,
    tpu.vector_store %arg10[%swap3A_18, %swap3A_19], %broadcast_in_dim3A_5 {strides = array<i32>} : memref<10x16xf32, #tpu.memory_space<vmem>>, vector<16xf32>,
    %swap3A_21 = arith.constant 2 : i32
    %swap3A_22 = arith.index_cast %swap3A_21 : i32 to index
    %swap3A_23 = arith.constant 0 : index
    %swap3A_24 = tpu.vector_load %arg9[%swap3A_22, %swap3A_23] {strides = array<i32>} : memref<10x16xf32, #tpu.memory_space<vmem>>, vector<16xf32>,
    tpu.vector_store %arg9[%swap3A_22, %swap3A_23], %broadcast_in_dim3A_5 {strides = array<i32>} : memref<10x16xf32, #tpu.memory_space<vmem>>, vector<16xf32>,
    %swap3A_25 = arith.constant 2 : i32
    %swap3A_26 = arith.index_cast %swap3A_25 : i32 to index
    %swap3A_27 = arith.constant 0 : index
    %swap3A_28 = tpu.vector_load %arg10[%swap3A_26, %swap3A_27] {strides = array<i32>} : memref<10x16xf32, #tpu.memory_space<vmem>>, vector<16xf32>,
    tpu.vector_store %arg10[%swap3A_26, %swap3A_27], %broadcast_in_dim3A_5 {strides = array<i32>} : memref<10x16xf32, #tpu.memory_space<vmem>>, vector<16xf32>,
    %swap3A_29 = arith.constant 3 : i32
    %swap3A_30 = arith.index_cast %swap3A_29 : i32 to index
    %swap3A_31 = arith.constant 0 : index
    %swap3A_32 = tpu.vector_load %arg9[%swap3A_30, %swap3A_31] {strides = array<i32>} : memref<10x16xf32, #tpu.memory_space<vmem>>, vector<16xf32>,
    tpu.vector_store %arg9[%swap3A_30, %swap3A_31], %broadcast_in_dim3A_5 {strides = array<i32>} : memref<10x16xf32, #tpu.memory_space<vmem>>, vector<16xf32>,
    %swap3A_33 = arith.constant 3 : i32
    %swap3A_34 = arith.index_cast %swap3A_33 : i32 to index
    %swap3A_35 = arith.constant 0 : index
    %swap3A_36 = tpu.vector_load %arg10[%swap3A_34, %swap3A_35] {strides = array<i32>} : memref<10x16xf32, #tpu.memory_space<vmem>>, vector<16xf32>,
    tpu.vector_store %arg10[%swap3A_34, %swap3A_35], %broadcast_in_dim3A_5 {strides = array<i32>} : memref<10x16xf32, #tpu.memory_space<vmem>>, vector<16xf32>,
    %swap3A_37 = arith.constant 4 : i32
    %swap3A_38 = arith.index_cast %swap3A_37 : i32 to index
    %swap3A_39 = arith.constant 0 : index
    %swap3A_40 = tpu.vector_load %arg9[%swap3A_38, %swap3A_39] {strides = array<i32>} : memref<10x16xf32, #tpu.memory_space<vmem>>, vector<16xf32>,
    tpu.vector_store %arg9[%swap3A_38, %swap3A_39], %broadcast_in_dim3A_5 {strides = array<i32>} : memref<10x16xf32, #tpu.memory_space<vmem>>, vector<16xf32>,
    %swap3A_41 = arith.constant 4 : i32
    %swap3A_42 = arith.index_cast %swap3A_41 : i32 to index
    %swap3A_43 = arith.constant 0 : index
    %swap3A_44 = tpu.vector_load %arg10[%swap3A_42, %swap3A_43] {strides = array<i32>} : memref<10x16xf32, #tpu.memory_space<vmem>>, vector<16xf32>,
    tpu.vector_store %arg10[%swap3A_42, %swap3A_43], %broadcast_in_dim3A_5 {strides = array<i32>} : memref<10x16xf32, #tpu.memory_space<vmem>>, vector<16xf32>,
    %swap3A_45 = arith.constant 5 : i32
    %swap3A_46 = arith.index_cast %swap3A_45 : i32 to index
    %swap3A_47 = arith.constant 0 : index
    %swap3A_48 = tpu.vector_load %arg9[%swap3A_46, %swap3A_47] {strides = array<i32>} : memref<10x16xf32, #tpu.memory_space<vmem>>, vector<16xf32>,
    tpu.vector_store %arg9[%swap3A_46, %swap3A_47], %broadcast_in_dim3A_5 {strides = array<i32>} : memref<10x16xf32, #tpu.memory_space<vmem>>, vector<16xf32>,
    %swap3A_49 = arith.constant 5 : i32
    %swap3A_50 = arith.index_cast %swap3A_49 : i32 to index
    %swap3A_51 = arith.constant 0 : index
    %swap3A_52 = tpu.vector_load %arg10[%swap3A_50, %swap3A_51] {strides = array<i32>} : memref<10x16xf32, #tpu.memory_space<vmem>>, vector<16xf32>,
    tpu.vector_store %arg10[%swap3A_50, %swap3A_51], %broadcast_in_dim3A_5 {strides = array<i32>} : memref<10x16xf32, #tpu.memory_space<vmem>>, vector<16xf32>,
    %swap3A_53 = arith.constant 6 : i32
    %swap3A_54 = arith.index_cast %swap3A_53 : i32 to index
    %swap3A_55 = arith.constant 0 : index
    %swap3A_56 = tpu.vector_load %arg9[%swap3A_54, %swap3A_55] {strides = array<i32>} : memref<10x16xf32, #tpu.memory_space<vmem>>, vector<16xf32>,
    tpu.vector_store %arg9[%swap3A_54, %swap3A_55], %broadcast_in_dim3A_5 {strides = array<i32>} : memref<10x16xf32, #tpu.memory_space<vmem>>, vector<16xf32>,
    %swap3A_57 = arith.constant 6 : i32
    %swap3A_58 = arith.index_cast %swap3A_57 : i32 to index
    %swap3A_59 = arith.constant 0 : index
    %swap3A_60 = tpu.vector_load %arg10[%swap3A_58, %swap3A_59] {strides = array<i32>} : memref<10x16xf32, #tpu.memory_space<vmem>>, vector<16xf32>,
    tpu.vector_store %arg10[%swap3A_58, %swap3A_59], %broadcast_in_dim3A_5 {strides = array<i32>} : memref<10x16xf32, #tpu.memory_space<vmem>>, vector<16xf32>,
    %swap3A_61 = arith.constant 7 : i32
    %swap3A_62 = arith.index_cast %swap3A_61 : i32 to index
    %swap3A_63 = arith.constant 0 : index
    %swap3A_64 = tpu.vector_load %arg9[%swap3A_62, %swap3A_63] {strides = array<i32>} : memref<10x16xf32, #tpu.memory_space<vmem>>, vector<16xf32>,
    tpu.vector_store %arg9[%swap3A_62, %swap3A_63], %broadcast_in_dim3A_5 {strides = array<i32>} : memref<10x16xf32, #tpu.memory_space<vmem>>, vector<16xf32>,
    %swap3A_65 = arith.constant 7 : i32
    %swap3A_66 = arith.index_cast %swap3A_65 : i32 to index
    %swap3A_67 = arith.constant 0 : index
    %swap3A_68 = tpu.vector_load %arg10[%swap3A_66, %swap3A_67] {strides = array<i32>} : memref<10x16xf32, #tpu.memory_space<vmem>>, vector<16xf32>,
    tpu.vector_store %arg10[%swap3A_66, %swap3A_67], %broadcast_in_dim3A_5 {strides = array<i32>} : memref<10x16xf32, #tpu.memory_space<vmem>>, vector<16xf32>,
    %swap3A_69 = arith.constant 8 : i32
    %swap3A_70 = arith.index_cast %swap3A_69 : i32 to index
    %swap3A_71 = arith.constant 0 : index
    %swap3A_72 = tpu.vector_load %arg9[%swap3A_70, %swap3A_71] {strides = array<i32>} : memref<10x16xf32, #tpu.memory_space<vmem>>, vector<16xf32>,
    tpu.vector_store %arg9[%swap3A_70, %swap3A_71], %broadcast_in_dim3A_5 {strides = array<i32>} : memref<10x16xf32, #tpu.memory_space<vmem>>, vector<16xf32>,
    %swap3A_73 = arith.constant 8 : i32
    %swap3A_74 = arith.index_cast %swap3A_73 : i32 to index
    %swap3A_75 = arith.constant 0 : index
    %swap3A_76 = tpu.vector_load %arg10[%swap3A_74, %swap3A_75] {strides = array<i32>} : memref<10x16xf32, #tpu.memory_space<vmem>>, vector<16xf32>,
    tpu.vector_store %arg10[%swap3A_74, %swap3A_75], %broadcast_in_dim3A_5 {strides = array<i32>} : memref<10x16xf32, #tpu.memory_space<vmem>>, vector<16xf32>,
    %swap3A_77 = arith.constant 9 : i32
    %swap3A_78 = arith.index_cast %swap3A_77 : i32 to index
    %swap3A_79 = arith.constant 0 : index
    %swap3A_80 = tpu.vector_load %arg9[%swap3A_78, %swap3A_79] {strides = array<i32>} : memref<10x16xf32, #tpu.memory_space<vmem>>, vector<16xf32>,
    tpu.vector_store %arg9[%swap3A_78, %swap3A_79], %broadcast_in_dim3A_5 {strides = array<i32>} : memref<10x16xf32, #tpu.memory_space<vmem>>, vector<16xf32>,
    %swap3A_81 = arith.constant 9 : i32
    %swap3A_82 = arith.index_cast %swap3A_81 : i32 to index
    %swap3A_83 = arith.constant 0 : index
    %swap3A_84 = tpu.vector_load %arg10[%swap3A_82, %swap3A_83] {strides = array<i32>} : memref<10x16xf32, #tpu.memory_space<vmem>>, vector<16xf32>,
    tpu.vector_store %arg10[%swap3A_82, %swap3A_83], %broadcast_in_dim3A_5 {strides = array<i32>} : memref<10x16xf32, #tpu.memory_space<vmem>>, vector<16xf32>,
    %iota3A = tpu.iota {dimensions = array<i32: 0>} : vector<16xi32>
    %broadcast_in_dim3A_85 = arith.constant 1.000000e+00 : f32
    %broadcast_in_dim3A_86 = vector.broadcast %broadcast_in_dim3A_85 : f32 to vector<16xf32>
    %add3A_87 = arith.constant 0 : i32
    %add3A_88 = arith.addi %mul3A_2, %add3A_87 : i32
    %dma_start3A = tpu.memref_slice %arg2[%add3A_88] : memref<8388608xf32, #tpu.memory_space<hbm>> -> memref<32768xf32, #tpu.memory_space<hbm>>
    %dma_start3A_89 = tpu.memref_slice %arg2[%add3A_88] : memref<8388608xf32, #tpu.memory_space<hbm>> -> memref<32768xf32, #tpu.memory_space<hbm>>
    tpu.enqueue_dma source(%dma_start3A_89 : memref<32768xf32, #tpu.memory_space<hbm>>) target(%arg5 : memref<32768xf32, #tpu.memory_space<vmem>>) target_semaphore(%arg11 : memref<!tpu.dma_semaphore, #tpu.memory_space<semaphore_mem>>)
    %add3A_90 = arith.constant 0 : i32
    %add3A_91 = arith.addi %mul3A_4, %add3A_90 : i32
    %dma_start3A_92 = tpu.memref_slice %arg3[%add3A_91] : memref<4194304xi32, #tpu.memory_space<hbm>> -> memref<16384xi32, #tpu.memory_space<hbm>>
    %dma_start3A_93 = tpu.memref_slice %arg3[%add3A_91] : memref<4194304xi32, #tpu.memory_space<hbm>> -> memref<16384xi32, #tpu.memory_space<hbm>>
    tpu.enqueue_dma source(%dma_start3A_93 : memref<16384xi32, #tpu.memory_space<hbm>>) target(%arg7 : memref<16384xi32, #tpu.memory_space<vmem>>) target_semaphore(%arg13 : memref<!tpu.dma_semaphore, #tpu.memory_space<semaphore_mem>>)
    %add3A_94 = arith.constant 32768 : i32
    %add3A_95 = arith.addi %mul3A_2, %add3A_94 : i32
    %dma_start3A_96 = tpu.memref_slice %arg2[%add3A_95] : memref<8388608xf32, #tpu.memory_space<hbm>> -> memref<32768xf32, #tpu.memory_space<hbm>>
    %dma_start3A_97 = tpu.memref_slice %arg2[%add3A_95] : memref<8388608xf32, #tpu.memory_space<hbm>> -> memref<32768xf32, #tpu.memory_space<hbm>>
    tpu.enqueue_dma source(%dma_start3A_97 : memref<32768xf32, #tpu.memory_space<hbm>>) target(%arg6 : memref<32768xf32, #tpu.memory_space<vmem>>) target_semaphore(%arg12 : memref<!tpu.dma_semaphore, #tpu.memory_space<semaphore_mem>>)
    %add3A_98 = arith.constant 16384 : i32
    %add3A_99 = arith.addi %mul3A_4, %add3A_98 : i32
    %dma_start3A_100 = tpu.memref_slice %arg3[%add3A_99] : memref<4194304xi32, #tpu.memory_space<hbm>> -> memref<16384xi32, #tpu.memory_space<hbm>>
    %dma_start3A_101 = tpu.memref_slice %arg3[%add3A_99] : memref<4194304xi32, #tpu.memory_space<hbm>> -> memref<16384xi32, #tpu.memory_space<hbm>>
    tpu.enqueue_dma source(%dma_start3A_101 : memref<16384xi32, #tpu.memory_space<hbm>>) target(%arg8 : memref<16384xi32, #tpu.memory_space<vmem>>) target_semaphore(%arg14 : memref<!tpu.dma_semaphore, #tpu.memory_space<semaphore_mem>>)
    %dma_wait3A = tpu.memref_slice %arg2[%add3A_88] : memref<8388608xf32, #tpu.memory_space<hbm>> -> memref<32768xf32, #tpu.memory_space<hbm>>
    %dma_wait3A_102 = tpu.memref_slice %arg2[%add3A_88] : memref<8388608xf32, #tpu.memory_space<hbm>> -> memref<32768xf32, #tpu.memory_space<hbm>>
    tpu.wait_dma2 semaphore(%arg11 : memref<!tpu.dma_semaphore, #tpu.memory_space<semaphore_mem>>) src(%dma_wait3A_102 : memref<32768xf32, #tpu.memory_space<hbm>>) dst(%arg5 : memref<32768xf32, #tpu.memory_space<vmem>>)
    %dma_wait3A_103 = tpu.memref_slice %arg3[%add3A_91] : memref<4194304xi32, #tpu.memory_space<hbm>> -> memref<16384xi32, #tpu.memory_space<hbm>>
    %dma_wait3A_104 = tpu.memref_slice %arg3[%add3A_91] : memref<4194304xi32, #tpu.memory_space<hbm>> -> memref<16384xi32, #tpu.memory_space<hbm>>
    tpu.wait_dma2 semaphore(%arg13 : memref<!tpu.dma_semaphore, #tpu.memory_space<semaphore_mem>>) src(%dma_wait3A_104 : memref<16384xi32, #tpu.memory_space<hbm>>) dst(%arg7 : memref<16384xi32, #tpu.memory_space<vmem>>)
    %parallel_loop3A = arith.constant 0 : i32
    %parallel_loop3A_105 = arith.constant 1024 : i32
    %parallel_loop3A_106 = arith.constant 1 : i32
    scf.for %parallel_loop3A_160 = %parallel_loop3A to %parallel_loop3A_105 step %parallel_loop3A_106  : i32 {
      %parallel_loop3A_161 = arith.constant 3 : i32
      %parallel_loop3A_162 = arith.shrui %parallel_loop3A_160, %parallel_loop3A_161 : i32
      %parallel_loop3A_163 = arith.constant 7 : i32
      %parallel_loop3A_164 = arith.andi %parallel_loop3A_160, %parallel_loop3A_163 : i32
      %parallel_loop3A_165 = arith.constant 256 : i32
      %parallel_loop3A_166 = arith.muli %parallel_loop3A_162, %parallel_loop3A_165 : i32
      %parallel_loop3A_167 = arith.constant 16 : i32
      %parallel_loop3A_168 = arith.muli %parallel_loop3A_164, %parallel_loop3A_167 : i32
      %parallel_loop3A_169 = arith.addi %parallel_loop3A_166, %parallel_loop3A_168 : i32
      %parallel_loop3A_170 = arith.index_cast %parallel_loop3A_169 : i32 to index
      %parallel_loop3A_171 = tpu.vector_load %arg5[%parallel_loop3A_170] {strides = array<i32>} : memref<32768xf32, #tpu.memory_space<vmem>>, vector<16xf32>,
      %parallel_loop3A_172 = arith.constant 128 : i32
      %parallel_loop3A_173 = arith.addi %parallel_loop3A_169, %parallel_loop3A_172 : i32
      %parallel_loop3A_174 = arith.index_cast %parallel_loop3A_173 : i32 to index
      %parallel_loop3A_175 = tpu.vector_load %arg5[%parallel_loop3A_174] {strides = array<i32>} : memref<32768xf32, #tpu.memory_space<vmem>>, vector<16xf32>,
      %parallel_loop3A_176 = arith.constant 16 : i32
      %parallel_loop3A_177 = arith.muli %parallel_loop3A_160, %parallel_loop3A_176 : i32
      %parallel_loop3A_178 = arith.index_cast %parallel_loop3A_177 : i32 to index
      %parallel_loop3A_179 = tpu.vector_load %arg7[%parallel_loop3A_178] {strides = array<i32>} : memref<16384xi32, #tpu.memory_space<vmem>>, vector<16xi32>,
      %parallel_loop3A_180 = arith.constant 0 : i32
      %parallel_loop3A_181 = vector.broadcast %parallel_loop3A_180 : i32 to vector<16xi32>
      %parallel_loop3A_182 = arith.cmpi eq, %parallel_loop3A_179, %parallel_loop3A_181 : vector<16xi32>
      %parallel_loop3A_183 = math.absf %parallel_loop3A_171 : vector<16xf32>
      %parallel_loop3A_184 = arith.constant 0.000000e+00 : f32
      %parallel_loop3A_185 = vector.broadcast %parallel_loop3A_184 : f32 to vector<16xf32>
      %parallel_loop3A_186 = arith.subf %parallel_loop3A_185, %parallel_loop3A_183 : vector<16xf32>
      %parallel_loop3A_187 = math.exp %parallel_loop3A_186 : vector<16xf32>
      %parallel_loop3A_188 = arith.constant 0.000000e+00 : f32
      %parallel_loop3A_189 = vector.broadcast %parallel_loop3A_188 : f32 to vector<16xf32>
      %parallel_loop3A_190 = arith.cmpf oge, %parallel_loop3A_171, %parallel_loop3A_189 : vector<16xf32>
      %parallel_loop3A_191 = arith.xori %parallel_loop3A_190, %parallel_loop3A_182 : vector<16xi1>
      %parallel_loop3A_192 = arith.constant 1.000000e+00 : f32
      %parallel_loop3A_193 = vector.broadcast %parallel_loop3A_192 : f32 to vector<16xf32>
      %parallel_loop3A_194 = arith.addf %parallel_loop3A_193, %parallel_loop3A_187 : vector<16xf32>
      %parallel_loop3A_195 = arith.constant 9.99989986 : f32
      %parallel_loop3A_196 = vector.broadcast %parallel_loop3A_195 : f32 to vector<16xf32>
      %parallel_loop3A_197 = arith.divf %parallel_loop3A_196, %parallel_loop3A_194 : vector<16xf32>
      %parallel_loop3A_198 = arith.constant 9.99989986 : f32
      %parallel_loop3A_199 = vector.broadcast %parallel_loop3A_198 : f32 to vector<16xf32>
      %parallel_loop3A_200 = arith.subf %parallel_loop3A_199, %parallel_loop3A_197 : vector<16xf32>
      %parallel_loop3A_201 = arith.select %parallel_loop3A_191, %parallel_loop3A_197, %parallel_loop3A_200 : vector<16xi1>, vector<16xf32>
      %parallel_loop3A_202 = arith.fptosi %parallel_loop3A_201 : vector<16xf32> to vector<16xi32>
      %parallel_loop3A_203 = arith.constant 0.106684729 : f32
      %parallel_loop3A_204 = vector.broadcast %parallel_loop3A_203 : f32 to vector<16xf32>
      %parallel_loop3A_205 = arith.mulf %parallel_loop3A_204, %parallel_loop3A_187 : vector<16xf32>
      %parallel_loop3A_206 = arith.constant -0.393535793 : f32
      %parallel_loop3A_207 = vector.broadcast %parallel_loop3A_206 : f32 to vector<16xf32>
      %parallel_loop3A_208 = arith.addf %parallel_loop3A_205, %parallel_loop3A_207 : vector<16xf32>
      %parallel_loop3A_209 = arith.mulf %parallel_loop3A_208, %parallel_loop3A_187 : vector<16xf32>
      %parallel_loop3A_210 = arith.constant 0.979753434 : f32
      %parallel_loop3A_211 = vector.broadcast %parallel_loop3A_210 : f32 to vector<16xf32>
      %parallel_loop3A_212 = arith.addf %parallel_loop3A_209, %parallel_loop3A_211 : vector<16xf32>
      %parallel_loop3A_213 = arith.mulf %parallel_loop3A_212, %parallel_loop3A_187 : vector<16xf32>
      %parallel_loop3A_214 = arith.constant 9.25032131E-4 : f32
      %parallel_loop3A_215 = vector.broadcast %parallel_loop3A_214 : f32 to vector<16xf32>
      %parallel_loop3A_216 = arith.addf %parallel_loop3A_213, %parallel_loop3A_215 : vector<16xf32>
      %parallel_loop3A_217 = arith.constant 0.000000e+00 : f32
      %parallel_loop3A_218 = vector.broadcast %parallel_loop3A_217 : f32 to vector<16xf32>
      %parallel_loop3A_219 = arith.select %parallel_loop3A_191, %parallel_loop3A_183, %parallel_loop3A_218 : vector<16xi1>, vector<16xf32>
      %parallel_loop3A_220 = arith.addf %parallel_loop3A_219, %parallel_loop3A_216 : vector<16xf32>
      tpu.vector_store_idx %arg9[%parallel_loop3A_202, %iota3A], %broadcast_in_dim3A_86 {add = true} : memref<10x16xf32, #tpu.memory_space<vmem>>[vector<16xi32>, vector<16xi32>], vector<16xf32>,
      tpu.vector_store_idx %arg10[%parallel_loop3A_202, %iota3A], %parallel_loop3A_220 {add = true} : memref<10x16xf32, #tpu.memory_space<vmem>>[vector<16xi32>, vector<16xi32>], vector<16xf32>,
      %parallel_loop3A_221 = arith.constant dense<true> : vector<16xi1>
      %parallel_loop3A_222 = arith.xori %parallel_loop3A_182, %parallel_loop3A_221 : vector<16xi1>
      %parallel_loop3A_223 = math.absf %parallel_loop3A_175 : vector<16xf32>
      %parallel_loop3A_224 = arith.constant 0.000000e+00 : f32
      %parallel_loop3A_225 = vector.broadcast %parallel_loop3A_224 : f32 to vector<16xf32>
      %parallel_loop3A_226 = arith.subf %parallel_loop3A_225, %parallel_loop3A_223 : vector<16xf32>
      %parallel_loop3A_227 = math.exp %parallel_loop3A_226 : vector<16xf32>
      %parallel_loop3A_228 = arith.constant 0.000000e+00 : f32
      %parallel_loop3A_229 = vector.broadcast %parallel_loop3A_228 : f32 to vector<16xf32>
      %parallel_loop3A_230 = arith.cmpf oge, %parallel_loop3A_175, %parallel_loop3A_229 : vector<16xf32>
      %parallel_loop3A_231 = arith.xori %parallel_loop3A_230, %parallel_loop3A_222 : vector<16xi1>
      %parallel_loop3A_232 = arith.constant 1.000000e+00 : f32
      %parallel_loop3A_233 = vector.broadcast %parallel_loop3A_232 : f32 to vector<16xf32>
      %parallel_loop3A_234 = arith.addf %parallel_loop3A_233, %parallel_loop3A_227 : vector<16xf32>
      %parallel_loop3A_235 = arith.constant 9.99989986 : f32
      %parallel_loop3A_236 = vector.broadcast %parallel_loop3A_235 : f32 to vector<16xf32>
      %parallel_loop3A_237 = arith.divf %parallel_loop3A_236, %parallel_loop3A_234 : vector<16xf32>
      %parallel_loop3A_238 = arith.constant 9.99989986 : f32
      %parallel_loop3A_239 = vector.broadcast %parallel_loop3A_238 : f32 to vector<16xf32>
      %parallel_loop3A_240 = arith.subf %parallel_loop3A_239, %parallel_loop3A_237 : vector<16xf32>
      %parallel_loop3A_241 = arith.select %parallel_loop3A_231, %parallel_loop3A_237, %parallel_loop3A_240 : vector<16xi1>, vector<16xf32>
      %parallel_loop3A_242 = arith.fptosi %parallel_loop3A_241 : vector<16xf32> to vector<16xi32>
      %parallel_loop3A_243 = arith.constant 0.106684729 : f32
      %parallel_loop3A_244 = vector.broadcast %parallel_loop3A_243 : f32 to vector<16xf32>
      %parallel_loop3A_245 = arith.mulf %parallel_loop3A_244, %parallel_loop3A_227 : vector<16xf32>
      %parallel_loop3A_246 = arith.constant -0.393535793 : f32
      %parallel_loop3A_247 = vector.broadcast %parallel_loop3A_246 : f32 to vector<16xf32>
      %parallel_loop3A_248 = arith.addf %parallel_loop3A_245, %parallel_loop3A_247 : vector<16xf32>
      %parallel_loop3A_249 = arith.mulf %parallel_loop3A_248, %parallel_loop3A_227 : vector<16xf32>
      %parallel_loop3A_250 = arith.constant 0.979753434 : f32
      %parallel_loop3A_251 = vector.broadcast %parallel_loop3A_250 : f32 to vector<16xf32>
      %parallel_loop3A_252 = arith.addf %parallel_loop3A_249, %parallel_loop3A_251 : vector<16xf32>
      %parallel_loop3A_253 = arith.mulf %parallel_loop3A_252, %parallel_loop3A_227 : vector<16xf32>
      %parallel_loop3A_254 = arith.constant 9.25032131E-4 : f32
      %parallel_loop3A_255 = vector.broadcast %parallel_loop3A_254 : f32 to vector<16xf32>
      %parallel_loop3A_256 = arith.addf %parallel_loop3A_253, %parallel_loop3A_255 : vector<16xf32>
      %parallel_loop3A_257 = arith.constant 0.000000e+00 : f32
      %parallel_loop3A_258 = vector.broadcast %parallel_loop3A_257 : f32 to vector<16xf32>
      %parallel_loop3A_259 = arith.select %parallel_loop3A_231, %parallel_loop3A_223, %parallel_loop3A_258 : vector<16xi1>, vector<16xf32>
      %parallel_loop3A_260 = arith.addf %parallel_loop3A_259, %parallel_loop3A_256 : vector<16xf32>
      tpu.vector_store_idx %arg9[%parallel_loop3A_242, %iota3A], %broadcast_in_dim3A_86 {add = true} : memref<10x16xf32, #tpu.memory_space<vmem>>[vector<16xi32>, vector<16xi32>], vector<16xf32>,
      tpu.vector_store_idx %arg10[%parallel_loop3A_242, %iota3A], %parallel_loop3A_260 {add = true} : memref<10x16xf32, #tpu.memory_space<vmem>>[vector<16xi32>, vector<16xi32>], vector<16xf32>,
    } {sc.loop_unroll_factor = 4 : i64, sc.parallel_access}
    %add3A_107 = arith.constant 65536 : i32
    %add3A_108 = arith.addi %mul3A_2, %add3A_107 : i32
    %dma_start3A_109 = tpu.memref_slice %arg2[%add3A_108] : memref<8388608xf32, #tpu.memory_space<hbm>> -> memref<32768xf32, #tpu.memory_space<hbm>>
    %dma_start3A_110 = tpu.memref_slice %arg2[%add3A_108] : memref<8388608xf32, #tpu.memory_space<hbm>> -> memref<32768xf32, #tpu.memory_space<hbm>>
    tpu.enqueue_dma source(%dma_start3A_110 : memref<32768xf32, #tpu.memory_space<hbm>>) target(%arg5 : memref<32768xf32, #tpu.memory_space<vmem>>) target_semaphore(%arg11 : memref<!tpu.dma_semaphore, #tpu.memory_space<semaphore_mem>>)
    %add3A_111 = arith.constant 32768 : i32
    %add3A_112 = arith.addi %mul3A_4, %add3A_111 : i32
    %dma_start3A_113 = tpu.memref_slice %arg3[%add3A_112] : memref<4194304xi32, #tpu.memory_space<hbm>> -> memref<16384xi32, #tpu.memory_space<hbm>>
    %dma_start3A_114 = tpu.memref_slice %arg3[%add3A_112] : memref<4194304xi32, #tpu.memory_space<hbm>> -> memref<16384xi32, #tpu.memory_space<hbm>>
    tpu.enqueue_dma source(%dma_start3A_114 : memref<16384xi32, #tpu.memory_space<hbm>>) target(%arg7 : memref<16384xi32, #tpu.memory_space<vmem>>) target_semaphore(%arg13 : memref<!tpu.dma_semaphore, #tpu.memory_space<semaphore_mem>>)
    %dma_wait3A_115 = tpu.memref_slice %arg2[%add3A_95] : memref<8388608xf32, #tpu.memory_space<hbm>> -> memref<32768xf32, #tpu.memory_space<hbm>>
    %dma_wait3A_116 = tpu.memref_slice %arg2[%add3A_95] : memref<8388608xf32, #tpu.memory_space<hbm>> -> memref<32768xf32, #tpu.memory_space<hbm>>
    tpu.wait_dma2 semaphore(%arg12 : memref<!tpu.dma_semaphore, #tpu.memory_space<semaphore_mem>>) src(%dma_wait3A_116 : memref<32768xf32, #tpu.memory_space<hbm>>) dst(%arg6 : memref<32768xf32, #tpu.memory_space<vmem>>)
    %dma_wait3A_117 = tpu.memref_slice %arg3[%add3A_99] : memref<4194304xi32, #tpu.memory_space<hbm>> -> memref<16384xi32, #tpu.memory_space<hbm>>
    %dma_wait3A_118 = tpu.memref_slice %arg3[%add3A_99] : memref<4194304xi32, #tpu.memory_space<hbm>> -> memref<16384xi32, #tpu.memory_space<hbm>>
    tpu.wait_dma2 semaphore(%arg14 : memref<!tpu.dma_semaphore, #tpu.memory_space<semaphore_mem>>) src(%dma_wait3A_118 : memref<16384xi32, #tpu.memory_space<hbm>>) dst(%arg8 : memref<16384xi32, #tpu.memory_space<vmem>>)
    %parallel_loop3A_119 = arith.constant 0 : i32
    %parallel_loop3A_120 = arith.constant 1024 : i32
    %parallel_loop3A_121 = arith.constant 1 : i32
    scf.for %parallel_loop3A_160 = %parallel_loop3A_119 to %parallel_loop3A_120 step %parallel_loop3A_121  : i32 {
      %parallel_loop3A_161 = arith.constant 3 : i32
      %parallel_loop3A_162 = arith.shrui %parallel_loop3A_160, %parallel_loop3A_161 : i32
      %parallel_loop3A_163 = arith.constant 7 : i32
      %parallel_loop3A_164 = arith.andi %parallel_loop3A_160, %parallel_loop3A_163 : i32
      %parallel_loop3A_165 = arith.constant 256 : i32
      %parallel_loop3A_166 = arith.muli %parallel_loop3A_162, %parallel_loop3A_165 : i32
      %parallel_loop3A_167 = arith.constant 16 : i32
      %parallel_loop3A_168 = arith.muli %parallel_loop3A_164, %parallel_loop3A_167 : i32
      %parallel_loop3A_169 = arith.addi %parallel_loop3A_166, %parallel_loop3A_168 : i32
      %parallel_loop3A_170 = arith.index_cast %parallel_loop3A_169 : i32 to index
      %parallel_loop3A_171 = tpu.vector_load %arg6[%parallel_loop3A_170] {strides = array<i32>} : memref<32768xf32, #tpu.memory_space<vmem>>, vector<16xf32>,
      %parallel_loop3A_172 = arith.constant 128 : i32
      %parallel_loop3A_173 = arith.addi %parallel_loop3A_169, %parallel_loop3A_172 : i32
      %parallel_loop3A_174 = arith.index_cast %parallel_loop3A_173 : i32 to index
      %parallel_loop3A_175 = tpu.vector_load %arg6[%parallel_loop3A_174] {strides = array<i32>} : memref<32768xf32, #tpu.memory_space<vmem>>, vector<16xf32>,
      %parallel_loop3A_176 = arith.constant 16 : i32
      %parallel_loop3A_177 = arith.muli %parallel_loop3A_160, %parallel_loop3A_176 : i32
      %parallel_loop3A_178 = arith.index_cast %parallel_loop3A_177 : i32 to index
      %parallel_loop3A_179 = tpu.vector_load %arg8[%parallel_loop3A_178] {strides = array<i32>} : memref<16384xi32, #tpu.memory_space<vmem>>, vector<16xi32>,
      %parallel_loop3A_180 = arith.constant 0 : i32
      %parallel_loop3A_181 = vector.broadcast %parallel_loop3A_180 : i32 to vector<16xi32>
      %parallel_loop3A_182 = arith.cmpi eq, %parallel_loop3A_179, %parallel_loop3A_181 : vector<16xi32>
      %parallel_loop3A_183 = math.absf %parallel_loop3A_171 : vector<16xf32>
      %parallel_loop3A_184 = arith.constant 0.000000e+00 : f32
      %parallel_loop3A_185 = vector.broadcast %parallel_loop3A_184 : f32 to vector<16xf32>
      %parallel_loop3A_186 = arith.subf %parallel_loop3A_185, %parallel_loop3A_183 : vector<16xf32>
      %parallel_loop3A_187 = math.exp %parallel_loop3A_186 : vector<16xf32>
      %parallel_loop3A_188 = arith.constant 0.000000e+00 : f32
      %parallel_loop3A_189 = vector.broadcast %parallel_loop3A_188 : f32 to vector<16xf32>
      %parallel_loop3A_190 = arith.cmpf oge, %parallel_loop3A_171, %parallel_loop3A_189 : vector<16xf32>
      %parallel_loop3A_191 = arith.xori %parallel_loop3A_190, %parallel_loop3A_182 : vector<16xi1>
      %parallel_loop3A_192 = arith.constant 1.000000e+00 : f32
      %parallel_loop3A_193 = vector.broadcast %parallel_loop3A_192 : f32 to vector<16xf32>
      %parallel_loop3A_194 = arith.addf %parallel_loop3A_193, %parallel_loop3A_187 : vector<16xf32>
      %parallel_loop3A_195 = arith.constant 9.99989986 : f32
      %parallel_loop3A_196 = vector.broadcast %parallel_loop3A_195 : f32 to vector<16xf32>
      %parallel_loop3A_197 = arith.divf %parallel_loop3A_196, %parallel_loop3A_194 : vector<16xf32>
      %parallel_loop3A_198 = arith.constant 9.99989986 : f32
      %parallel_loop3A_199 = vector.broadcast %parallel_loop3A_198 : f32 to vector<16xf32>
      %parallel_loop3A_200 = arith.subf %parallel_loop3A_199, %parallel_loop3A_197 : vector<16xf32>
      %parallel_loop3A_201 = arith.select %parallel_loop3A_191, %parallel_loop3A_197, %parallel_loop3A_200 : vector<16xi1>, vector<16xf32>
      %parallel_loop3A_202 = arith.fptosi %parallel_loop3A_201 : vector<16xf32> to vector<16xi32>
      %parallel_loop3A_203 = arith.constant 0.106684729 : f32
      %parallel_loop3A_204 = vector.broadcast %parallel_loop3A_203 : f32 to vector<16xf32>
      %parallel_loop3A_205 = arith.mulf %parallel_loop3A_204, %parallel_loop3A_187 : vector<16xf32>
      %parallel_loop3A_206 = arith.constant -0.393535793 : f32
      %parallel_loop3A_207 = vector.broadcast %parallel_loop3A_206 : f32 to vector<16xf32>
      %parallel_loop3A_208 = arith.addf %parallel_loop3A_205, %parallel_loop3A_207 : vector<16xf32>
      %parallel_loop3A_209 = arith.mulf %parallel_loop3A_208, %parallel_loop3A_187 : vector<16xf32>
      %parallel_loop3A_210 = arith.constant 0.979753434 : f32
      %parallel_loop3A_211 = vector.broadcast %parallel_loop3A_210 : f32 to vector<16xf32>
      %parallel_loop3A_212 = arith.addf %parallel_loop3A_209, %parallel_loop3A_211 : vector<16xf32>
      %parallel_loop3A_213 = arith.mulf %parallel_loop3A_212, %parallel_loop3A_187 : vector<16xf32>
      %parallel_loop3A_214 = arith.constant 9.25032131E-4 : f32
      %parallel_loop3A_215 = vector.broadcast %parallel_loop3A_214 : f32 to vector<16xf32>
      %parallel_loop3A_216 = arith.addf %parallel_loop3A_213, %parallel_loop3A_215 : vector<16xf32>
      %parallel_loop3A_217 = arith.constant 0.000000e+00 : f32
      %parallel_loop3A_218 = vector.broadcast %parallel_loop3A_217 : f32 to vector<16xf32>
      %parallel_loop3A_219 = arith.select %parallel_loop3A_191, %parallel_loop3A_183, %parallel_loop3A_218 : vector<16xi1>, vector<16xf32>
      %parallel_loop3A_220 = arith.addf %parallel_loop3A_219, %parallel_loop3A_216 : vector<16xf32>
      tpu.vector_store_idx %arg9[%parallel_loop3A_202, %iota3A], %broadcast_in_dim3A_86 {add = true} : memref<10x16xf32, #tpu.memory_space<vmem>>[vector<16xi32>, vector<16xi32>], vector<16xf32>,
      tpu.vector_store_idx %arg10[%parallel_loop3A_202, %iota3A], %parallel_loop3A_220 {add = true} : memref<10x16xf32, #tpu.memory_space<vmem>>[vector<16xi32>, vector<16xi32>], vector<16xf32>,
      %parallel_loop3A_221 = arith.constant dense<true> : vector<16xi1>
      %parallel_loop3A_222 = arith.xori %parallel_loop3A_182, %parallel_loop3A_221 : vector<16xi1>
      %parallel_loop3A_223 = math.absf %parallel_loop3A_175 : vector<16xf32>
      %parallel_loop3A_224 = arith.constant 0.000000e+00 : f32
      %parallel_loop3A_225 = vector.broadcast %parallel_loop3A_224 : f32 to vector<16xf32>
      %parallel_loop3A_226 = arith.subf %parallel_loop3A_225, %parallel_loop3A_223 : vector<16xf32>
      %parallel_loop3A_227 = math.exp %parallel_loop3A_226 : vector<16xf32>
      %parallel_loop3A_228 = arith.constant 0.000000e+00 : f32
      %parallel_loop3A_229 = vector.broadcast %parallel_loop3A_228 : f32 to vector<16xf32>
      %parallel_loop3A_230 = arith.cmpf oge, %parallel_loop3A_175, %parallel_loop3A_229 : vector<16xf32>
      %parallel_loop3A_231 = arith.xori %parallel_loop3A_230, %parallel_loop3A_222 : vector<16xi1>
      %parallel_loop3A_232 = arith.constant 1.000000e+00 : f32
      %parallel_loop3A_233 = vector.broadcast %parallel_loop3A_232 : f32 to vector<16xf32>
      %parallel_loop3A_234 = arith.addf %parallel_loop3A_233, %parallel_loop3A_227 : vector<16xf32>
      %parallel_loop3A_235 = arith.constant 9.99989986 : f32
      %parallel_loop3A_236 = vector.broadcast %parallel_loop3A_235 : f32 to vector<16xf32>
      %parallel_loop3A_237 = arith.divf %parallel_loop3A_236, %parallel_loop3A_234 : vector<16xf32>
      %parallel_loop3A_238 = arith.constant 9.99989986 : f32
      %parallel_loop3A_239 = vector.broadcast %parallel_loop3A_238 : f32 to vector<16xf32>
      %parallel_loop3A_240 = arith.subf %parallel_loop3A_239, %parallel_loop3A_237 : vector<16xf32>
      %parallel_loop3A_241 = arith.select %parallel_loop3A_231, %parallel_loop3A_237, %parallel_loop3A_240 : vector<16xi1>, vector<16xf32>
      %parallel_loop3A_242 = arith.fptosi %parallel_loop3A_241 : vector<16xf32> to vector<16xi32>
      %parallel_loop3A_243 = arith.constant 0.106684729 : f32
      %parallel_loop3A_244 = vector.broadcast %parallel_loop3A_243 : f32 to vector<16xf32>
      %parallel_loop3A_245 = arith.mulf %parallel_loop3A_244, %parallel_loop3A_227 : vector<16xf32>
      %parallel_loop3A_246 = arith.constant -0.393535793 : f32
      %parallel_loop3A_247 = vector.broadcast %parallel_loop3A_246 : f32 to vector<16xf32>
      %parallel_loop3A_248 = arith.addf %parallel_loop3A_245, %parallel_loop3A_247 : vector<16xf32>
      %parallel_loop3A_249 = arith.mulf %parallel_loop3A_248, %parallel_loop3A_227 : vector<16xf32>
      %parallel_loop3A_250 = arith.constant 0.979753434 : f32
      %parallel_loop3A_251 = vector.broadcast %parallel_loop3A_250 : f32 to vector<16xf32>
      %parallel_loop3A_252 = arith.addf %parallel_loop3A_249, %parallel_loop3A_251 : vector<16xf32>
      %parallel_loop3A_253 = arith.mulf %parallel_loop3A_252, %parallel_loop3A_227 : vector<16xf32>
      %parallel_loop3A_254 = arith.constant 9.25032131E-4 : f32
      %parallel_loop3A_255 = vector.broadcast %parallel_loop3A_254 : f32 to vector<16xf32>
      %parallel_loop3A_256 = arith.addf %parallel_loop3A_253, %parallel_loop3A_255 : vector<16xf32>
      %parallel_loop3A_257 = arith.constant 0.000000e+00 : f32
      %parallel_loop3A_258 = vector.broadcast %parallel_loop3A_257 : f32 to vector<16xf32>
      %parallel_loop3A_259 = arith.select %parallel_loop3A_231, %parallel_loop3A_223, %parallel_loop3A_258 : vector<16xi1>, vector<16xf32>
      %parallel_loop3A_260 = arith.addf %parallel_loop3A_259, %parallel_loop3A_256 : vector<16xf32>
      tpu.vector_store_idx %arg9[%parallel_loop3A_242, %iota3A], %broadcast_in_dim3A_86 {add = true} : memref<10x16xf32, #tpu.memory_space<vmem>>[vector<16xi32>, vector<16xi32>], vector<16xf32>,
      tpu.vector_store_idx %arg10[%parallel_loop3A_242, %iota3A], %parallel_loop3A_260 {add = true} : memref<10x16xf32, #tpu.memory_space<vmem>>[vector<16xi32>, vector<16xi32>], vector<16xf32>,
    } {sc.loop_unroll_factor = 4 : i64, sc.parallel_access}
    %add3A_122 = arith.constant 98304 : i32
    %add3A_123 = arith.addi %mul3A_2, %add3A_122 : i32
    %dma_start3A_124 = tpu.memref_slice %arg2[%add3A_123] : memref<8388608xf32, #tpu.memory_space<hbm>> -> memref<32768xf32, #tpu.memory_space<hbm>>
    %dma_start3A_125 = tpu.memref_slice %arg2[%add3A_123] : memref<8388608xf32, #tpu.memory_space<hbm>> -> memref<32768xf32, #tpu.memory_space<hbm>>
    tpu.enqueue_dma source(%dma_start3A_125 : memref<32768xf32, #tpu.memory_space<hbm>>) target(%arg6 : memref<32768xf32, #tpu.memory_space<vmem>>) target_semaphore(%arg12 : memref<!tpu.dma_semaphore, #tpu.memory_space<semaphore_mem>>)
    %add3A_126 = arith.constant 49152 : i32
    %add3A_127 = arith.addi %mul3A_4, %add3A_126 : i32
    %dma_start3A_128 = tpu.memref_slice %arg3[%add3A_127] : memref<4194304xi32, #tpu.memory_space<hbm>> -> memref<16384xi32, #tpu.memory_space<hbm>>
    %dma_start3A_129 = tpu.memref_slice %arg3[%add3A_127] : memref<4194304xi32, #tpu.memory_space<hbm>> -> memref<16384xi32, #tpu.memory_space<hbm>>
    tpu.enqueue_dma source(%dma_start3A_129 : memref<16384xi32, #tpu.memory_space<hbm>>) target(%arg8 : memref<16384xi32, #tpu.memory_space<vmem>>) target_semaphore(%arg14 : memref<!tpu.dma_semaphore, #tpu.memory_space<semaphore_mem>>)
    %dma_wait3A_130 = tpu.memref_slice %arg2[%add3A_108] : memref<8388608xf32, #tpu.memory_space<hbm>> -> memref<32768xf32, #tpu.memory_space<hbm>>
    %dma_wait3A_131 = tpu.memref_slice %arg2[%add3A_108] : memref<8388608xf32, #tpu.memory_space<hbm>> -> memref<32768xf32, #tpu.memory_space<hbm>>
    tpu.wait_dma2 semaphore(%arg11 : memref<!tpu.dma_semaphore, #tpu.memory_space<semaphore_mem>>) src(%dma_wait3A_131 : memref<32768xf32, #tpu.memory_space<hbm>>) dst(%arg5 : memref<32768xf32, #tpu.memory_space<vmem>>)
    %dma_wait3A_132 = tpu.memref_slice %arg3[%add3A_112] : memref<4194304xi32, #tpu.memory_space<hbm>> -> memref<16384xi32, #tpu.memory_space<hbm>>
    %dma_wait3A_133 = tpu.memref_slice %arg3[%add3A_112] : memref<4194304xi32, #tpu.memory_space<hbm>> -> memref<16384xi32, #tpu.memory_space<hbm>>
    tpu.wait_dma2 semaphore(%arg13 : memref<!tpu.dma_semaphore, #tpu.memory_space<semaphore_mem>>) src(%dma_wait3A_133 : memref<16384xi32, #tpu.memory_space<hbm>>) dst(%arg7 : memref<16384xi32, #tpu.memory_space<vmem>>)
    %parallel_loop3A_134 = arith.constant 0 : i32
    %parallel_loop3A_135 = arith.constant 1024 : i32
    %parallel_loop3A_136 = arith.constant 1 : i32
    scf.for %parallel_loop3A_160 = %parallel_loop3A_134 to %parallel_loop3A_135 step %parallel_loop3A_136  : i32 {
      %parallel_loop3A_161 = arith.constant 3 : i32
      %parallel_loop3A_162 = arith.shrui %parallel_loop3A_160, %parallel_loop3A_161 : i32
      %parallel_loop3A_163 = arith.constant 7 : i32
      %parallel_loop3A_164 = arith.andi %parallel_loop3A_160, %parallel_loop3A_163 : i32
      %parallel_loop3A_165 = arith.constant 256 : i32
      %parallel_loop3A_166 = arith.muli %parallel_loop3A_162, %parallel_loop3A_165 : i32
      %parallel_loop3A_167 = arith.constant 16 : i32
      %parallel_loop3A_168 = arith.muli %parallel_loop3A_164, %parallel_loop3A_167 : i32
      %parallel_loop3A_169 = arith.addi %parallel_loop3A_166, %parallel_loop3A_168 : i32
      %parallel_loop3A_170 = arith.index_cast %parallel_loop3A_169 : i32 to index
      %parallel_loop3A_171 = tpu.vector_load %arg5[%parallel_loop3A_170] {strides = array<i32>} : memref<32768xf32, #tpu.memory_space<vmem>>, vector<16xf32>,
      %parallel_loop3A_172 = arith.constant 128 : i32
      %parallel_loop3A_173 = arith.addi %parallel_loop3A_169, %parallel_loop3A_172 : i32
      %parallel_loop3A_174 = arith.index_cast %parallel_loop3A_173 : i32 to index
      %parallel_loop3A_175 = tpu.vector_load %arg5[%parallel_loop3A_174] {strides = array<i32>} : memref<32768xf32, #tpu.memory_space<vmem>>, vector<16xf32>,
      %parallel_loop3A_176 = arith.constant 16 : i32
      %parallel_loop3A_177 = arith.muli %parallel_loop3A_160, %parallel_loop3A_176 : i32
      %parallel_loop3A_178 = arith.index_cast %parallel_loop3A_177 : i32 to index
      %parallel_loop3A_179 = tpu.vector_load %arg7[%parallel_loop3A_178] {strides = array<i32>} : memref<16384xi32, #tpu.memory_space<vmem>>, vector<16xi32>,
      %parallel_loop3A_180 = arith.constant 0 : i32
      %parallel_loop3A_181 = vector.broadcast %parallel_loop3A_180 : i32 to vector<16xi32>
      %parallel_loop3A_182 = arith.cmpi eq, %parallel_loop3A_179, %parallel_loop3A_181 : vector<16xi32>
      %parallel_loop3A_183 = math.absf %parallel_loop3A_171 : vector<16xf32>
      %parallel_loop3A_184 = arith.constant 0.000000e+00 : f32
      %parallel_loop3A_185 = vector.broadcast %parallel_loop3A_184 : f32 to vector<16xf32>
      %parallel_loop3A_186 = arith.subf %parallel_loop3A_185, %parallel_loop3A_183 : vector<16xf32>
      %parallel_loop3A_187 = math.exp %parallel_loop3A_186 : vector<16xf32>
      %parallel_loop3A_188 = arith.constant 0.000000e+00 : f32
      %parallel_loop3A_189 = vector.broadcast %parallel_loop3A_188 : f32 to vector<16xf32>
      %parallel_loop3A_190 = arith.cmpf oge, %parallel_loop3A_171, %parallel_loop3A_189 : vector<16xf32>
      %parallel_loop3A_191 = arith.xori %parallel_loop3A_190, %parallel_loop3A_182 : vector<16xi1>
      %parallel_loop3A_192 = arith.constant 1.000000e+00 : f32
      %parallel_loop3A_193 = vector.broadcast %parallel_loop3A_192 : f32 to vector<16xf32>
      %parallel_loop3A_194 = arith.addf %parallel_loop3A_193, %parallel_loop3A_187 : vector<16xf32>
      %parallel_loop3A_195 = arith.constant 9.99989986 : f32
      %parallel_loop3A_196 = vector.broadcast %parallel_loop3A_195 : f32 to vector<16xf32>
      %parallel_loop3A_197 = arith.divf %parallel_loop3A_196, %parallel_loop3A_194 : vector<16xf32>
      %parallel_loop3A_198 = arith.constant 9.99989986 : f32
      %parallel_loop3A_199 = vector.broadcast %parallel_loop3A_198 : f32 to vector<16xf32>
      %parallel_loop3A_200 = arith.subf %parallel_loop3A_199, %parallel_loop3A_197 : vector<16xf32>
      %parallel_loop3A_201 = arith.select %parallel_loop3A_191, %parallel_loop3A_197, %parallel_loop3A_200 : vector<16xi1>, vector<16xf32>
      %parallel_loop3A_202 = arith.fptosi %parallel_loop3A_201 : vector<16xf32> to vector<16xi32>
      %parallel_loop3A_203 = arith.constant 0.106684729 : f32
      %parallel_loop3A_204 = vector.broadcast %parallel_loop3A_203 : f32 to vector<16xf32>
      %parallel_loop3A_205 = arith.mulf %parallel_loop3A_204, %parallel_loop3A_187 : vector<16xf32>
      %parallel_loop3A_206 = arith.constant -0.393535793 : f32
      %parallel_loop3A_207 = vector.broadcast %parallel_loop3A_206 : f32 to vector<16xf32>
      %parallel_loop3A_208 = arith.addf %parallel_loop3A_205, %parallel_loop3A_207 : vector<16xf32>
      %parallel_loop3A_209 = arith.mulf %parallel_loop3A_208, %parallel_loop3A_187 : vector<16xf32>
      %parallel_loop3A_210 = arith.constant 0.979753434 : f32
      %parallel_loop3A_211 = vector.broadcast %parallel_loop3A_210 : f32 to vector<16xf32>
      %parallel_loop3A_212 = arith.addf %parallel_loop3A_209, %parallel_loop3A_211 : vector<16xf32>
      %parallel_loop3A_213 = arith.mulf %parallel_loop3A_212, %parallel_loop3A_187 : vector<16xf32>
      %parallel_loop3A_214 = arith.constant 9.25032131E-4 : f32
      %parallel_loop3A_215 = vector.broadcast %parallel_loop3A_214 : f32 to vector<16xf32>
      %parallel_loop3A_216 = arith.addf %parallel_loop3A_213, %parallel_loop3A_215 : vector<16xf32>
      %parallel_loop3A_217 = arith.constant 0.000000e+00 : f32
      %parallel_loop3A_218 = vector.broadcast %parallel_loop3A_217 : f32 to vector<16xf32>
      %parallel_loop3A_219 = arith.select %parallel_loop3A_191, %parallel_loop3A_183, %parallel_loop3A_218 : vector<16xi1>, vector<16xf32>
      %parallel_loop3A_220 = arith.addf %parallel_loop3A_219, %parallel_loop3A_216 : vector<16xf32>
      tpu.vector_store_idx %arg9[%parallel_loop3A_202, %iota3A], %broadcast_in_dim3A_86 {add = true} : memref<10x16xf32, #tpu.memory_space<vmem>>[vector<16xi32>, vector<16xi32>], vector<16xf32>,
      tpu.vector_store_idx %arg10[%parallel_loop3A_202, %iota3A], %parallel_loop3A_220 {add = true} : memref<10x16xf32, #tpu.memory_space<vmem>>[vector<16xi32>, vector<16xi32>], vector<16xf32>,
      %parallel_loop3A_221 = arith.constant dense<true> : vector<16xi1>
      %parallel_loop3A_222 = arith.xori %parallel_loop3A_182, %parallel_loop3A_221 : vector<16xi1>
      %parallel_loop3A_223 = math.absf %parallel_loop3A_175 : vector<16xf32>
      %parallel_loop3A_224 = arith.constant 0.000000e+00 : f32
      %parallel_loop3A_225 = vector.broadcast %parallel_loop3A_224 : f32 to vector<16xf32>
      %parallel_loop3A_226 = arith.subf %parallel_loop3A_225, %parallel_loop3A_223 : vector<16xf32>
      %parallel_loop3A_227 = math.exp %parallel_loop3A_226 : vector<16xf32>
      %parallel_loop3A_228 = arith.constant 0.000000e+00 : f32
      %parallel_loop3A_229 = vector.broadcast %parallel_loop3A_228 : f32 to vector<16xf32>
      %parallel_loop3A_230 = arith.cmpf oge, %parallel_loop3A_175, %parallel_loop3A_229 : vector<16xf32>
      %parallel_loop3A_231 = arith.xori %parallel_loop3A_230, %parallel_loop3A_222 : vector<16xi1>
      %parallel_loop3A_232 = arith.constant 1.000000e+00 : f32
      %parallel_loop3A_233 = vector.broadcast %parallel_loop3A_232 : f32 to vector<16xf32>
      %parallel_loop3A_234 = arith.addf %parallel_loop3A_233, %parallel_loop3A_227 : vector<16xf32>
      %parallel_loop3A_235 = arith.constant 9.99989986 : f32
      %parallel_loop3A_236 = vector.broadcast %parallel_loop3A_235 : f32 to vector<16xf32>
      %parallel_loop3A_237 = arith.divf %parallel_loop3A_236, %parallel_loop3A_234 : vector<16xf32>
      %parallel_loop3A_238 = arith.constant 9.99989986 : f32
      %parallel_loop3A_239 = vector.broadcast %parallel_loop3A_238 : f32 to vector<16xf32>
      %parallel_loop3A_240 = arith.subf %parallel_loop3A_239, %parallel_loop3A_237 : vector<16xf32>
      %parallel_loop3A_241 = arith.select %parallel_loop3A_231, %parallel_loop3A_237, %parallel_loop3A_240 : vector<16xi1>, vector<16xf32>
      %parallel_loop3A_242 = arith.fptosi %parallel_loop3A_241 : vector<16xf32> to vector<16xi32>
      %parallel_loop3A_243 = arith.constant 0.106684729 : f32
      %parallel_loop3A_244 = vector.broadcast %parallel_loop3A_243 : f32 to vector<16xf32>
      %parallel_loop3A_245 = arith.mulf %parallel_loop3A_244, %parallel_loop3A_227 : vector<16xf32>
      %parallel_loop3A_246 = arith.constant -0.393535793 : f32
      %parallel_loop3A_247 = vector.broadcast %parallel_loop3A_246 : f32 to vector<16xf32>
      %parallel_loop3A_248 = arith.addf %parallel_loop3A_245, %parallel_loop3A_247 : vector<16xf32>
      %parallel_loop3A_249 = arith.mulf %parallel_loop3A_248, %parallel_loop3A_227 : vector<16xf32>
      %parallel_loop3A_250 = arith.constant 0.979753434 : f32
      %parallel_loop3A_251 = vector.broadcast %parallel_loop3A_250 : f32 to vector<16xf32>
      %parallel_loop3A_252 = arith.addf %parallel_loop3A_249, %parallel_loop3A_251 : vector<16xf32>
      %parallel_loop3A_253 = arith.mulf %parallel_loop3A_252, %parallel_loop3A_227 : vector<16xf32>
      %parallel_loop3A_254 = arith.constant 9.25032131E-4 : f32
      %parallel_loop3A_255 = vector.broadcast %parallel_loop3A_254 : f32 to vector<16xf32>
      %parallel_loop3A_256 = arith.addf %parallel_loop3A_253, %parallel_loop3A_255 : vector<16xf32>
      %parallel_loop3A_257 = arith.constant 0.000000e+00 : f32
      %parallel_loop3A_258 = vector.broadcast %parallel_loop3A_257 : f32 to vector<16xf32>
      %parallel_loop3A_259 = arith.select %parallel_loop3A_231, %parallel_loop3A_223, %parallel_loop3A_258 : vector<16xi1>, vector<16xf32>
      %parallel_loop3A_260 = arith.addf %parallel_loop3A_259, %parallel_loop3A_256 : vector<16xf32>
      tpu.vector_store_idx %arg9[%parallel_loop3A_242, %iota3A], %broadcast_in_dim3A_86 {add = true} : memref<10x16xf32, #tpu.memory_space<vmem>>[vector<16xi32>, vector<16xi32>], vector<16xf32>,
      tpu.vector_store_idx %arg10[%parallel_loop3A_242, %iota3A], %parallel_loop3A_260 {add = true} : memref<10x16xf32, #tpu.memory_space<vmem>>[vector<16xi32>, vector<16xi32>], vector<16xf32>,
    } {sc.loop_unroll_factor = 4 : i64, sc.parallel_access}
    %add3A_137 = arith.constant 131072 : i32
    %add3A_138 = arith.addi %mul3A_2, %add3A_137 : i32
    %dma_start3A_139 = tpu.memref_slice %arg2[%add3A_138] : memref<8388608xf32, #tpu.memory_space<hbm>> -> memref<32768xf32, #tpu.memory_space<hbm>>
    %dma_start3A_140 = tpu.memref_slice %arg2[%add3A_138] : memref<8388608xf32, #tpu.memory_space<hbm>> -> memref<32768xf32, #tpu.memory_space<hbm>>
    tpu.enqueue_dma source(%dma_start3A_140 : memref<32768xf32, #tpu.memory_space<hbm>>) target(%arg5 : memref<32768xf32, #tpu.memory_space<vmem>>) target_semaphore(%arg11 : memref<!tpu.dma_semaphore, #tpu.memory_space<semaphore_mem>>)
    %add3A_141 = arith.constant 65536 : i32
    %add3A_142 = arith.addi %mul3A_4, %add3A_141 : i32
    %dma_start3A_143 = tpu.memref_slice %arg3[%add3A_142] : memref<4194304xi32, #tpu.memory_space<hbm>> -> memref<16384xi32, #tpu.memory_space<hbm>>
    %dma_start3A_144 = tpu.memref_slice %arg3[%add3A_142] : memref<4194304xi32, #tpu.memory_space<hbm>> -> memref<16384xi32, #tpu.memory_space<hbm>>
    tpu.enqueue_dma source(%dma_start3A_144 : memref<16384xi32, #tpu.memory_space<hbm>>) target(%arg7 : memref<16384xi32, #tpu.memory_space<vmem>>) target_semaphore(%arg13 : memref<!tpu.dma_semaphore, #tpu.memory_space<semaphore_mem>>)
    %dma_wait3A_145 = tpu.memref_slice %arg2[%add3A_123] : memref<8388608xf32, #tpu.memory_space<hbm>> -> memref<32768xf32, #tpu.memory_space<hbm>>
    %dma_wait3A_146 = tpu.memref_slice %arg2[%add3A_123] : memref<8388608xf32, #tpu.memory_space<hbm>> -> memref<32768xf32, #tpu.memory_space<hbm>>
    tpu.wait_dma2 semaphore(%arg12 : memref<!tpu.dma_semaphore, #tpu.memory_space<semaphore_mem>>) src(%dma_wait3A_146 : memref<32768xf32, #tpu.memory_space<hbm>>) dst(%arg6 : memref<32768xf32, #tpu.memory_space<vmem>>)
    %dma_wait3A_147 = tpu.memref_slice %arg3[%add3A_127] : memref<4194304xi32, #tpu.memory_space<hbm>> -> memref<16384xi32, #tpu.memory_space<hbm>>
    %dma_wait3A_148 = tpu.memref_slice %arg3[%add3A_127] : memref<4194304xi32, #tpu.memory_space<hbm>> -> memref<16384xi32, #tpu.memory_space<hbm>>
    tpu.wait_dma2 semaphore(%arg14 : memref<!tpu.dma_semaphore, #tpu.memory_space<semaphore_mem>>) src(%dma_wait3A_148 : memref<16384xi32, #tpu.memory_space<hbm>>) dst(%arg8 : memref<16384xi32, #tpu.memory_space<vmem>>)
    %parallel_loop3A_149 = arith.constant 0 : i32
    %parallel_loop3A_150 = arith.constant 1024 : i32
    %parallel_loop3A_151 = arith.constant 1 : i32
    scf.for %parallel_loop3A_160 = %parallel_loop3A_149 to %parallel_loop3A_150 step %parallel_loop3A_151  : i32 {
      %parallel_loop3A_161 = arith.constant 3 : i32
      %parallel_loop3A_162 = arith.shrui %parallel_loop3A_160, %parallel_loop3A_161 : i32
      %parallel_loop3A_163 = arith.constant 7 : i32
      %parallel_loop3A_164 = arith.andi %parallel_loop3A_160, %parallel_loop3A_163 : i32
      %parallel_loop3A_165 = arith.constant 256 : i32
      %parallel_loop3A_166 = arith.muli %parallel_loop3A_162, %parallel_loop3A_165 : i32
      %parallel_loop3A_167 = arith.constant 16 : i32
      %parallel_loop3A_168 = arith.muli %parallel_loop3A_164, %parallel_loop3A_167 : i32
      %parallel_loop3A_169 = arith.addi %parallel_loop3A_166, %parallel_loop3A_168 : i32
      %parallel_loop3A_170 = arith.index_cast %parallel_loop3A_169 : i32 to index
      %parallel_loop3A_171 = tpu.vector_load %arg6[%parallel_loop3A_170] {strides = array<i32>} : memref<32768xf32, #tpu.memory_space<vmem>>, vector<16xf32>,
      %parallel_loop3A_172 = arith.constant 128 : i32
      %parallel_loop3A_173 = arith.addi %parallel_loop3A_169, %parallel_loop3A_172 : i32
      %parallel_loop3A_174 = arith.index_cast %parallel_loop3A_173 : i32 to index
      %parallel_loop3A_175 = tpu.vector_load %arg6[%parallel_loop3A_174] {strides = array<i32>} : memref<32768xf32, #tpu.memory_space<vmem>>, vector<16xf32>,
      %parallel_loop3A_176 = arith.constant 16 : i32
      %parallel_loop3A_177 = arith.muli %parallel_loop3A_160, %parallel_loop3A_176 : i32
      %parallel_loop3A_178 = arith.index_cast %parallel_loop3A_177 : i32 to index
      %parallel_loop3A_179 = tpu.vector_load %arg8[%parallel_loop3A_178] {strides = array<i32>} : memref<16384xi32, #tpu.memory_space<vmem>>, vector<16xi32>,
      %parallel_loop3A_180 = arith.constant 0 : i32
      %parallel_loop3A_181 = vector.broadcast %parallel_loop3A_180 : i32 to vector<16xi32>
      %parallel_loop3A_182 = arith.cmpi eq, %parallel_loop3A_179, %parallel_loop3A_181 : vector<16xi32>
      %parallel_loop3A_183 = math.absf %parallel_loop3A_171 : vector<16xf32>
      %parallel_loop3A_184 = arith.constant 0.000000e+00 : f32
      %parallel_loop3A_185 = vector.broadcast %parallel_loop3A_184 : f32 to vector<16xf32>
      %parallel_loop3A_186 = arith.subf %parallel_loop3A_185, %parallel_loop3A_183 : vector<16xf32>
      %parallel_loop3A_187 = math.exp %parallel_loop3A_186 : vector<16xf32>
      %parallel_loop3A_188 = arith.constant 0.000000e+00 : f32
      %parallel_loop3A_189 = vector.broadcast %parallel_loop3A_188 : f32 to vector<16xf32>
      %parallel_loop3A_190 = arith.cmpf oge, %parallel_loop3A_171, %parallel_loop3A_189 : vector<16xf32>
      %parallel_loop3A_191 = arith.xori %parallel_loop3A_190, %parallel_loop3A_182 : vector<16xi1>
      %parallel_loop3A_192 = arith.constant 1.000000e+00 : f32
      %parallel_loop3A_193 = vector.broadcast %parallel_loop3A_192 : f32 to vector<16xf32>
      %parallel_loop3A_194 = arith.addf %parallel_loop3A_193, %parallel_loop3A_187 : vector<16xf32>
      %parallel_loop3A_195 = arith.constant 9.99989986 : f32
      %parallel_loop3A_196 = vector.broadcast %parallel_loop3A_195 : f32 to vector<16xf32>
      %parallel_loop3A_197 = arith.divf %parallel_loop3A_196, %parallel_loop3A_194 : vector<16xf32>
      %parallel_loop3A_198 = arith.constant 9.99989986 : f32
      %parallel_loop3A_199 = vector.broadcast %parallel_loop3A_198 : f32 to vector<16xf32>
      %parallel_loop3A_200 = arith.subf %parallel_loop3A_199, %parallel_loop3A_197 : vector<16xf32>
      %parallel_loop3A_201 = arith.select %parallel_loop3A_191, %parallel_loop3A_197, %parallel_loop3A_200 : vector<16xi1>, vector<16xf32>
      %parallel_loop3A_202 = arith.fptosi %parallel_loop3A_201 : vector<16xf32> to vector<16xi32>
      %parallel_loop3A_203 = arith.constant 0.106684729 : f32
      %parallel_loop3A_204 = vector.broadcast %parallel_loop3A_203 : f32 to vector<16xf32>
      %parallel_loop3A_205 = arith.mulf %parallel_loop3A_204, %parallel_loop3A_187 : vector<16xf32>
      %parallel_loop3A_206 = arith.constant -0.393535793 : f32
      %parallel_loop3A_207 = vector.broadcast %parallel_loop3A_206 : f32 to vector<16xf32>
      %parallel_loop3A_208 = arith.addf %parallel_loop3A_205, %parallel_loop3A_207 : vector<16xf32>
      %parallel_loop3A_209 = arith.mulf %parallel_loop3A_208, %parallel_loop3A_187 : vector<16xf32>
      %parallel_loop3A_210 = arith.constant 0.979753434 : f32
      %parallel_loop3A_211 = vector.broadcast %parallel_loop3A_210 : f32 to vector<16xf32>
      %parallel_loop3A_212 = arith.addf %parallel_loop3A_209, %parallel_loop3A_211 : vector<16xf32>
      %parallel_loop3A_213 = arith.mulf %parallel_loop3A_212, %parallel_loop3A_187 : vector<16xf32>
      %parallel_loop3A_214 = arith.constant 9.25032131E-4 : f32
      %parallel_loop3A_215 = vector.broadcast %parallel_loop3A_214 : f32 to vector<16xf32>
      %parallel_loop3A_216 = arith.addf %parallel_loop3A_213, %parallel_loop3A_215 : vector<16xf32>
      %parallel_loop3A_217 = arith.constant 0.000000e+00 : f32
      %parallel_loop3A_218 = vector.broadcast %parallel_loop3A_217 : f32 to vector<16xf32>
      %parallel_loop3A_219 = arith.select %parallel_loop3A_191, %parallel_loop3A_183, %parallel_loop3A_218 : vector<16xi1>, vector<16xf32>
      %parallel_loop3A_220 = arith.addf %parallel_loop3A_219, %parallel_loop3A_216 : vector<16xf32>
      tpu.vector_store_idx %arg9[%parallel_loop3A_202, %iota3A], %broadcast_in_dim3A_86 {add = true} : memref<10x16xf32, #tpu.memory_space<vmem>>[vector<16xi32>, vector<16xi32>], vector<16xf32>,
      tpu.vector_store_idx %arg10[%parallel_loop3A_202, %iota3A], %parallel_loop3A_220 {add = true} : memref<10x16xf32, #tpu.memory_space<vmem>>[vector<16xi32>, vector<16xi32>], vector<16xf32>,
      %parallel_loop3A_221 = arith.constant dense<true> : vector<16xi1>
      %parallel_loop3A_222 = arith.xori %parallel_loop3A_182, %parallel_loop3A_221 : vector<16xi1>
      %parallel_loop3A_223 = math.absf %parallel_loop3A_175 : vector<16xf32>
      %parallel_loop3A_224 = arith.constant 0.000000e+00 : f32
      %parallel_loop3A_225 = vector.broadcast %parallel_loop3A_224 : f32 to vector<16xf32>
      %parallel_loop3A_226 = arith.subf %parallel_loop3A_225, %parallel_loop3A_223 : vector<16xf32>
      %parallel_loop3A_227 = math.exp %parallel_loop3A_226 : vector<16xf32>
      %parallel_loop3A_228 = arith.constant 0.000000e+00 : f32
      %parallel_loop3A_229 = vector.broadcast %parallel_loop3A_228 : f32 to vector<16xf32>
      %parallel_loop3A_230 = arith.cmpf oge, %parallel_loop3A_175, %parallel_loop3A_229 : vector<16xf32>
      %parallel_loop3A_231 = arith.xori %parallel_loop3A_230, %parallel_loop3A_222 : vector<16xi1>
      %parallel_loop3A_232 = arith.constant 1.000000e+00 : f32
      %parallel_loop3A_233 = vector.broadcast %parallel_loop3A_232 : f32 to vector<16xf32>
      %parallel_loop3A_234 = arith.addf %parallel_loop3A_233, %parallel_loop3A_227 : vector<16xf32>
      %parallel_loop3A_235 = arith.constant 9.99989986 : f32
      %parallel_loop3A_236 = vector.broadcast %parallel_loop3A_235 : f32 to vector<16xf32>
      %parallel_loop3A_237 = arith.divf %parallel_loop3A_236, %parallel_loop3A_234 : vector<16xf32>
      %parallel_loop3A_238 = arith.constant 9.99989986 : f32
      %parallel_loop3A_239 = vector.broadcast %parallel_loop3A_238 : f32 to vector<16xf32>
      %parallel_loop3A_240 = arith.subf %parallel_loop3A_239, %parallel_loop3A_237 : vector<16xf32>
      %parallel_loop3A_241 = arith.select %parallel_loop3A_231, %parallel_loop3A_237, %parallel_loop3A_240 : vector<16xi1>, vector<16xf32>
      %parallel_loop3A_242 = arith.fptosi %parallel_loop3A_241 : vector<16xf32> to vector<16xi32>
      %parallel_loop3A_243 = arith.constant 0.106684729 : f32
      %parallel_loop3A_244 = vector.broadcast %parallel_loop3A_243 : f32 to vector<16xf32>
      %parallel_loop3A_245 = arith.mulf %parallel_loop3A_244, %parallel_loop3A_227 : vector<16xf32>
      %parallel_loop3A_246 = arith.constant -0.393535793 : f32
      %parallel_loop3A_247 = vector.broadcast %parallel_loop3A_246 : f32 to vector<16xf32>
      %parallel_loop3A_248 = arith.addf %parallel_loop3A_245, %parallel_loop3A_247 : vector<16xf32>
      %parallel_loop3A_249 = arith.mulf %parallel_loop3A_248, %parallel_loop3A_227 : vector<16xf32>
      %parallel_loop3A_250 = arith.constant 0.979753434 : f32
      %parallel_loop3A_251 = vector.broadcast %parallel_loop3A_250 : f32 to vector<16xf32>
      %parallel_loop3A_252 = arith.addf %parallel_loop3A_249, %parallel_loop3A_251 : vector<16xf32>
      %parallel_loop3A_253 = arith.mulf %parallel_loop3A_252, %parallel_loop3A_227 : vector<16xf32>
      %parallel_loop3A_254 = arith.constant 9.25032131E-4 : f32
      %parallel_loop3A_255 = vector.broadcast %parallel_loop3A_254 : f32 to vector<16xf32>
      %parallel_loop3A_256 = arith.addf %parallel_loop3A_253, %parallel_loop3A_255 : vector<16xf32>
      %parallel_loop3A_257 = arith.constant 0.000000e+00 : f32
      %parallel_loop3A_258 = vector.broadcast %parallel_loop3A_257 : f32 to vector<16xf32>
      %parallel_loop3A_259 = arith.select %parallel_loop3A_231, %parallel_loop3A_223, %parallel_loop3A_258 : vector<16xi1>, vector<16xf32>
      %parallel_loop3A_260 = arith.addf %parallel_loop3A_259, %parallel_loop3A_256 : vector<16xf32>
      tpu.vector_store_idx %arg9[%parallel_loop3A_242, %iota3A], %broadcast_in_dim3A_86 {add = true} : memref<10x16xf32, #tpu.memory_space<vmem>>[vector<16xi32>, vector<16xi32>], vector<16xf32>,
      tpu.vector_store_idx %arg10[%parallel_loop3A_242, %iota3A], %parallel_loop3A_260 {add = true} : memref<10x16xf32, #tpu.memory_space<vmem>>[vector<16xi32>, vector<16xi32>], vector<16xf32>,
    } {sc.loop_unroll_factor = 4 : i64, sc.parallel_access}
    %dma_wait3A_152 = tpu.memref_slice %arg2[%add3A_138] : memref<8388608xf32, #tpu.memory_space<hbm>> -> memref<32768xf32, #tpu.memory_space<hbm>>
    %dma_wait3A_153 = tpu.memref_slice %arg2[%add3A_138] : memref<8388608xf32, #tpu.memory_space<hbm>> -> memref<32768xf32, #tpu.memory_space<hbm>>
    tpu.wait_dma2 semaphore(%arg11 : memref<!tpu.dma_semaphore, #tpu.memory_space<semaphore_mem>>) src(%dma_wait3A_153 : memref<32768xf32, #tpu.memory_space<hbm>>) dst(%arg5 : memref<32768xf32, #tpu.memory_space<vmem>>)
    %dma_wait3A_154 = tpu.memref_slice %arg3[%add3A_142] : memref<4194304xi32, #tpu.memory_space<hbm>> -> memref<16384xi32, #tpu.memory_space<hbm>>
    %dma_wait3A_155 = tpu.memref_slice %arg3[%add3A_142] : memref<4194304xi32, #tpu.memory_space<hbm>> -> memref<16384xi32, #tpu.memory_space<hbm>>
    tpu.wait_dma2 semaphore(%arg13 : memref<!tpu.dma_semaphore, #tpu.memory_space<semaphore_mem>>) src(%dma_wait3A_155 : memref<16384xi32, #tpu.memory_space<hbm>>) dst(%arg7 : memref<16384xi32, #tpu.memory_space<vmem>>)
    %parallel_loop3A_156 = arith.constant 0 : i32
    %parallel_loop3A_157 = arith.constant 1024 : i32
    %parallel_loop3A_158 = arith.constant 1 : i32
    scf.for %parallel_loop3A_160 = %parallel_loop3A_156 to %parallel_loop3A_157 step %parallel_loop3A_158  : i32 {
      %parallel_loop3A_161 = arith.constant 3 : i32
      %parallel_loop3A_162 = arith.shrui %parallel_loop3A_160, %parallel_loop3A_161 : i32
      %parallel_loop3A_163 = arith.constant 7 : i32
      %parallel_loop3A_164 = arith.andi %parallel_loop3A_160, %parallel_loop3A_163 : i32
      %parallel_loop3A_165 = arith.constant 256 : i32
      %parallel_loop3A_166 = arith.muli %parallel_loop3A_162, %parallel_loop3A_165 : i32
      %parallel_loop3A_167 = arith.constant 16 : i32
      %parallel_loop3A_168 = arith.muli %parallel_loop3A_164, %parallel_loop3A_167 : i32
      %parallel_loop3A_169 = arith.addi %parallel_loop3A_166, %parallel_loop3A_168 : i32
      %parallel_loop3A_170 = arith.index_cast %parallel_loop3A_169 : i32 to index
      %parallel_loop3A_171 = tpu.vector_load %arg5[%parallel_loop3A_170] {strides = array<i32>} : memref<32768xf32, #tpu.memory_space<vmem>>, vector<16xf32>,
      %parallel_loop3A_172 = arith.constant 128 : i32
      %parallel_loop3A_173 = arith.addi %parallel_loop3A_169, %parallel_loop3A_172 : i32
      %parallel_loop3A_174 = arith.index_cast %parallel_loop3A_173 : i32 to index
      %parallel_loop3A_175 = tpu.vector_load %arg5[%parallel_loop3A_174] {strides = array<i32>} : memref<32768xf32, #tpu.memory_space<vmem>>, vector<16xf32>,
      %parallel_loop3A_176 = arith.constant 16 : i32
      %parallel_loop3A_177 = arith.muli %parallel_loop3A_160, %parallel_loop3A_176 : i32
      %parallel_loop3A_178 = arith.index_cast %parallel_loop3A_177 : i32 to index
      %parallel_loop3A_179 = tpu.vector_load %arg7[%parallel_loop3A_178] {strides = array<i32>} : memref<16384xi32, #tpu.memory_space<vmem>>, vector<16xi32>,
      %parallel_loop3A_180 = arith.constant 0 : i32
      %parallel_loop3A_181 = vector.broadcast %parallel_loop3A_180 : i32 to vector<16xi32>
      %parallel_loop3A_182 = arith.cmpi eq, %parallel_loop3A_179, %parallel_loop3A_181 : vector<16xi32>
      %parallel_loop3A_183 = math.absf %parallel_loop3A_171 : vector<16xf32>
      %parallel_loop3A_184 = arith.constant 0.000000e+00 : f32
      %parallel_loop3A_185 = vector.broadcast %parallel_loop3A_184 : f32 to vector<16xf32>
      %parallel_loop3A_186 = arith.subf %parallel_loop3A_185, %parallel_loop3A_183 : vector<16xf32>
      %parallel_loop3A_187 = math.exp %parallel_loop3A_186 : vector<16xf32>
      %parallel_loop3A_188 = arith.constant 0.000000e+00 : f32
      %parallel_loop3A_189 = vector.broadcast %parallel_loop3A_188 : f32 to vector<16xf32>
      %parallel_loop3A_190 = arith.cmpf oge, %parallel_loop3A_171, %parallel_loop3A_189 : vector<16xf32>
      %parallel_loop3A_191 = arith.xori %parallel_loop3A_190, %parallel_loop3A_182 : vector<16xi1>
      %parallel_loop3A_192 = arith.constant 1.000000e+00 : f32
      %parallel_loop3A_193 = vector.broadcast %parallel_loop3A_192 : f32 to vector<16xf32>
      %parallel_loop3A_194 = arith.addf %parallel_loop3A_193, %parallel_loop3A_187 : vector<16xf32>
      %parallel_loop3A_195 = arith.constant 9.99989986 : f32
      %parallel_loop3A_196 = vector.broadcast %parallel_loop3A_195 : f32 to vector<16xf32>
      %parallel_loop3A_197 = arith.divf %parallel_loop3A_196, %parallel_loop3A_194 : vector<16xf32>
      %parallel_loop3A_198 = arith.constant 9.99989986 : f32
      %parallel_loop3A_199 = vector.broadcast %parallel_loop3A_198 : f32 to vector<16xf32>
      %parallel_loop3A_200 = arith.subf %parallel_loop3A_199, %parallel_loop3A_197 : vector<16xf32>
      %parallel_loop3A_201 = arith.select %parallel_loop3A_191, %parallel_loop3A_197, %parallel_loop3A_200 : vector<16xi1>, vector<16xf32>
      %parallel_loop3A_202 = arith.fptosi %parallel_loop3A_201 : vector<16xf32> to vector<16xi32>
      %parallel_loop3A_203 = arith.constant 0.106684729 : f32
      %parallel_loop3A_204 = vector.broadcast %parallel_loop3A_203 : f32 to vector<16xf32>
      %parallel_loop3A_205 = arith.mulf %parallel_loop3A_204, %parallel_loop3A_187 : vector<16xf32>
      %parallel_loop3A_206 = arith.constant -0.393535793 : f32
      %parallel_loop3A_207 = vector.broadcast %parallel_loop3A_206 : f32 to vector<16xf32>
      %parallel_loop3A_208 = arith.addf %parallel_loop3A_205, %parallel_loop3A_207 : vector<16xf32>
      %parallel_loop3A_209 = arith.mulf %parallel_loop3A_208, %parallel_loop3A_187 : vector<16xf32>
      %parallel_loop3A_210 = arith.constant 0.979753434 : f32
      %parallel_loop3A_211 = vector.broadcast %parallel_loop3A_210 : f32 to vector<16xf32>
      %parallel_loop3A_212 = arith.addf %parallel_loop3A_209, %parallel_loop3A_211 : vector<16xf32>
      %parallel_loop3A_213 = arith.mulf %parallel_loop3A_212, %parallel_loop3A_187 : vector<16xf32>
      %parallel_loop3A_214 = arith.constant 9.25032131E-4 : f32
      %parallel_loop3A_215 = vector.broadcast %parallel_loop3A_214 : f32 to vector<16xf32>
      %parallel_loop3A_216 = arith.addf %parallel_loop3A_213, %parallel_loop3A_215 : vector<16xf32>
      %parallel_loop3A_217 = arith.constant 0.000000e+00 : f32
      %parallel_loop3A_218 = vector.broadcast %parallel_loop3A_217 : f32 to vector<16xf32>
      %parallel_loop3A_219 = arith.select %parallel_loop3A_191, %parallel_loop3A_183, %parallel_loop3A_218 : vector<16xi1>, vector<16xf32>
      %parallel_loop3A_220 = arith.addf %parallel_loop3A_219, %parallel_loop3A_216 : vector<16xf32>
      tpu.vector_store_idx %arg9[%parallel_loop3A_202, %iota3A], %broadcast_in_dim3A_86 {add = true} : memref<10x16xf32, #tpu.memory_space<vmem>>[vector<16xi32>, vector<16xi32>], vector<16xf32>,
      tpu.vector_store_idx %arg10[%parallel_loop3A_202, %iota3A], %parallel_loop3A_220 {add = true} : memref<10x16xf32, #tpu.memory_space<vmem>>[vector<16xi32>, vector<16xi32>], vector<16xf32>,
      %parallel_loop3A_221 = arith.constant dense<true> : vector<16xi1>
      %parallel_loop3A_222 = arith.xori %parallel_loop3A_182, %parallel_loop3A_221 : vector<16xi1>
      %parallel_loop3A_223 = math.absf %parallel_loop3A_175 : vector<16xf32>
      %parallel_loop3A_224 = arith.constant 0.000000e+00 : f32
      %parallel_loop3A_225 = vector.broadcast %parallel_loop3A_224 : f32 to vector<16xf32>
      %parallel_loop3A_226 = arith.subf %parallel_loop3A_225, %parallel_loop3A_223 : vector<16xf32>
      %parallel_loop3A_227 = math.exp %parallel_loop3A_226 : vector<16xf32>
      %parallel_loop3A_228 = arith.constant 0.000000e+00 : f32
      %parallel_loop3A_229 = vector.broadcast %parallel_loop3A_228 : f32 to vector<16xf32>
      %parallel_loop3A_230 = arith.cmpf oge, %parallel_loop3A_175, %parallel_loop3A_229 : vector<16xf32>
      %parallel_loop3A_231 = arith.xori %parallel_loop3A_230, %parallel_loop3A_222 : vector<16xi1>
      %parallel_loop3A_232 = arith.constant 1.000000e+00 : f32
      %parallel_loop3A_233 = vector.broadcast %parallel_loop3A_232 : f32 to vector<16xf32>
      %parallel_loop3A_234 = arith.addf %parallel_loop3A_233, %parallel_loop3A_227 : vector<16xf32>
      %parallel_loop3A_235 = arith.constant 9.99989986 : f32
      %parallel_loop3A_236 = vector.broadcast %parallel_loop3A_235 : f32 to vector<16xf32>
      %parallel_loop3A_237 = arith.divf %parallel_loop3A_236, %parallel_loop3A_234 : vector<16xf32>
      %parallel_loop3A_238 = arith.constant 9.99989986 : f32
      %parallel_loop3A_239 = vector.broadcast %parallel_loop3A_238 : f32 to vector<16xf32>
      %parallel_loop3A_240 = arith.subf %parallel_loop3A_239, %parallel_loop3A_237 : vector<16xf32>
      %parallel_loop3A_241 = arith.select %parallel_loop3A_231, %parallel_loop3A_237, %parallel_loop3A_240 : vector<16xi1>, vector<16xf32>
      %parallel_loop3A_242 = arith.fptosi %parallel_loop3A_241 : vector<16xf32> to vector<16xi32>
      %parallel_loop3A_243 = arith.constant 0.106684729 : f32
      %parallel_loop3A_244 = vector.broadcast %parallel_loop3A_243 : f32 to vector<16xf32>
      %parallel_loop3A_245 = arith.mulf %parallel_loop3A_244, %parallel_loop3A_227 : vector<16xf32>
      %parallel_loop3A_246 = arith.constant -0.393535793 : f32
      %parallel_loop3A_247 = vector.broadcast %parallel_loop3A_246 : f32 to vector<16xf32>
      %parallel_loop3A_248 = arith.addf %parallel_loop3A_245, %parallel_loop3A_247 : vector<16xf32>
      %parallel_loop3A_249 = arith.mulf %parallel_loop3A_248, %parallel_loop3A_227 : vector<16xf32>
      %parallel_loop3A_250 = arith.constant 0.979753434 : f32
      %parallel_loop3A_251 = vector.broadcast %parallel_loop3A_250 : f32 to vector<16xf32>
      %parallel_loop3A_252 = arith.addf %parallel_loop3A_249, %parallel_loop3A_251 : vector<16xf32>
      %parallel_loop3A_253 = arith.mulf %parallel_loop3A_252, %parallel_loop3A_227 : vector<16xf32>
      %parallel_loop3A_254 = arith.constant 9.25032131E-4 : f32
      %parallel_loop3A_255 = vector.broadcast %parallel_loop3A_254 : f32 to vector<16xf32>
      %parallel_loop3A_256 = arith.addf %parallel_loop3A_253, %parallel_loop3A_255 : vector<16xf32>
      %parallel_loop3A_257 = arith.constant 0.000000e+00 : f32
      %parallel_loop3A_258 = vector.broadcast %parallel_loop3A_257 : f32 to vector<16xf32>
      %parallel_loop3A_259 = arith.select %parallel_loop3A_231, %parallel_loop3A_223, %parallel_loop3A_258 : vector<16xi1>, vector<16xf32>
      %parallel_loop3A_260 = arith.addf %parallel_loop3A_259, %parallel_loop3A_256 : vector<16xf32>
      tpu.vector_store_idx %arg9[%parallel_loop3A_242, %iota3A], %broadcast_in_dim3A_86 {add = true} : memref<10x16xf32, #tpu.memory_space<vmem>>[vector<16xi32>, vector<16xi32>], vector<16xf32>,
      tpu.vector_store_idx %arg10[%parallel_loop3A_242, %iota3A], %parallel_loop3A_260 {add = true} : memref<10x16xf32, #tpu.memory_space<vmem>>[vector<16xi32>, vector<16xi32>], vector<16xf32>,
    } {sc.loop_unroll_factor = 4 : i64, sc.parallel_access}
    %run_scoped3A = arith.constant 0 : i32
    "tpu.region"() ({
      %run_scoped3A_160 = tpu.sem_alloc : memref<!tpu.dma_semaphore, #tpu.memory_space<semaphore_mem>>
      %dma_start3A_161 = arith.constant 0 : i32
      %dma_start3A_162 = arith.constant 0 : i32
      %dma_start3A_163 = tpu.memref_slice %arg4[%add3A, %run_scoped3A, %dma_start3A_161, %dma_start3A_162] : memref<32x2x10x16xf32, #tpu.memory_space<hbm>> -> memref<1x1x10x16xf32, #tpu.memory_space<hbm>>
      %dma_start3A_164 = tpu.memref_squeeze %dma_start3A_163 : memref<1x1x10x16xf32, #tpu.memory_space<hbm>> -> memref<10x16xf32, #tpu.memory_space<hbm>>
      %dma_start3A_165 = arith.constant 0 : i32
      %dma_start3A_166 = arith.constant 0 : i32
      %dma_start3A_167 = tpu.memref_slice %arg4[%add3A, %run_scoped3A, %dma_start3A_165, %dma_start3A_166] : memref<32x2x10x16xf32, #tpu.memory_space<hbm>> -> memref<1x1x10x16xf32, #tpu.memory_space<hbm>>
      %dma_start3A_168 = tpu.memref_squeeze %dma_start3A_167 : memref<1x1x10x16xf32, #tpu.memory_space<hbm>> -> memref<10x16xf32, #tpu.memory_space<hbm>>
      tpu.enqueue_dma source(%arg9 : memref<10x16xf32, #tpu.memory_space<vmem>>) target(%dma_start3A_168 : memref<10x16xf32, #tpu.memory_space<hbm>>) target_semaphore(%run_scoped3A_160 : memref<!tpu.dma_semaphore, #tpu.memory_space<semaphore_mem>>)
      %dma_wait3A_169 = arith.constant 0 : i32
      %dma_wait3A_170 = arith.constant 0 : i32
      %dma_wait3A_171 = tpu.memref_slice %arg4[%add3A, %run_scoped3A, %dma_wait3A_169, %dma_wait3A_170] : memref<32x2x10x16xf32, #tpu.memory_space<hbm>> -> memref<1x1x10x16xf32, #tpu.memory_space<hbm>>
      %dma_wait3A_172 = tpu.memref_squeeze %dma_wait3A_171 : memref<1x1x10x16xf32, #tpu.memory_space<hbm>> -> memref<10x16xf32, #tpu.memory_space<hbm>>
      %dma_wait3A_173 = arith.constant 0 : i32
      %dma_wait3A_174 = arith.constant 0 : i32
      %dma_wait3A_175 = tpu.memref_slice %arg4[%add3A, %run_scoped3A, %dma_wait3A_173, %dma_wait3A_174] : memref<32x2x10x16xf32, #tpu.memory_space<hbm>> -> memref<1x1x10x16xf32, #tpu.memory_space<hbm>>
      %dma_wait3A_176 = tpu.memref_squeeze %dma_wait3A_175 : memref<1x1x10x16xf32, #tpu.memory_space<hbm>> -> memref<10x16xf32, #tpu.memory_space<hbm>>
      tpu.wait_dma2 semaphore(%run_scoped3A_160 : memref<!tpu.dma_semaphore, #tpu.memory_space<semaphore_mem>>) src(%arg9 : memref<10x16xf32, #tpu.memory_space<vmem>>) dst(%dma_wait3A_176 : memref<10x16xf32, #tpu.memory_space<hbm>>)
      tpu.yield
    }) : () -> ()
    %run_scoped3A_159 = arith.constant 1 : i32
    "tpu.region"() ({
      %run_scoped3A_160 = tpu.sem_alloc : memref<!tpu.dma_semaphore, #tpu.memory_space<semaphore_mem>>
      %dma_start3A_161 = arith.constant 0 : i32
      %dma_start3A_162 = arith.constant 0 : i32
      %dma_start3A_163 = tpu.memref_slice %arg4[%add3A, %run_scoped3A_159, %dma_start3A_161, %dma_start3A_162] : memref<32x2x10x16xf32, #tpu.memory_space<hbm>> -> memref<1x1x10x16xf32, #tpu.memory_space<hbm>>
      %dma_start3A_164 = tpu.memref_squeeze %dma_start3A_163 : memref<1x1x10x16xf32, #tpu.memory_space<hbm>> -> memref<10x16xf32, #tpu.memory_space<hbm>>
      %dma_start3A_165 = arith.constant 0 : i32
      %dma_start3A_166 = arith.constant 0 : i32
      %dma_start3A_167 = tpu.memref_slice %arg4[%add3A, %run_scoped3A_159, %dma_start3A_165, %dma_start3A_166] : memref<32x2x10x16xf32, #tpu.memory_space<hbm>> -> memref<1x1x10x16xf32, #tpu.memory_space<hbm>>
      %dma_start3A_168 = tpu.memref_squeeze %dma_start3A_167 : memref<1x1x10x16xf32, #tpu.memory_space<hbm>> -> memref<10x16xf32, #tpu.memory_space<hbm>>
      tpu.enqueue_dma source(%arg10 : memref<10x16xf32, #tpu.memory_space<vmem>>) target(%dma_start3A_168 : memref<10x16xf32, #tpu.memory_space<hbm>>) target_semaphore(%run_scoped3A_160 : memref<!tpu.dma_semaphore, #tpu.memory_space<semaphore_mem>>)
      %dma_wait3A_169 = arith.constant 0 : i32
      %dma_wait3A_170 = arith.constant 0 : i32
      %dma_wait3A_171 = tpu.memref_slice %arg4[%add3A, %run_scoped3A_159, %dma_wait3A_169, %dma_wait3A_170] : memref<32x2x10x16xf32, #tpu.memory_space<hbm>> -> memref<1x1x10x16xf32, #tpu.memory_space<hbm>>
      %dma_wait3A_172 = tpu.memref_squeeze %dma_wait3A_171 : memref<1x1x10x16xf32, #tpu.memory_space<hbm>> -> memref<10x16xf32, #tpu.memory_space<hbm>>
      %dma_wait3A_173 = arith.constant 0 : i32
      %dma_wait3A_174 = arith.constant 0 : i32
      %dma_wait3A_175 = tpu.memref_slice %arg4[%add3A, %run_scoped3A_159, %dma_wait3A_173, %dma_wait3A_174] : memref<32x2x10x16xf32, #tpu.memory_space<hbm>> -> memref<1x1x10x16xf32, #tpu.memory_space<hbm>>
      %dma_wait3A_176 = tpu.memref_squeeze %dma_wait3A_175 : memref<1x1x10x16xf32, #tpu.memory_space<hbm>> -> memref<10x16xf32, #tpu.memory_space<hbm>>
      tpu.wait_dma2 semaphore(%run_scoped3A_160 : memref<!tpu.dma_semaphore, #tpu.memory_space<semaphore_mem>>) src(%arg10 : memref<10x16xf32, #tpu.memory_space<vmem>>) dst(%dma_wait3A_176 : memref<10x16xf32, #tpu.memory_space<hbm>>)
      tpu.yield
    }) : () -> ()
    return
  }
}

module attributes {stable_mosaic.version = 14 : i64} {
  func.func @_tc_body(%arg0: i32, %arg1: memref<1024x128xf32, #tpu.memory_space<vmem>>, %arg2: memref<512x128xi32, #tpu.memory_space<vmem>>, %arg3: memref<1x2x10xf32, #tpu.memory_space<vmem>>) attributes {dimension_semantics = [#tpu.dimension_semantics<arbitrary>], iteration_bounds = array<i64: 24>, scalar_prefetch = 0 : i64, scratch_operands = 0 : i64, tpu.core_type = #tpu.core_type<tc>, window_params = [{transform_indices = @transform_0, window_bounds = array<i64: 1024, 128>}, {transform_indices = @transform_1, window_bounds = array<i64: 512, 128>}, {transform_indices = @transform_2, window_bounds = array<i64: 1, 2, 10>}]} {
    %get3A = arith.constant 0 : index
    %get3A_0 = arith.constant 0 : index
    %get3A_1 = vector.load %arg1[%get3A, %get3A_0] : memref<1024x128xf32, #tpu.memory_space<vmem>>, vector<1024x128xf32>
    %get3A_2 = arith.constant 0 : index
    %get3A_3 = arith.constant 0 : index
    %get3A_4 = vector.load %arg2[%get3A_2, %get3A_3] : memref<512x128xi32, #tpu.memory_space<vmem>>, vector<512x128xi32>
    %broadcast_in_dim3A = vector.shape_cast %get3A_4 : vector<512x128xi32> to vector<512x1x128xi32>
    %broadcast_in_dim3A_5 = vector.shape_cast %broadcast_in_dim3A : vector<512x1x128xi32> to vector<512x1x128xi32>
    %broadcast_in_dim3A_6 = vector.broadcast %broadcast_in_dim3A_5 : vector<512x1x128xi32> to vector<512x2x128xi32>
    %reshape3A = vector.shape_cast %broadcast_in_dim3A_6 : vector<512x2x128xi32> to vector<1024x128xi32>
    %iota3A = tpu.iota {dimensions = array<i32: 0>} : vector<1024x128xi32>
    %and3A = arith.constant 1 : i32
    %and3A_7 = vector.broadcast %and3A : i32 to vector<1024x128xi32>
    %and3A_8 = arith.andi %iota3A, %and3A_7 : vector<1024x128xi32>
    %eq3A = arith.constant 1 : i32
    %eq3A_9 = vector.broadcast %eq3A : i32 to vector<1024x128xi32>
    %eq3A_10 = arith.cmpi eq, %and3A_8, %eq3A_9 : vector<1024x128xi32>
    %eq3A_11 = arith.constant 0 : i32
    %eq3A_12 = vector.broadcast %eq3A_11 : i32 to vector<1024x128xi32>
    %eq3A_13 = arith.cmpi eq, %reshape3A, %eq3A_12 : vector<1024x128xi32>
    %ne3A = arith.xori %eq3A_13, %eq3A_10 : vector<1024x128xi1>
    %abs3A = math.absf %get3A_1 : vector<1024x128xf32>
    %neg3A = arith.constant 0.000000e+00 : f32
    %neg3A_14 = vector.broadcast %neg3A : f32 to vector<1024x128xf32>
    %neg3A_15 = arith.subf %neg3A_14, %abs3A : vector<1024x128xf32>
    %exp3A = math.exp %neg3A_15 : vector<1024x128xf32>
    %ge3A = arith.constant 0.000000e+00 : f32
    %ge3A_16 = vector.broadcast %ge3A : f32 to vector<1024x128xf32>
    %ge3A_17 = arith.cmpf oge, %get3A_1, %ge3A_16 : vector<1024x128xf32>
    %ne3A_18 = arith.xori %ge3A_17, %ne3A : vector<1024x128xi1>
    %add3A = arith.constant 1.000000e+00 : f32
    %add3A_19 = vector.broadcast %add3A : f32 to vector<1024x128xf32>
    %add3A_20 = arith.addf %add3A_19, %exp3A : vector<1024x128xf32>
    %div3A = arith.constant 9.99989986 : f32
    %div3A_21 = vector.broadcast %div3A : f32 to vector<1024x128xf32>
    %div3A_22 = arith.divf %div3A_21, %add3A_20 : vector<1024x128xf32>
    %sub3A = arith.constant 9.99989986 : f32
    %sub3A_23 = vector.broadcast %sub3A : f32 to vector<1024x128xf32>
    %sub3A_24 = arith.subf %sub3A_23, %div3A_22 : vector<1024x128xf32>
    %select_n3A = arith.select %ne3A_18, %div3A_22, %sub3A_24 : vector<1024x128xi1>, vector<1024x128xf32>
    %broadcast_in_dim3A_25 = arith.constant 0.106684729 : f32
    %broadcast_in_dim3A_26 = vector.broadcast %broadcast_in_dim3A_25 : f32 to vector<1024x128xf32>
    %mul3A = arith.mulf %broadcast_in_dim3A_26, %exp3A : vector<1024x128xf32>
    %add3A_27 = arith.constant -0.393535793 : f32
    %add3A_28 = vector.broadcast %add3A_27 : f32 to vector<1024x128xf32>
    %add3A_29 = arith.addf %mul3A, %add3A_28 : vector<1024x128xf32>
    %mul3A_30 = arith.mulf %add3A_29, %exp3A : vector<1024x128xf32>
    %add3A_31 = arith.constant 0.979753434 : f32
    %add3A_32 = vector.broadcast %add3A_31 : f32 to vector<1024x128xf32>
    %add3A_33 = arith.addf %mul3A_30, %add3A_32 : vector<1024x128xf32>
    %mul3A_34 = arith.mulf %add3A_33, %exp3A : vector<1024x128xf32>
    %add3A_35 = arith.constant 9.25032131E-4 : f32
    %add3A_36 = vector.broadcast %add3A_35 : f32 to vector<1024x128xf32>
    %add3A_37 = arith.addf %mul3A_34, %add3A_36 : vector<1024x128xf32>
    %jit3A = arith.constant 0.000000e+00 : f32
    %broadcast_in_dim3A_38 = vector.broadcast %jit3A : f32 to vector<1024x128xf32>
    %select_n3A_39 = arith.select %ne3A_18, %abs3A, %broadcast_in_dim3A_38 : vector<1024x128xi1>, vector<1024x128xf32>
    %add3A_40 = arith.addf %select_n3A_39, %add3A_37 : vector<1024x128xf32>
    %reduce_sum3A = vector.shape_cast %add3A_40 : vector<1024x128xf32> to vector<1x1024x128xf32>
    %reduce_sum3A_41 = arith.constant dense<0.000000e+00> : vector<1xf32>
    %reduce_sum3A_42 = vector.multi_reduction <add>, %reduce_sum3A, %reduce_sum3A_41 [1, 2] : vector<1x1024x128xf32> to vector<1xf32>
    %reduce_sum3A_43 = vector.shape_cast %reduce_sum3A_42 : vector<1xf32> to vector<1x1x1xf32>
    %reduce_sum3A_44 = vector.extract %reduce_sum3A_43[0, 0, 0] : f32 from vector<1x1x1xf32>
    %ge3A_45 = arith.constant 1.000000e+00 : f32
    %ge3A_46 = vector.broadcast %ge3A_45 : f32 to vector<1024x128xf32>
    %ge3A_47 = arith.cmpf oge, %select_n3A, %ge3A_46 : vector<1024x128xf32>
    %convert_element_type3A = arith.extui %ge3A_47 : vector<1024x128xi1> to vector<1024x128xi32>
    %convert_element_type3A_48 = arith.sitofp %convert_element_type3A : vector<1024x128xi32> to vector<1024x128xf32>
    %reduce_sum3A_49 = vector.shape_cast %convert_element_type3A_48 : vector<1024x128xf32> to vector<1x1024x128xf32>
    %reduce_sum3A_50 = arith.constant dense<0.000000e+00> : vector<1xf32>
    %reduce_sum3A_51 = vector.multi_reduction <add>, %reduce_sum3A_49, %reduce_sum3A_50 [1, 2] : vector<1x1024x128xf32> to vector<1xf32>
    %reduce_sum3A_52 = vector.shape_cast %reduce_sum3A_51 : vector<1xf32> to vector<1x1x1xf32>
    %reduce_sum3A_53 = vector.extract %reduce_sum3A_52[0, 0, 0] : f32 from vector<1x1x1xf32>
    %mul3A_54 = arith.mulf %convert_element_type3A_48, %add3A_40 : vector<1024x128xf32>
    %reduce_sum3A_55 = vector.shape_cast %mul3A_54 : vector<1024x128xf32> to vector<1x1024x128xf32>
    %reduce_sum3A_56 = arith.constant dense<0.000000e+00> : vector<1xf32>
    %reduce_sum3A_57 = vector.multi_reduction <add>, %reduce_sum3A_55, %reduce_sum3A_56 [1, 2] : vector<1x1024x128xf32> to vector<1xf32>
    %reduce_sum3A_58 = vector.shape_cast %reduce_sum3A_57 : vector<1xf32> to vector<1x1x1xf32>
    %reduce_sum3A_59 = vector.extract %reduce_sum3A_58[0, 0, 0] : f32 from vector<1x1x1xf32>
    %ge3A_60 = arith.constant 2.000000e+00 : f32
    %ge3A_61 = vector.broadcast %ge3A_60 : f32 to vector<1024x128xf32>
    %ge3A_62 = arith.cmpf oge, %select_n3A, %ge3A_61 : vector<1024x128xf32>
    %convert_element_type3A_63 = arith.extui %ge3A_62 : vector<1024x128xi1> to vector<1024x128xi32>
    %convert_element_type3A_64 = arith.sitofp %convert_element_type3A_63 : vector<1024x128xi32> to vector<1024x128xf32>
    %reduce_sum3A_65 = vector.shape_cast %convert_element_type3A_64 : vector<1024x128xf32> to vector<1x1024x128xf32>
    %reduce_sum3A_66 = arith.constant dense<0.000000e+00> : vector<1xf32>
    %reduce_sum3A_67 = vector.multi_reduction <add>, %reduce_sum3A_65, %reduce_sum3A_66 [1, 2] : vector<1x1024x128xf32> to vector<1xf32>
    %reduce_sum3A_68 = vector.shape_cast %reduce_sum3A_67 : vector<1xf32> to vector<1x1x1xf32>
    %reduce_sum3A_69 = vector.extract %reduce_sum3A_68[0, 0, 0] : f32 from vector<1x1x1xf32>
    %mul3A_70 = arith.mulf %convert_element_type3A_64, %add3A_40 : vector<1024x128xf32>
    %reduce_sum3A_71 = vector.shape_cast %mul3A_70 : vector<1024x128xf32> to vector<1x1024x128xf32>
    %reduce_sum3A_72 = arith.constant dense<0.000000e+00> : vector<1xf32>
    %reduce_sum3A_73 = vector.multi_reduction <add>, %reduce_sum3A_71, %reduce_sum3A_72 [1, 2] : vector<1x1024x128xf32> to vector<1xf32>
    %reduce_sum3A_74 = vector.shape_cast %reduce_sum3A_73 : vector<1xf32> to vector<1x1x1xf32>
    %reduce_sum3A_75 = vector.extract %reduce_sum3A_74[0, 0, 0] : f32 from vector<1x1x1xf32>
    %ge3A_76 = arith.constant 3.000000e+00 : f32
    %ge3A_77 = vector.broadcast %ge3A_76 : f32 to vector<1024x128xf32>
    %ge3A_78 = arith.cmpf oge, %select_n3A, %ge3A_77 : vector<1024x128xf32>
    %convert_element_type3A_79 = arith.extui %ge3A_78 : vector<1024x128xi1> to vector<1024x128xi32>
    %convert_element_type3A_80 = arith.sitofp %convert_element_type3A_79 : vector<1024x128xi32> to vector<1024x128xf32>
    %reduce_sum3A_81 = vector.shape_cast %convert_element_type3A_80 : vector<1024x128xf32> to vector<1x1024x128xf32>
    %reduce_sum3A_82 = arith.constant dense<0.000000e+00> : vector<1xf32>
    %reduce_sum3A_83 = vector.multi_reduction <add>, %reduce_sum3A_81, %reduce_sum3A_82 [1, 2] : vector<1x1024x128xf32> to vector<1xf32>
    %reduce_sum3A_84 = vector.shape_cast %reduce_sum3A_83 : vector<1xf32> to vector<1x1x1xf32>
    %reduce_sum3A_85 = vector.extract %reduce_sum3A_84[0, 0, 0] : f32 from vector<1x1x1xf32>
    %mul3A_86 = arith.mulf %convert_element_type3A_80, %add3A_40 : vector<1024x128xf32>
    %reduce_sum3A_87 = vector.shape_cast %mul3A_86 : vector<1024x128xf32> to vector<1x1024x128xf32>
    %reduce_sum3A_88 = arith.constant dense<0.000000e+00> : vector<1xf32>
    %reduce_sum3A_89 = vector.multi_reduction <add>, %reduce_sum3A_87, %reduce_sum3A_88 [1, 2] : vector<1x1024x128xf32> to vector<1xf32>
    %reduce_sum3A_90 = vector.shape_cast %reduce_sum3A_89 : vector<1xf32> to vector<1x1x1xf32>
    %reduce_sum3A_91 = vector.extract %reduce_sum3A_90[0, 0, 0] : f32 from vector<1x1x1xf32>
    %ge3A_92 = arith.constant 4.000000e+00 : f32
    %ge3A_93 = vector.broadcast %ge3A_92 : f32 to vector<1024x128xf32>
    %ge3A_94 = arith.cmpf oge, %select_n3A, %ge3A_93 : vector<1024x128xf32>
    %convert_element_type3A_95 = arith.extui %ge3A_94 : vector<1024x128xi1> to vector<1024x128xi32>
    %convert_element_type3A_96 = arith.sitofp %convert_element_type3A_95 : vector<1024x128xi32> to vector<1024x128xf32>
    %reduce_sum3A_97 = vector.shape_cast %convert_element_type3A_96 : vector<1024x128xf32> to vector<1x1024x128xf32>
    %reduce_sum3A_98 = arith.constant dense<0.000000e+00> : vector<1xf32>
    %reduce_sum3A_99 = vector.multi_reduction <add>, %reduce_sum3A_97, %reduce_sum3A_98 [1, 2] : vector<1x1024x128xf32> to vector<1xf32>
    %reduce_sum3A_100 = vector.shape_cast %reduce_sum3A_99 : vector<1xf32> to vector<1x1x1xf32>
    %reduce_sum3A_101 = vector.extract %reduce_sum3A_100[0, 0, 0] : f32 from vector<1x1x1xf32>
    %mul3A_102 = arith.mulf %convert_element_type3A_96, %add3A_40 : vector<1024x128xf32>
    %reduce_sum3A_103 = vector.shape_cast %mul3A_102 : vector<1024x128xf32> to vector<1x1024x128xf32>
    %reduce_sum3A_104 = arith.constant dense<0.000000e+00> : vector<1xf32>
    %reduce_sum3A_105 = vector.multi_reduction <add>, %reduce_sum3A_103, %reduce_sum3A_104 [1, 2] : vector<1x1024x128xf32> to vector<1xf32>
    %reduce_sum3A_106 = vector.shape_cast %reduce_sum3A_105 : vector<1xf32> to vector<1x1x1xf32>
    %reduce_sum3A_107 = vector.extract %reduce_sum3A_106[0, 0, 0] : f32 from vector<1x1x1xf32>
    %ge3A_108 = arith.constant 5.000000e+00 : f32
    %ge3A_109 = vector.broadcast %ge3A_108 : f32 to vector<1024x128xf32>
    %ge3A_110 = arith.cmpf oge, %select_n3A, %ge3A_109 : vector<1024x128xf32>
    %convert_element_type3A_111 = arith.extui %ge3A_110 : vector<1024x128xi1> to vector<1024x128xi32>
    %convert_element_type3A_112 = arith.sitofp %convert_element_type3A_111 : vector<1024x128xi32> to vector<1024x128xf32>
    %reduce_sum3A_113 = vector.shape_cast %convert_element_type3A_112 : vector<1024x128xf32> to vector<1x1024x128xf32>
    %reduce_sum3A_114 = arith.constant dense<0.000000e+00> : vector<1xf32>
    %reduce_sum3A_115 = vector.multi_reduction <add>, %reduce_sum3A_113, %reduce_sum3A_114 [1, 2] : vector<1x1024x128xf32> to vector<1xf32>
    %reduce_sum3A_116 = vector.shape_cast %reduce_sum3A_115 : vector<1xf32> to vector<1x1x1xf32>
    %reduce_sum3A_117 = vector.extract %reduce_sum3A_116[0, 0, 0] : f32 from vector<1x1x1xf32>
    %mul3A_118 = arith.mulf %convert_element_type3A_112, %add3A_40 : vector<1024x128xf32>
    %reduce_sum3A_119 = vector.shape_cast %mul3A_118 : vector<1024x128xf32> to vector<1x1024x128xf32>
    %reduce_sum3A_120 = arith.constant dense<0.000000e+00> : vector<1xf32>
    %reduce_sum3A_121 = vector.multi_reduction <add>, %reduce_sum3A_119, %reduce_sum3A_120 [1, 2] : vector<1x1024x128xf32> to vector<1xf32>
    %reduce_sum3A_122 = vector.shape_cast %reduce_sum3A_121 : vector<1xf32> to vector<1x1x1xf32>
    %reduce_sum3A_123 = vector.extract %reduce_sum3A_122[0, 0, 0] : f32 from vector<1x1x1xf32>
    %ge3A_124 = arith.constant 6.000000e+00 : f32
    %ge3A_125 = vector.broadcast %ge3A_124 : f32 to vector<1024x128xf32>
    %ge3A_126 = arith.cmpf oge, %select_n3A, %ge3A_125 : vector<1024x128xf32>
    %convert_element_type3A_127 = arith.extui %ge3A_126 : vector<1024x128xi1> to vector<1024x128xi32>
    %convert_element_type3A_128 = arith.sitofp %convert_element_type3A_127 : vector<1024x128xi32> to vector<1024x128xf32>
    %reduce_sum3A_129 = vector.shape_cast %convert_element_type3A_128 : vector<1024x128xf32> to vector<1x1024x128xf32>
    %reduce_sum3A_130 = arith.constant dense<0.000000e+00> : vector<1xf32>
    %reduce_sum3A_131 = vector.multi_reduction <add>, %reduce_sum3A_129, %reduce_sum3A_130 [1, 2] : vector<1x1024x128xf32> to vector<1xf32>
    %reduce_sum3A_132 = vector.shape_cast %reduce_sum3A_131 : vector<1xf32> to vector<1x1x1xf32>
    %reduce_sum3A_133 = vector.extract %reduce_sum3A_132[0, 0, 0] : f32 from vector<1x1x1xf32>
    %mul3A_134 = arith.mulf %convert_element_type3A_128, %add3A_40 : vector<1024x128xf32>
    %reduce_sum3A_135 = vector.shape_cast %mul3A_134 : vector<1024x128xf32> to vector<1x1024x128xf32>
    %reduce_sum3A_136 = arith.constant dense<0.000000e+00> : vector<1xf32>
    %reduce_sum3A_137 = vector.multi_reduction <add>, %reduce_sum3A_135, %reduce_sum3A_136 [1, 2] : vector<1x1024x128xf32> to vector<1xf32>
    %reduce_sum3A_138 = vector.shape_cast %reduce_sum3A_137 : vector<1xf32> to vector<1x1x1xf32>
    %reduce_sum3A_139 = vector.extract %reduce_sum3A_138[0, 0, 0] : f32 from vector<1x1x1xf32>
    %ge3A_140 = arith.constant 7.000000e+00 : f32
    %ge3A_141 = vector.broadcast %ge3A_140 : f32 to vector<1024x128xf32>
    %ge3A_142 = arith.cmpf oge, %select_n3A, %ge3A_141 : vector<1024x128xf32>
    %convert_element_type3A_143 = arith.extui %ge3A_142 : vector<1024x128xi1> to vector<1024x128xi32>
    %convert_element_type3A_144 = arith.sitofp %convert_element_type3A_143 : vector<1024x128xi32> to vector<1024x128xf32>
    %reduce_sum3A_145 = vector.shape_cast %convert_element_type3A_144 : vector<1024x128xf32> to vector<1x1024x128xf32>
    %reduce_sum3A_146 = arith.constant dense<0.000000e+00> : vector<1xf32>
    %reduce_sum3A_147 = vector.multi_reduction <add>, %reduce_sum3A_145, %reduce_sum3A_146 [1, 2] : vector<1x1024x128xf32> to vector<1xf32>
    %reduce_sum3A_148 = vector.shape_cast %reduce_sum3A_147 : vector<1xf32> to vector<1x1x1xf32>
    %reduce_sum3A_149 = vector.extract %reduce_sum3A_148[0, 0, 0] : f32 from vector<1x1x1xf32>
    %mul3A_150 = arith.mulf %convert_element_type3A_144, %add3A_40 : vector<1024x128xf32>
    %reduce_sum3A_151 = vector.shape_cast %mul3A_150 : vector<1024x128xf32> to vector<1x1024x128xf32>
    %reduce_sum3A_152 = arith.constant dense<0.000000e+00> : vector<1xf32>
    %reduce_sum3A_153 = vector.multi_reduction <add>, %reduce_sum3A_151, %reduce_sum3A_152 [1, 2] : vector<1x1024x128xf32> to vector<1xf32>
    %reduce_sum3A_154 = vector.shape_cast %reduce_sum3A_153 : vector<1xf32> to vector<1x1x1xf32>
    %reduce_sum3A_155 = vector.extract %reduce_sum3A_154[0, 0, 0] : f32 from vector<1x1x1xf32>
    %ge3A_156 = arith.constant 8.000000e+00 : f32
    %ge3A_157 = vector.broadcast %ge3A_156 : f32 to vector<1024x128xf32>
    %ge3A_158 = arith.cmpf oge, %select_n3A, %ge3A_157 : vector<1024x128xf32>
    %convert_element_type3A_159 = arith.extui %ge3A_158 : vector<1024x128xi1> to vector<1024x128xi32>
    %convert_element_type3A_160 = arith.sitofp %convert_element_type3A_159 : vector<1024x128xi32> to vector<1024x128xf32>
    %reduce_sum3A_161 = vector.shape_cast %convert_element_type3A_160 : vector<1024x128xf32> to vector<1x1024x128xf32>
    %reduce_sum3A_162 = arith.constant dense<0.000000e+00> : vector<1xf32>
    %reduce_sum3A_163 = vector.multi_reduction <add>, %reduce_sum3A_161, %reduce_sum3A_162 [1, 2] : vector<1x1024x128xf32> to vector<1xf32>
    %reduce_sum3A_164 = vector.shape_cast %reduce_sum3A_163 : vector<1xf32> to vector<1x1x1xf32>
    %reduce_sum3A_165 = vector.extract %reduce_sum3A_164[0, 0, 0] : f32 from vector<1x1x1xf32>
    %mul3A_166 = arith.mulf %convert_element_type3A_160, %add3A_40 : vector<1024x128xf32>
    %reduce_sum3A_167 = vector.shape_cast %mul3A_166 : vector<1024x128xf32> to vector<1x1024x128xf32>
    %reduce_sum3A_168 = arith.constant dense<0.000000e+00> : vector<1xf32>
    %reduce_sum3A_169 = vector.multi_reduction <add>, %reduce_sum3A_167, %reduce_sum3A_168 [1, 2] : vector<1x1024x128xf32> to vector<1xf32>
    %reduce_sum3A_170 = vector.shape_cast %reduce_sum3A_169 : vector<1xf32> to vector<1x1x1xf32>
    %reduce_sum3A_171 = vector.extract %reduce_sum3A_170[0, 0, 0] : f32 from vector<1x1x1xf32>
    %ge3A_172 = arith.constant 9.000000e+00 : f32
    %ge3A_173 = vector.broadcast %ge3A_172 : f32 to vector<1024x128xf32>
    %ge3A_174 = arith.cmpf oge, %select_n3A, %ge3A_173 : vector<1024x128xf32>
    %convert_element_type3A_175 = arith.extui %ge3A_174 : vector<1024x128xi1> to vector<1024x128xi32>
    %convert_element_type3A_176 = arith.sitofp %convert_element_type3A_175 : vector<1024x128xi32> to vector<1024x128xf32>
    %reduce_sum3A_177 = vector.shape_cast %convert_element_type3A_176 : vector<1024x128xf32> to vector<1x1024x128xf32>
    %reduce_sum3A_178 = arith.constant dense<0.000000e+00> : vector<1xf32>
    %reduce_sum3A_179 = vector.multi_reduction <add>, %reduce_sum3A_177, %reduce_sum3A_178 [1, 2] : vector<1x1024x128xf32> to vector<1xf32>
    %reduce_sum3A_180 = vector.shape_cast %reduce_sum3A_179 : vector<1xf32> to vector<1x1x1xf32>
    %reduce_sum3A_181 = vector.extract %reduce_sum3A_180[0, 0, 0] : f32 from vector<1x1x1xf32>
    %mul3A_182 = arith.mulf %convert_element_type3A_176, %add3A_40 : vector<1024x128xf32>
    %reduce_sum3A_183 = vector.shape_cast %mul3A_182 : vector<1024x128xf32> to vector<1x1024x128xf32>
    %reduce_sum3A_184 = arith.constant dense<0.000000e+00> : vector<1xf32>
    %reduce_sum3A_185 = vector.multi_reduction <add>, %reduce_sum3A_183, %reduce_sum3A_184 [1, 2] : vector<1x1024x128xf32> to vector<1xf32>
    %reduce_sum3A_186 = vector.shape_cast %reduce_sum3A_185 : vector<1xf32> to vector<1x1x1xf32>
    %reduce_sum3A_187 = vector.extract %reduce_sum3A_186[0, 0, 0] : f32 from vector<1x1x1xf32>
    %stack3A = arith.constant 1.310720e+05 : f32
    %stack3A_188 = vector.broadcast %stack3A : f32 to vector<1xf32>
    %stack3A_189 = vector.broadcast %reduce_sum3A_53 : f32 to vector<1xf32>
    %stack3A_190 = vector.broadcast %reduce_sum3A_69 : f32 to vector<1xf32>
    %stack3A_191 = vector.broadcast %reduce_sum3A_85 : f32 to vector<1xf32>
    %stack3A_192 = vector.broadcast %reduce_sum3A_101 : f32 to vector<1xf32>
    %stack3A_193 = vector.broadcast %reduce_sum3A_117 : f32 to vector<1xf32>
    %stack3A_194 = vector.broadcast %reduce_sum3A_133 : f32 to vector<1xf32>
    %stack3A_195 = vector.broadcast %reduce_sum3A_149 : f32 to vector<1xf32>
    %stack3A_196 = vector.broadcast %reduce_sum3A_165 : f32 to vector<1xf32>
    %stack3A_197 = vector.broadcast %reduce_sum3A_181 : f32 to vector<1xf32>
    %stack3A_198 = tpu.concatenate %stack3A_188, %stack3A_189, %stack3A_190, %stack3A_191, %stack3A_192, %stack3A_193, %stack3A_194, %stack3A_195, %stack3A_196, %stack3A_197 in 0 : vector<1xf32>, vector<1xf32>, vector<1xf32>, vector<1xf32>, vector<1xf32>, vector<1xf32>, vector<1xf32>, vector<1xf32>, vector<1xf32>, vector<1xf32> -> vector<10xf32>
    %swap3A = arith.constant 0 : index
    %swap3A_199 = arith.constant 0 : index
    %swap3A_200 = arith.constant 0 : index
    %swap3A_201 = vector.load %arg3[%swap3A, %swap3A_199, %swap3A_200] : memref<1x2x10xf32, #tpu.memory_space<vmem>>, vector<1x1x10xf32>
    %swap3A_202 = vector.shape_cast %swap3A_201 : vector<1x1x10xf32> to vector<10xf32>
    %swap3A_203 = vector.shape_cast %stack3A_198 : vector<10xf32> to vector<1x1x10xf32>
    tpu.vector_store %arg3[%swap3A, %swap3A_199, %swap3A_200], %swap3A_203 {strides = array<i32>} : memref<1x2x10xf32, #tpu.memory_space<vmem>>, vector<1x1x10xf32>,
    %stack3A_204 = vector.broadcast %reduce_sum3A_44 : f32 to vector<1xf32>
    %stack3A_205 = vector.broadcast %reduce_sum3A_59 : f32 to vector<1xf32>
    %stack3A_206 = vector.broadcast %reduce_sum3A_75 : f32 to vector<1xf32>
    %stack3A_207 = vector.broadcast %reduce_sum3A_91 : f32 to vector<1xf32>
    %stack3A_208 = vector.broadcast %reduce_sum3A_107 : f32 to vector<1xf32>
    %stack3A_209 = vector.broadcast %reduce_sum3A_123 : f32 to vector<1xf32>
    %stack3A_210 = vector.broadcast %reduce_sum3A_139 : f32 to vector<1xf32>
    %stack3A_211 = vector.broadcast %reduce_sum3A_155 : f32 to vector<1xf32>
    %stack3A_212 = vector.broadcast %reduce_sum3A_171 : f32 to vector<1xf32>
    %stack3A_213 = vector.broadcast %reduce_sum3A_187 : f32 to vector<1xf32>
    %stack3A_214 = tpu.concatenate %stack3A_204, %stack3A_205, %stack3A_206, %stack3A_207, %stack3A_208, %stack3A_209, %stack3A_210, %stack3A_211, %stack3A_212, %stack3A_213 in 0 : vector<1xf32>, vector<1xf32>, vector<1xf32>, vector<1xf32>, vector<1xf32>, vector<1xf32>, vector<1xf32>, vector<1xf32>, vector<1xf32>, vector<1xf32> -> vector<10xf32>
    %swap3A_215 = arith.constant 0 : index
    %swap3A_216 = arith.constant 1 : index
    %swap3A_217 = arith.constant 0 : index
    %swap3A_218 = vector.load %arg3[%swap3A_215, %swap3A_216, %swap3A_217] : memref<1x2x10xf32, #tpu.memory_space<vmem>>, vector<1x1x10xf32>
    %swap3A_219 = vector.shape_cast %swap3A_218 : vector<1x1x10xf32> to vector<10xf32>
    %swap3A_220 = vector.shape_cast %stack3A_214 : vector<10xf32> to vector<1x1x10xf32>
    tpu.vector_store %arg3[%swap3A_215, %swap3A_216, %swap3A_217], %swap3A_220 {strides = array<i32>} : memref<1x2x10xf32, #tpu.memory_space<vmem>>, vector<1x1x10xf32>,
    return
  }
  func.func @transform_0(%arg0: i32) -> (i32, i32) {
    %add3A = arith.constant 40 : i32
    %add3A_0 = arith.addi %add3A, %arg0 : i32
    %c0_i32 = arith.constant 0 : i32
    %c0_i32_1 = arith.constant 0 : i32
    return %add3A_0, %c0_i32 : i32, i32
  }
  func.func @transform_1(%arg0: i32) -> (i32, i32) {
    %add3A = arith.constant 40 : i32
    %add3A_0 = arith.addi %add3A, %arg0 : i32
    %c0_i32 = arith.constant 0 : i32
    %c0_i32_1 = arith.constant 0 : i32
    return %add3A_0, %c0_i32 : i32, i32
  }
  func.func @transform_2(%arg0: i32) -> (i32, i32, i32) {
    %c0_i32 = arith.constant 0 : i32
    %c0_i32_0 = arith.constant 0 : i32
    %c0_i32_1 = arith.constant 0 : i32
    return %arg0, %c0_i32, %c0_i32_0 : i32, i32, i32
  }
}

</mosaic_0001>

<sc_bundles>
// kernel: kernel.4.cloned.1.call-start
scs
__scs_entry_jumppad:
0x0: {  	(pc) =	sbr.rel $0x88, $3  }
0x1: {  	(tag) =	ssettag $0x0;
	lr =	simm.s32 $0x1  }
0x2: {  	[smem:$0x3F9F] =	sst lr;
	_ =	strace $0xD0000000  }
0x3: {  	_ = 	snop  }
0x4: {  	_ = 	snop  }
0x5: {  	_ = 	snop  }
0x6: {  	_ = 	snop  }
0x7: {  	_ = 	snop  }
__scs_overlays_trampoline_lowered:
0x8: {  	[smem:$0x3FAE] =	sst s0  }
0x9: {  	[smem:$0x3FAF] =	sst s1  }
0xa: {  	[smem:$0x3FB0] =	sst s2  }
0xb: {  	[smem:$0x3FB1] =	sst s3  }
0xc: {  	[smem:$0x3FB2] =	sst s4  }
0xd: {  	[smem:$0x3FB3] =	sst s5  }
0xe: {  	[smem:$0x3FB4] =	sst s6  }
0xf: {  	[smem:$0x3FB5] =	sst s7  }
0x10: {  	[smem:$0x3FB6] =	sst s8  }
0x11: {  	[smem:$0x3FB7] =	sst s9;
	s0 =	simm.s32 @!p0 $0x0  }
0x12: {  	s1 =	sld [smem:$0x3F9D];
	s0 =	simm.s32 @p0 $0x1  }
0x13: {  	[smem:$0x3FB8] =	sst s0;
	s0 =	simm.s32 @!p1 $0x0  }
0x14: {  	s2 =	sld [smem:$0x3F9C];
	s0 =	simm.s32 @p1 $0x1  }
0x15: {  	[smem:$0x3FB9] =	sst s0;
	s0 =	simm.s32 @!p2 $0x0  }
0x16: {  	s3 =	sld [smem:$0x3FDB];
	s0 =	simm.s32 @p2 $0x1  }
0x17: {  	s4 =	simm.s32 $0x1BF5;
	[smem:$0x3FBB] =	sst s0  }
0x18: {  	s0 =	sld [smem:$0x3F9E];
	_ =	swait.ge [sflag:s4], $0x0  }
0x19: {  	s7 =	sld [smem:$0x3F9F]  }
0x1a: {  	s8 =	sadd.s32 $0xFFFFE003, lr  }
0x1b: {  	s9 =	sadd.s32 $0xFFFFFEF7, lr;
	s5 =	simm.s32 $0xFFFFFFFF;
	p2 =	slt.u32 s8, $0xFFFFF086  }
0x1c: {  	p1 =	slt.u32 s9, $0xF7A;
	s5 =	simm.s32 @!p2 $0x0  }
0x1d: {  	s5 =	simm.s32 @p1 $0x1;
	p0 =	seq.s32 s7, s2  }
0x1e: {  	s7 =	smul.u32 @!p0 $0xF7A, s2;
	p2 =	seq.s32 @!p0 s5, $0x0  }
0x1f: {  	s9 =	smul.u32 $0xF7A, s1;
	s8 =	simm.s32 @!p0 $0x1BF5;
	p2 =	por !p2, p0  }
0x20: {  	[sflag:s8] =	ssyncset.s32 @!p0 $0xFFFFF086;
	s6 =	sadd.s32 @!p0 s3, s7;
	s7 =	simm.s32 @!p0 $0x108  }
0x21: {  	s3 =	sadd.s32 s3, s9;
	s6 =	sadd.s32 @!p0 $0x88, s6;
	s7 =	simm.s32 @p2 $0x1082  }
0x22: {  	[simem:s7], [sflag:s8] =	dma.local @!p0 [hbm:s6], $0xF7A  }
0x23: {  	s9 =	sor.u32 $0xD0000000, s2;
	s6 =	simm.s32 $0x108;
	_ =	swait.ge @!p0 [sflag:s8], $0x0  }
0x24: {  	s3 =	sadd.s32 $0x88, s3;
	s6 =	simm.s32 @!p1 $0x1082;
	[sflag:s4] =	ssyncset.s32 $0xFFFFF086  }
0x25: {  	[simem:s6], [sflag:s4] =	dma.local [hbm:s3], $0xF7A  }
0x26: {  	[smem:$0x3F9F] =	sst s1;
	(tag) =	ssettag s2;
	_ =	strace s9  }
0x27: {  	s1 =	sld [smem:$0x3FAF]  }
0x28: {  	s2 =	sld [smem:$0x3FB0]  }
0x29: {  	s4 =	sld [smem:$0x3FB2]  }
0x2a: {  	p0 =	seq.s32 s5, $0x0;
	s5 =	sld [smem:$0x3FB3]  }
0x2b: {  	s6 =	sld [smem:$0x3FB4]  }
0x2c: {  	s7 =	sld [smem:$0x3FB5]  }
0x2d: {  	s3 =	simm.s32 $0x108;
	s8 =	sld [smem:$0x3FB6]  }
0x2e: {  	s3 =	simm.s32 @!p0 $0x1082;
	s9 =	sld [smem:$0x3FB7]  }
0x2f: {  	lr =	sadd.s32 s0, s3;
	s0 =	sld [smem:$0x3FAE]  }
0x30: {  	s3 =	sld [smem:$0x3FB1]  }
0x31: {  	[smem:$0x3FBA] =	sst s10  }
0x32: {  	s10 =	sld [smem:$0x3FB8];
	_ =	sdelay $0x3  }
0x33: {  	p0 =	seq.s32 s10, $0x1;
	s10 =	sld [smem:$0x3FBA];
	_ =	sdelay $0x3  }
0x34: {  	[smem:$0x3FBA] =	sst s10  }
0x35: {  	s10 =	sld [smem:$0x3FB9];
	_ =	sdelay $0x3  }
0x36: {  	p1 =	seq.s32 s10, $0x1;
	s10 =	sld [smem:$0x3FBA];
	_ =	sdelay $0x3  }
0x37: {  	[smem:$0x3FBA] =	sst s10  }
0x38: {  	s10 =	sld [smem:$0x3FBB]  }
0x39: {  	_ = 	snop;
	(pc) =	sbr.ind lr, $3  }
0x3a: {  	_ = 	snop  }
0x3b: {  	_ = 	snop  }
0x3c: {  	p2 =	seq.s32 s10, $0x1;
	s10 =	sld [smem:$0x3FBA]  }
0x3d: {  	_ =	shalt  }
0x3e: {  	_ =	shalt  }
0x3f: {  	_ =	shalt  }
0x40: {  	_ =	shalt  }
0x41: {  	_ =	shalt  }
0x42: {  	_ =	shalt  }
0x43: {  	_ =	shalt  }
0x44: {  	_ =	shalt  }
0x45: {  	_ =	shalt  }
0x46: {  	_ =	shalt  }
0x47: {  	_ =	shalt  }
0x48: {  	_ =	shalt  }
0x49: {  	_ =	shalt  }
0x4a: {  	_ =	shalt  }
0x4b: {  	_ =	shalt  }
0x4c: {  	_ =	shalt  }
0x4d: {  	_ =	shalt  }
0x4e: {  	_ =	shalt  }
0x4f: {  	_ =	shalt  }
0x50: {  	_ =	shalt  }
0x51: {  	_ =	shalt  }
0x52: {  	_ =	shalt  }
0x53: {  	_ =	shalt  }
0x54: {  	_ =	shalt  }
0x55: {  	_ =	shalt  }
0x56: {  	_ =	shalt  }
0x57: {  	_ =	shalt  }
0x58: {  	_ =	shalt  }
0x59: {  	_ =	shalt  }
0x5a: {  	_ =	shalt  }
0x5b: {  	_ =	shalt  }
0x5c: {  	_ =	shalt  }
0x5d: {  	_ =	shalt  }
0x5e: {  	_ =	shalt  }
0x5f: {  	_ =	shalt  }
0x60: {  	_ =	shalt  }
0x61: {  	_ =	shalt  }
0x62: {  	_ =	shalt  }
0x63: {  	_ =	shalt  }
0x64: {  	_ =	shalt  }
0x65: {  	_ =	shalt  }
0x66: {  	_ =	shalt  }
0x67: {  	_ =	shalt  }
0x68: {  	_ =	shalt  }
0x69: {  	_ =	shalt  }
0x6a: {  	_ =	shalt  }
0x6b: {  	_ =	shalt  }
0x6c: {  	_ =	shalt  }
0x6d: {  	_ =	shalt  }
0x6e: {  	_ =	shalt  }
0x6f: {  	_ =	shalt  }
0x70: {  	_ =	shalt  }
0x71: {  	_ =	shalt  }
0x72: {  	_ =	shalt  }
0x73: {  	_ =	shalt  }
0x74: {  	_ =	shalt  }
0x75: {  	_ =	shalt  }
0x76: {  	_ =	shalt  }
0x77: {  	_ =	shalt  }
0x78: {  	_ =	shalt  }
0x79: {  	_ =	shalt  }
0x7a: {  	_ =	shalt  }
0x7b: {  	_ =	shalt  }
0x7c: {  	_ =	shalt  }
0x7d: {  	_ =	shalt  }
0x7e: {  	_ =	shalt  }
0x7f: {  	_ =	shalt  }
0x80: {  	_ =	shalt  }
0x81: {  	_ =	shalt  }
0x82: {  	_ =	shalt  }
0x83: {  	_ =	shalt  }
0x84: {  	_ =	shalt  }
0x85: {  	_ =	shalt  }
0x86: {  	_ =	shalt  }
0x87: {  	_ =	shalt  }
.Lfunc_end0:
.L_simem_size_0:
called_computation_lowered:
.L_overlay_start_0:
0x88: {  	s2 =	sld [smem:$0x3FD9]  }
0x89: {  	s3 =	sld [smem:$0x3FFE];
	_ =	sdelay $0x1  }
0x8a: {  	s1 =	srdreg.scid  }
0x8b: {  	s0 =	sand.u32 $0x1, s1  }
0x8c: {  	s17 =	sshll.u32 s0, $0xA;
	s2 =	sadd.s32 s3, s2  }
0x8d: {  	s2 =	sadd.s32 s2, s17  }
0x8e: {  	[smem:$0x3FC6] =	sst s2  }
0x8f: {  	_ = 	snop  }
0x90: {  	s2 =	sld [smem:$0x3FC9]  }
0x91: {  	s18 =	sld [smem:$0x3FC8];
	(tm) =	ssettm $0x1  }
0x92: {  	s4 =	sld [smem:$0x3FFB];
	_ =	sdelay $0x3  }
0x93: {  	_ =	strace s4  }
0x94: {  	s4 =	sld [smem:$0x3FFC];
	_ =	sdelay $0x3  }
0x95: {  	_ =	strace s4  }
0x96: {  	s4 =	sld [smem:$0x3FFD];
	_ =	sdelay $0x3  }
0x97: {  	_ =	strace s4  }
0x98: {  	_ =	strace $0x8FFFFFFF  }
0x99: {  	s19 =	sld [smem:$0x3FDB];
	_ =	sdelay $0x1  }
0x9a: {  	s5 =	simm.s32 $_scs_section_size  }
0x9b: {  	s6 =	simm.s32 $_size__tile_overlayer_lowered;
	s7 =	simm.s32 $_tile_overlayer_lowered  }
0x9c: {  	s22 =	simm.s32 $0x1BFF;
	s21 =	sshll.u32 s7, $0x1;
	s4 =	sadd.s32 s5, s19  }
0x9d: {  	s8 =	simm.s32 $0x0;
	s20 =	sshll.u32 s6, $0x1;
	s6 =	sadd.s32 s21, s4  }
0x9e: {  	[timem:s8], [sflag:s22] =	dma.local [hbm:s6], s20  }
0x9f: {  	_ =	swait.ge [sflag:s22], s20  }
0xa0: {  	s5 =	ssub.s32 $0x0, s20;
	[sflag:s22] =	ssyncset.done $0x0  }
0xa1: {  	[sflag:s22] =	ssyncadd.s32 s5;
	_ =	sdelay $0x1  }
0xa2: {  	s23 =	simm.s32 $0x1B8B  }
0xa3: {  	_ =	swait.ge [sflag:s23], $0x1  }
0xa4: {  	[sflag:s23] =	ssyncset.done $0x0  }
0xa5: {  	s25 =	simm.s32 $0x1B8E;
	s24 =	sld [smem:$0x3FFE];
	[sflag:s23] =	ssyncadd.s32 $0xFFFFFFFF  }
0xa6: {  	s26 =	simm.s32 $execute0_lowered;
	[smem:$0x3FD2] =	sst s25  }
0xa7: {  	s6 =	sshll.u32 s26, $0x1;
	_ =	strace $0x80000046;
	[dreg:$0x1] =	wrdreg $0xFFFFFFFF  }
0xa8: {  	s28 =	simm.s32 $_size_execute0_lowered;
	s4 =	sadd.s32 s4, s6;
	[dreg:$0x0] =	wrdreg $0x0  }
0xa9: {  	s6 =	sshll.u32 s28, $0x1;
	[dreg:$0x2] =	wrdreg s4  }
0xaa: {  	[dreg:$0x3] =	wrdreg s6  }
0xab: {  	[dreg:$0x4] =	wrdreg $0xC0  }
0xac: {  	_ =	task [dreg:s8], $0x5FFFF  }
0xad: {  	[dreg:$0x1] =	wrdreg $0xFFFFFFFF  }
0xae: {  	[dreg:$0x0] =	wrdreg $0x60  }
0xaf: {  	[dreg:$0x2] =	wrdreg s2  }
0xb0: {  	[dreg:$0x3] =	wrdreg s18  }
0xb1: {  	[dreg:$0x4] =	wrdreg s24  }
0xb2: {  	[dreg:$0x5] =	wrdreg $0x9  }
0xb3: {  	_ =	task.clear_ibuf [dreg:s8], $0x6FFFF;
	_ =	strace $0x90000046  }
0xb4: {  	s29 =	simm.s32 $0x9;
	_ =	strace $0x80000048  }
0xb5: {  	_ =	swait.ge [sflag:s29], $0x1  }
0xb6: {  	[sflag:s29] =	ssyncadd.s32 $0xFFFFFFFF  }
0xb7: {  	_ =	strace $0x90000048  }
0xb8: {  	_ =	sfence  }
0xb9: {  	s30 =	sld [smem:$0x0];
	_ =	sdelay $0x2  }
0xba: {  	s31 =	sshll.u32 s1, $0xD;
	s1 =	sshrl.u32 s1, $0x2  }
0xbb: {  	s3 =	sand.u32 $0x4000, s31;
	s1 =	sadd.s32 s1, s30  }
0xbc: {  	s0 =	sor.u32 s3, s0;
	s1 =	sshll.u32 s1, $0x11  }
0xbd: {  	s0 =	sor.u32 s1, s0  }
0xbe: {  	s0 =	sadd.s32 $0x8F2B, s0  }
0xbf: {  	[sflag:s0] =	ssyncadd.remote.s32 $0x1  }
0xc0: {  	_ =	sfence.sel $0xFFFF  }
0xc1: {  	[dreg:$0x0] =	wrdreg $0xFFFFFFFF;
	(pc) =	sbr.abs _section_cstart, $3  }
0xc2: {  	[dreg:$0x1] =	wrdreg $0xFFFFFFFF  }
0xc3: {  	_ =	task.clear_ibuf [dreg:s8], $0x2FFFF;
	_ =	strace $0x9FFFFFFF  }
0xc4: {  	(tm) =	ssettm $0x7FFFFFFF  }
0xc5: {  	_ =	shalt  }
tec
execute0_lowered:
.L_overlay_start_1:
0x0: {  	(tag) =	ssettag $0x1  }
0x1: {  	s0 =	rddreg [dreg:$0x0]  }
0x2: {  	s1 =	srdreg.scid;
	s2 =	stileid.u32  }
0x3: {  	s4 =	rddreg [dreg:$0x1];
	s1 =	sand.u32 $0x1, s1;
	s2 =	sshll.u32 s2, $0x1  }
0x4: {  	s11 =	rddreg [dreg:$0x2];
	s16 =	simm.s32 $0x10000;
	s9 =	sor.u32 s1, s2  }
0x5: {  	s19 =	simm.s32 $0x1;
	s20 =	simm.s32 $0x3;
	s3 =	smul.u32 $0x28000, s9  }
0x6: {  	s21 =	simm.s32 $0x18000;
	s2 =	simm.s32 $0x0;
	s5 =	smul.u32 $0x14000, s9  }
0x7: {  	s1 =	ssub.s32 $0x2, s1;
	[smem:$0x7FF] =	sst s2;
	s3 =	sshrl.u32 s3, $0x3  }
0x8: {  	s6 =	sshrl.u32 s1, $0x1;
	s5 =	sshrl.u32 s5, $0x3;
	s3 =	sadd.s32 s0, s3  }
0x9: {  	s28 =	sshll.u32 s9, $0x9;
	s4 =	sadd.s32 s4, s5;
	s23 =	sadd.s32 $0x1000, s3  }
0xa: {  	_ =	strace $0x80000047;
	s24 =	sadd.s32 $0x800, s4;
	[dreg:$0x4] =	wrdreg s23  }
0xb: {  	s22 =	ssub.s32 s1, s6;
	s25 =	sadd.s32 $0x2000, s3;
	[dreg:$0x5] =	wrdreg s24  }
0xc: {  	s11 =	sadd.s32 s11, s28;
	s26 =	sadd.s32 $0x1000, s4;
	[dreg:$0x6] =	wrdreg s25  }
0xd: {  	s14 =	sadd.s32 $0x100, s11;
	s29 =	sadd.s32 $0x3000, s3;
	[dreg:$0x7] =	wrdreg s26  }
0xe: {  	s15 =	smax.u32 s22, $0x1;
	s30 =	sadd.s32 $0x1800, s4;
	[dreg:$0x8] =	wrdreg s29  }
0xf: {  	s22 =	simm.s32 $0x18800;
	s31 =	sadd.s32 $0x4000, s3;
	[dreg:$0x9] =	wrdreg s30  }
0x10: {  	s13 =	sadd.s32 $0x2000, s4;
	[dreg:$0xa] =	wrdreg s31;
	s23 =	simm.s32 $0x2  }
0x11: {  	v0 =	vimm.f32 $0.0e+00;
	v1 =	vimm.f32 $1.000000000e+00;
	v2 =	vlaneseq.u32;
	s24 =	simm.s32 $0x4;
	s25 =	simm.s32 $0x5;
	s26 =	simm.s32 $0x0  }
.LBB2_1:
0x12: {  	[tilespmem:$0x18000] =	vst v0  }
0x13: {  	[tilespmem:$0x18800] =	vst v0  }
0x14: {  	[tilespmem:$0x18080] =	vst v0  }
0x15: {  	[tilespmem:$0x18880] =	vst v0  }
0x16: {  	[tilespmem:$0x18100] =	vst v0  }
0x17: {  	[tilespmem:$0x18900] =	vst v0  }
0x18: {  	[tilespmem:$0x18180] =	vst v0  }
0x19: {  	[tilespmem:$0x18980] =	vst v0  }
0x1a: {  	[tilespmem:$0x18200] =	vst v0  }
0x1b: {  	[tilespmem:$0x18A00] =	vst v0  }
0x1c: {  	[tilespmem:$0x18280] =	vst v0  }
0x1d: {  	[tilespmem:$0x18A80] =	vst v0  }
0x1e: {  	[tilespmem:$0x18300] =	vst v0  }
0x1f: {  	[tilespmem:$0x18B00] =	vst v0  }
0x20: {  	[tilespmem:$0x18380] =	vst v0  }
0x21: {  	[tilespmem:$0x18B80] =	vst v0  }
0x22: {  	[tilespmem:$0x18400] =	vst v0  }
0x23: {  	[tilespmem:$0x18C00] =	vst v0  }
0x24: {  	[tilespmem:$0x18480] =	vst v0  }
0x25: {  	[tilespmem:$0x18C80] =	vst v0  }
0x26: {  	[tilespmem:s2], [sflag:$0x1] =	stream.linear.gather [hbm4b:s3+s2], $0x8000, $0x38;
	[tilespmem:$0x19000] =	vst v63  }
0x27: {  	_ = 	snop  }
0x28: {  	[tilespmem:s16], [sflag:$0x3] =	stream.linear.gather [hbm4b:s4+s2], $0x4000, $0x38;
	[tilespmem:$0x19000] =	vst v63  }
0x29: {  	s0 =	rddreg [dreg:$0x4];
	s1 =	simm.s32 $0x8000  }
0x2a: {  	[tilespmem:s1], [sflag:$0x2] =	stream.linear.gather [hbm4b:s0+s2], $0x8000, $0x38;
	[tilespmem:$0x19000] =	vst v63  }
0x2b: {  	s5 =	simm.s32 $0x14000;
	s1 =	rddreg [dreg:$0x5]  }
0x2c: {  	[tilespmem:s5], [sflag:$0x4] =	stream.linear.gather [hbm4b:s1+s2], $0x4000, $0x38;
	[tilespmem:$0x19000] =	vst v63  }
0x2d: {  	s6 =	sand.u32 $0x3, s2;
	_ =	swait.ge [sflag:s19], $0x8000  }
0x2e: {  	s7 =	simm.s32 $0x30;
	s28 =	sand.u32 $0x7, s2;
	[sflag:s19] =	ssyncset.done $0x0  }
0x2f: {  	s29 =	sand.u32 $0x7F00, s2;
	s0 =	sshll.u32 s6, $0x5;
	[sflag:s19] =	ssyncadd.s32 $0xFFFF8000  }
0x30: {  	s30 =	simm.s32 $0x10;
	s0 =	sadd.s32 $0x0, s0;
	_ =	swait.ge [sflag:s20], $0x4000  }
0x31: {  	s28 =	sshll.u32 s28, $0x4;
	s0 =	sadd.s32 $0x20, s0;
	[sflag:s20] =	ssyncset.done $0x0  }
0x32: {  	s1 =	sand.u32 $0x70, s7;
	s0 =	sor.u32 $0x80, s0;
	[sflag:s20] =	ssyncadd.s32 $0xFFFFC000  }
0x33: {  	s30 =	sand.u32 $0x50, s30;
	s28 =	sadd.s32 $0x0, s28;
	s1 =	sor.u32 s1, s29;
	v3 =	vld [tilespmem:s0+$0x0]  }
0x34: {  	s31 =	simm.s32 $0x20;
	s30 =	sor.u32 s30, s29;
	s17 =	sadd.s32 $0x10, s28;
	v4 =	vld [tilespmem:s1+$0x0]  }
0x35: {  	s9 =	sand.u32 $0x60, s31;
	s8 =	sor.u32 $0x80, s17;
	v5 =	vld [tilespmem:s30+$0x0]  }
0x36: {  	s28 =	sadd.s32 $0x30, s28;
	s17 =	sor.u32 s9, s29;
	v6 =	vld [tilespmem:s8+$0x0]  }
0x37: {  	p0 =	por $0x0, $0x0;
	s10 =	sor.u32 $0x80, s28;
	s0 =	simm.s32 $0x1;
	v8 =	vld [tilespmem:s17+$0x0]  }
0x38: {  	v7 =	vld [tilespmem:s10+$0x0];
	s0 =	simm.s32 @!p0 $0x0  }
0x39: {  	s0 =	sshll.u32 s0, $0x6  }
0x3a: {  	s0 =	sadd.s32 $0x0, s0;
	v9 =	vand.u32 $0x7FFFFFFF, v3  }
0x3b: {  	s0 =	sor.u32 $0x80, s0;
	vm0 =	vge.f32 v4, $0.0e+00;
	v10 =	vand.u32 $0x7FFFFFFF, v4;
	v15 =	vand.u32 $0x7FFFFFFF, v5  }
0x3c: {  	s12 =	simm.s32 $0x0;
	v4 =	vld [tilespmem:s0+$0x0];
	vm1 =	vge.f32 v5, $0.0e+00;
	v13 =	vand.u32 $0x7FFFFFFF, v6;
	vm2 =	vge.f32 v3, $0.0e+00  }
0x3d: {  	s17 =	sand.u32 $0x40, s12;
	v18 =	vand.u32 $0x7FFFFFFF, v8;
	v3 =	vand.u32 $0x7FFFFFFF, v7;
	v11 =	vsub.f32 $0.0e+00, v9  }
0x3e: {  	s0 =	sor.u32 s17, s29;
	vm4 =	vge.f32 v7, $0.0e+00;
	vm3 =	vge.f32 v6, $0.0e+00;
	v16 =	vsub.f32 $0.0e+00, v13  }
0x3f: {  	vm15 =	vge.f32 v8, $0.0e+00;
	v14 =	vld [tilespmem:s0+$0x0];
	v17 =	vsub.f32 $0.0e+00, v18;
	v11 =	vmul.f32 $1.442695020e+00, v11  }
0x40: {  	s18 =	simm.s32 $0x10020;
	v12 =	vsub.f32 $0.0e+00, v10;
	v5 =	vsub.f32 $0.0e+00, v15;
	v7 =	vmul.f32 $1.442695020e+00, v16  }
0x41: {  	v6 =	vmul.f32 $1.442695020e+00, v17;
	v17 =	vld [tilespmem:s18+$0xFFFFFFE0];
	(erf) = vpow2.f32 v11;
	v11 =	vand.u32 $0x7FFFFFFF, v4  }
0x42: {  	vm3 =	vmneg vm3;
	v16 =	vsub.f32 $0.0e+00, v11;
	(erf) = vpow2.f32 v7  }
0x43: {  	vm2 =	vmneg vm2;
	vm4 =	vmneg vm4;
	(erf) = vpow2.f32 v6  }
0x44: {  	v5 =	vmul.f32 $1.442695020e+00, v5;
	v20 =	vand.u32 $0x7FFFFFFF, v14;
	v7 =	vld [tilespmem:s18+$0x0];
	v16 =	vmul.f32 $1.442695020e+00, v16  }
0x45: {  	v12 =	vmul.f32 $1.442695020e+00, v12;
	vm5 =	vge.f32 v14, $0.0e+00;
	v6 =	vld [tilespmem:s18+$0xFFFFFFF0];
	v14 =	vsub.f32 $0.0e+00, v20  }
0x46: {  	vm6 =	vge.f32 v4, $0.0e+00;
	vm9 =	veq.s32 v17, $0x0;
	(erf) = vpow2.f32 v16  }
0x47: {  	v14 =	vmul.f32 $1.442695020e+00, v14;
	v16 =	vsub.f32 $0.0e+00, v3;
	(erf) = vpow2.f32 v5  }
0x48: {  	vm10 =	vmneg vm6;
	vm5 =	vmxor vm5, vm9;
	(erf) = vpow2.f32 v12  }
0x49: {  	v4 =	vld [tilespmem:s18+$0x10];
	vm8 =	veq.s32 v7, $0x0;
	v7 =	vmul.f32 $1.442695020e+00, v16;
	(erf) = vpow2.f32 v14  }
0x4a: {  	vm6 =	vmxor vm2, vm8;
	vm11 =	veq.s32 v6, $0x0;
	vm2 =	vmxor vm10, vm9;
	v5 =	vpop (erf)  }
0x4b: {  	vm3 =	vmxor vm3, vm11;
	(erf) = vpow2.f32 v7;
	v6 =	vadd.f32 $1.000000000e+00, v5;
	v22 =	vpop (erf)  }
0x4c: {  	v7 =	vnsel vm3, $0x0, v13;
	v12 =	vadd.f32 $1.000000000e+00, v22;
	v13 =	vmul.f32 $1.066847290e-01, v22;
	v14 =	vpop (erf)  }
0x4d: {  	(erf) = vrcp.f32 v6;
	v6 =	vnsel vm2, $0x0, v11;
	v11 =	vadd.f32 $1.000000000e+00, v14  }
0x4e: {  	vm7 =	veq.s32 v4, $0x0;
	v16 =	vmul.f32 $1.066847290e-01, v14;
	(erf) = vrcp.f32 v12  }
0x4f: {  	vm0 =	vmxor vm0, vm7;
	v13 =	vadd.f32 $-3.935357930e-01, v13;
	v8 =	vpop (erf);
	(erf) = vrcp.f32 v11  }
0x50: {  	vm4 =	vmxor vm4, vm7;
	v4 =	vnsel vm6, $0x0, v9;
	v9 =	vadd.f32 $-3.935357930e-01, v16;
	v21 =	vpop (erf)  }
0x51: {  	vm1 =	vmxor vm1, vm11;
	v24 =	vadd.f32 $1.000000000e+00, v8;
	v28 =	vmul.f32 v13, v22;
	v23 =	vpop (erf)  }
0x52: {  	v16 =	vadd.f32 $1.000000000e+00, v21;
	v17 =	vmul.f32 $1.066847290e-01, v21;
	v9 =	vmul.f32 v9, v14;
	v11 =	vpop (erf)  }
0x53: {  	v25 =	vmul.f32 $1.066847290e-01, v23;
	v27 =	vadd.f32 $1.000000000e+00, v23;
	v26 =	vadd.f32 $1.000000000e+00, v11  }
0x54: {  	v19 =	vadd.f32 $9.797534340e-01, v9;
	(erf) = vrcp.f32 v16;
	v13 =	vpop (erf);
	v9 =	vadd.f32 $-3.935357930e-01, v17  }
0x55: {  	v17 =	vnsel vm1, $0x0, v15;
	(erf) = vrcp.f32 v24;
	v15 =	vadd.f32 $1.000000000e+00, v13  }
0x56: {  	(erf) = vrcp.f32 v27;
	v27 =	vmul.f32 v9, v21;
	v9 =	vadd.f32 $-3.935357930e-01, v25;
	v16 =	vpop (erf)  }
0x57: {  	v10 =	vnsel vm0, $0x0, v10;
	vm8 =	vmxor vm15, vm8;
	(erf) = vrcp.f32 v26;
	v24 =	vpop (erf)  }
0x58: {  	v18 =	vnsel vm8, $0x0, v18;
	(erf) = vrcp.f32 v15;
	v15 =	vmul.f32 v9, v23;
	v26 =	vpop (erf)  }
0x59: {  	v25 =	vmul.f32 $1.066847290e-01, v11;
	v9 =	vnsel vm5, $0x0, v20;
	v20 =	vmul.f32 $9.999899860e+00, v26  }
0x5a: {  	v12 =	vmul.f32 $1.066847290e-01, v8;
	v26 =	vmul.f32 $9.999899860e+00, v16;
	v15 =	vadd.f32 $9.797534340e-01, v15  }
0x5b: {  	v29 =	vmul.f32 $1.066847290e-01, v13;
	v16 =	vadd.f32 $-3.935357930e-01, v25;
	v25 =	vsub.f32 $9.999899860e+00, v20  }
0x5c: {  	v27 =	vadd.f32 $9.797534340e-01, v27;
	v24 =	vmul.f32 $9.999899860e+00, v24;
	v30 =	vsub.f32 $9.999899860e+00, v26  }
0x5d: {  	v32 =	vmul.f32 v16, v11;
	v15 =	vmul.f32 v15, v23;
	v31 =	vpop (erf);
	v20 =	vsel vm8, v20, v25  }
0x5e: {  	v33 =	vpop (erf);
	v16 =	vmul.f32 $9.999899860e+00, v31;
	v31 =	vmul.f32 v27, v21;
	v21 =	vsel vm6, v26, v30  }
0x5f: {  	v27 =	vsub.f32 $9.999899860e+00, v24;
	v26 =	vadd.f32 $-3.935357930e-01, v29;
	v23 =	vpop (erf);
	v21 =	vtrunc.f32 v21  }
0x60: {  	v15 =	vadd.f32 $9.250321310e-04, v15;
	v20 =	vtrunc.f32 v20;
	v25 =	vpop (erf);
	v29 =	vcvt.f32.s32 v21  }
0x61: {  	v23 =	vmul.f32 $9.999899860e+00, v23;
	v21 =	vmul.f32 $9.999899860e+00, v25;
	v25 =	vadd.f32 $9.797534340e-01, v28  }
0x62: {  	s31 =	simm.s32 $0x2;
	v20 =	vcvt.f32.s32 v20;
	v15 =	vadd.f32 v15, v10;
	v26 =	vmul.f32 v26, v13  }
0x63: {  	s28 =	simm.s32 $0x0;
	s30 =	simm.s32 $0x10060;
	s1 =	simm.s32 $0x80;
	v30 =	vadd.f32 $9.250321310e-04, v31;
	v28 =	vshll.u32 v29, $0x7;
	v22 =	vmul.f32 v25, v22  }
0x64: {  	p0 =	por !p0, !p0;
	s29 =	simm.s32 $0x4;
	s0 =	simm.s32 $0x70;
	v10 =	vor.u32 v2, v28;
	v25 =	vadd.f32 $9.797534340e-01, v32;
	v28 =	vmul.f32 $9.999899860e+00, v33;
	v29 =	vpop (erf)  }
.LBB2_2:
0x65: {  	s17 =	sand.u32 $0x7, s29  }
0x66: {  	s18 =	sand.u32 $0x7F00, s1;
	s5 =	sadd.s32 $0xFFFFFFE0, s0;
	v19 =	vmul.f32 v19, v14;
	v29 =	vmul.f32 $9.999899860e+00, v29;
	v26 =	vadd.f32 $9.797534340e-01, v26;
	s6 =	sand.u32 $0x3, s31  }
0x67: {  	s7 =	sadd.s32 $0xFFFFFFD0, s0;
	s8 =	sadd.s32 $0xFFFFFFF0, s0;
	s9 =	simm.s32 $0x1;
	v31 =	vsub.f32 $9.999899860e+00, v28;
	v14 =	vadd.f32 v30, v17;
	v17 =	vsel vm3, v24, v27  }
0x68: {  	s9 =	simm.s32 @!p0 $0x0;
	s17 =	sshll.u32 s17, $0x4;
	s5 =	sand.u32 $0x50, s5;
	v24 =	vsub.f32 $9.999899860e+00, v21;
	v17 =	vtrunc.f32 v17;
	v19 =	vadd.f32 $9.250321310e-04, v19  }
0x69: {  	s10 =	sand.u32 $0x70, s0;
	s6 =	sshll.u32 s6, $0x5;
	s7 =	sand.u32 $0x40, s7;
	v26 =	vmul.f32 v26, v13;
	v27 =	vsel vm2, v28, v31;
	v28 =	vsub.f32 $9.999899860e+00, v29  }
0x6a: {  	s10 =	sor.u32 s10, s18;
	s5 =	sor.u32 s5, s18;
	s17 =	sadd.s32 s17, s1;
	v13 =	vadd.f32 $9.250321310e-04, v22;
	v17 =	vcvt.f32.s32 v17;
	v19 =	vadd.f32 v19, v18  }
0x6b: {  	v12 =	vadd.f32 $-3.935357930e-01, v12;
	s9 =	sshll.u32 s9, $0x6;
	s6 =	sadd.s32 s1, s6;
	v22 =	vsub.f32 $9.999899860e+00, v23;
	s12 =	sadd.s32 $0x10, s17;
	v18 =	vtrunc.f32 v27  }
0x6c: {  	s8 =	sand.u32 $0x60, s8;
	v30 =	vmul.f32 $1.066847290e-01, v5;
	s12 =	sor.u32 $0x80, s12;
	v13 =	vadd.f32 v13, v7;
	v7 =	vshll.u32 v17, $0x7;
	v27 =	vld [tilespmem:s10+$0x0];
	s10 =	sadd.s32 $0x30, s17  }
0x6d: {  	s8 =	sor.u32 s8, s18;
	v12 =	vmul.f32 v12, v8;
	s6 =	sadd.s32 $0x20, s6;
	v17 =	vor.u32 v2, v7;
	v7 =	vadd.f32 $9.250321310e-04, v26;
	s10 =	sor.u32 $0x80, s10  }
0x6e: {  	v25 =	vmul.f32 v25, v11;
	s7 =	sor.u32 s7, s18;
	s9 =	sadd.s32 s9, s1;
	v30 =	vadd.f32 $-3.935357930e-01, v30;
	v28 =	vsel vm4, v29, v28;
	v26 =	vld [tilespmem:s5+$0x0];
	s5 =	sor.u32 $0x80, s6  }
0x6f: {  	s28 =	sadd.s32 $0x4, s28;
	v31 =	vsub.f32 $9.999899860e+00, v16;
	v12 =	vadd.f32 $9.797534340e-01, v12;
	v29 =	vcvt.f32.s32 v18;
	s6 =	sor.u32 $0x80, s9;
	v11 =	vld [tilespmem:s8+$0x0]  }
0x70: {  	p1 =	slt.u32 s28, $0x3FC;
	v22 =	vsel vm0, v23, v22;
	v23 =	vnsel vm4, $0x0, v3;
	v18 =	vmul.f32 v30, v5  }
0x71: {  	v3 =	vsel vm5, v21, v24;
	v8 =	vmul.f32 v12, v8;
	vm0 =	vge.f32 v27, $0.0e+00  }
0x72: {  	v24 =	vshll.u32 v20, $0x7;
	v21 =	vtrunc.f32 v28;
	v20 =	vadd.f32 $9.797534340e-01, v18;
	v12 =	vld [tilespmem:s5+$0x0]  }
0x73: {  	v22 =	vtrunc.f32 v22;
	v8 =	vadd.f32 $9.250321310e-04, v8;
	v18 =	vand.u32 $0x7FFFFFFF, v27;
	v28 =	vld [tilespmem:s10+$0x0]  }
0x74: {  	v31 =	vsel vm1, v16, v31;
	v16 =	vcvt.f32.s32 v22;
	v30 =	vsub.f32 $0.0e+00, v18;
	v27 =	vld [tilespmem:s12+$0x0]  }
0x75: {  	v25 =	vadd.f32 $9.250321310e-04, v25;
	v5 =	vmul.f32 v20, v5;
	v22 =	vadd.f32 v8, v6  }
0x76: {  	v6 =	vcvt.f32.s32 v21;
	v20 =	vand.u32 $0x7FFFFFFF, v26;
	vm1 =	vge.f32 v26, $0.0e+00  }
0x77: {  	v21 =	vtrunc.f32 v3;
	v26 =	vsub.f32 $0.0e+00, v20;
	v8 =	vld [tilespmem:s6+$0x0];
	vm3 =	vge.f32 v12, $0.0e+00  }
0x78: {  	v16 =	vshll.u32 v16, $0x7;
	v12 =	vand.u32 $0x7FFFFFFF, v12;
	v3 =	vand.u32 $0x7FFFFFFF, v28  }
0x79: {  	v35 =	vor.u32 v2, v16;
	v34 =	vsub.f32 $0.0e+00, v12;
	v32 =	vld [tilespmem:s7+$0x0];
	v33 =	vand.u32 $0x7FFFFFFF, v27  }
0x7a: {  	v16 =	vshll.u32 v29, $0x7;
	vm4 =	vge.f32 v28, $0.0e+00;
	v36 =	vsub.f32 $0.0e+00, v33  }
0x7b: {  	v28 =	vor.u32 v2, v16;
	vm2 =	vge.f32 v27, $0.0e+00;
	v27 =	vmul.f32 $1.442695020e+00, v34  }
0x7c: {  	v29 =	vtrunc.f32 v31;
	v21 =	vcvt.f32.s32 v21;
	v16 =	vand.u32 $0x7FFFFFFF, v11  }
0x7d: {  	v29 =	vcvt.f32.s32 v29;
	vm3 =	vmneg vm3;
	vm2 =	vmneg vm2;
	v31 =	vld [tilespmem:s30+$0xFFFFFFE0]  }
0x7e: {  	v37 =	vshll.u32 v21, $0x7;
	v34 =	vmul.f32 $1.442695020e+00, v36;
	v36 =	vsub.f32 $0.0e+00, v16;
	[tilespmem:v35+s21+$0x0] =	vst.idx.add.f32.msk $0xffff, v1  }
0x7f: {  	v21 =	vand.u32 $0x7FFFFFFF, v32;
	vm5 =	vge.f32 v32, $0.0e+00;
	v32 =	vor.u32 v2, v37;
	[tilespmem:v35+s22+$0x0] =	vst.idx.add.f32.msk $0xffff, v15  }
0x80: {  	v24 =	vor.u32 v2, v24;
	v35 =	vmul.f32 $1.442695020e+00, v36;
	v15 =	vld [tilespmem:s30+$0x0];
	(erf) = vpow2.f32 v27  }
0x81: {  	vm6 =	vge.f32 v8, $0.0e+00;
	v27 =	vand.u32 $0x7FFFFFFF, v8;
	v8 =	vadd.f32 $9.250321310e-04, v5  }
0x82: {  	vm11 =	vmneg vm6;
	v37 =	vsub.f32 $0.0e+00, v3;
	v5 =	vsub.f32 $0.0e+00, v27;
	v36 =	vld [tilespmem:s30+$0xFFFFFFF0]  }
0x83: {  	v29 =	vshll.u32 v29, $0x7;
	vm7 =	veq.s32 v31, $0x0;
	v31 =	vld [tilespmem:s30+$0x10];
	(erf) = vpow2.f32 v34  }
0x84: {  	v29 =	vor.u32 v2, v29;
	v5 =	vmul.f32 $1.442695020e+00, v5;
	(erf) = vpow2.f32 v35;
	[tilespmem:v32+s21+$0x0] =	vst.idx.add.f32.msk $0xffff, v1  }
0x85: {  	v26 =	vmul.f32 $1.442695020e+00, v26;
	v34 =	vsub.f32 $0.0e+00, v21;
	vm8 =	veq.s32 v15, $0x0;
	[tilespmem:v24+s21+$0x0] =	vst.idx.add.f32.msk $0xffff, v1  }
0x86: {  	v9 =	vadd.f32 v25, v9;
	v15 =	vmul.f32 $1.442695020e+00, v30;
	(erf) = vpow2.f32 v5;
	[tilespmem:v24+s22+$0x0] =	vst.idx.add.f32.msk $0xffff, v19  }
0x87: {  	v19 =	vmul.f32 $1.442695020e+00, v34;
	vm6 =	vmxor vm3, vm8;
	(erf) = vpow2.f32 v26;
	[tilespmem:v10+s21+$0x0] =	vst.idx.add.f32.msk $0xffff, v1  }
0x88: {  	v6 =	vshll.u32 v6, $0x7;
	vm9 =	veq.s32 v31, $0x0;
	(erf) = vpow2.f32 v15  }
0x89: {  	v15 =	vmul.f32 $1.442695020e+00, v37;
	(erf) = vpow2.f32 v19;
	v5 =	vpop (erf);
	[tilespmem:v32+s22+$0x0] =	vst.idx.add.f32.msk $0xffff, v9;
	v9 =	vor.u32 v2, v6  }
0x8a: {  	v4 =	vadd.f32 v8, v4;
	vm10 =	veq.s32 v36, $0x0;
	v6 =	vadd.f32 $1.000000000e+00, v5;
	[tilespmem:v29+s21+$0x0] =	vst.idx.add.f32.msk $0xffff, v1  }
0x8b: {  	vm3 =	vmxor vm2, vm10;
	(erf) = vpow2.f32 v15;
	[tilespmem:v29+s22+$0x0] =	vst.idx.add.f32.msk $0xffff, v14;
	v15 =	vadd.f32 v7, v23  }
0x8c: {  	vm2 =	vmxor vm11, vm7;
	v7 =	vnsel vm3, $0x0, v33;
	v25 =	vpop (erf);
	(erf) = vrcp.f32 v6;
	[tilespmem:v10+s22+$0x0] =	vst.idx.add.f32.msk $0xffff, v4  }
0x8d: {  	vm0 =	vmxor vm0, vm9;
	v10 =	vadd.f32 $1.000000000e+00, v25;
	v19 =	vmul.f32 $1.066847290e-01, v25;
	v14 =	vpop (erf);
	[tilespmem:v17+s21+$0x0] =	vst.idx.add.f32.msk $0xffff, v1  }
0x8e: {  	v6 =	vnsel vm2, $0x0, v27;
	v23 =	vadd.f32 $1.000000000e+00, v14;
	v24 =	vmul.f32 $1.066847290e-01, v14;
	[tilespmem:v9+s21+$0x0] =	vst.idx.add.f32.msk $0xffff, v1  }
0x8f: {  	vm11 =	vge.f32 v11, $0.0e+00;
	v4 =	vnsel vm6, $0x0, v12;
	v8 =	vpop (erf);
	(erf) = vrcp.f32 v10;
	[tilespmem:v28+s21+$0x0] =	vst.idx.add.f32.msk $0xffff, v1  }
0x90: {  	v12 =	vmul.f32 $1.066847290e-01, v8;
	v10 =	vadd.f32 $-3.935357930e-01, v24;
	v26 =	vpop (erf);
	(erf) = vrcp.f32 v23;
	[tilespmem:v28+s22+$0x0] =	vst.idx.add.f32.msk $0xffff, v22  }
0x91: {  	v19 =	vadd.f32 $-3.935357930e-01, v19;
	v22 =	vadd.f32 $1.000000000e+00, v26;
	v23 =	vmul.f32 $1.066847290e-01, v26;
	v27 =	vpop (erf);
	[tilespmem:v17+s22+$0x0] =	vst.idx.add.f32.msk $0xffff, v13  }
0x92: {  	v24 =	vadd.f32 $1.000000000e+00, v8;
	v10 =	vmul.f32 v10, v14;
	v28 =	vmul.f32 $1.066847290e-01, v27;
	v11 =	vpop (erf);
	[tilespmem:v9+s22+$0x0] =	vst.idx.add.f32.msk $0xffff, v15  }
0x93: {  	v15 =	vmul.f32 v19, v25;
	v29 =	vadd.f32 $1.000000000e+00, v27;
	v9 =	vadd.f32 $1.000000000e+00, v11  }
0x94: {  	vm1 =	vmxor vm1, vm10;
	v19 =	vadd.f32 $9.797534340e-01, v10;
	(erf) = vrcp.f32 v22;
	v13 =	vpop (erf)  }
0x95: {  	v17 =	vnsel vm1, $0x0, v20;
	v10 =	vadd.f32 $-3.935357930e-01, v23;
	(erf) = vrcp.f32 v24;
	v20 =	vpop (erf)  }
0x96: {  	v22 =	vnsel vm0, $0x0, v18;
	v18 =	vadd.f32 $1.000000000e+00, v13;
	(erf) = vrcp.f32 v29  }
0x97: {  	v10 =	vmul.f32 v10, v26;
	v29 =	vadd.f32 $-3.935357930e-01, v28;
	(erf) = vrcp.f32 v9  }
0x98: {  	vm5 =	vmxor vm5, vm7;
	v28 =	vmul.f32 $1.066847290e-01, v11;
	v24 =	vpop (erf);
	(erf) = vrcp.f32 v18  }
0x99: {  	vm4 =	vmneg vm4;
	vm7 =	vmxor vm11, vm8;
	v18 =	vmul.f32 v29, v27;
	v23 =	vpop (erf)  }
0x9a: {  	v9 =	vnsel vm5, $0x0, v21;
	v24 =	vmul.f32 $9.999899860e+00, v24;
	v21 =	vmul.f32 $9.999899860e+00, v23  }
0x9b: {  	vm4 =	vmxor vm4, vm9;
	v20 =	vmul.f32 $9.999899860e+00, v20;
	v23 =	vadd.f32 $9.797534340e-01, v18  }
0x9c: {  	v30 =	vmul.f32 $1.066847290e-01, v13;
	v28 =	vadd.f32 $-3.935357930e-01, v28;
	v29 =	vsub.f32 $9.999899860e+00, v21  }
0x9d: {  	v10 =	vadd.f32 $9.797534340e-01, v10;
	v31 =	vsub.f32 $9.999899860e+00, v20;
	v18 =	vnsel vm7, $0x0, v16;
	v16 =	vpop (erf)  }
0x9e: {  	v28 =	vmul.f32 v28, v11;
	v32 =	vsel vm7, v21, v29;
	v21 =	vmul.f32 v23, v27;
	v33 =	vpop (erf)  }
0x9f: {  	v34 =	vmul.f32 v10, v26;
	v10 =	vsel vm6, v20, v31;
	v16 =	vmul.f32 $9.999899860e+00, v16;
	v20 =	vpop (erf)  }
0xa0: {  	v26 =	vadd.f32 $-3.935357930e-01, v30;
	v10 =	vtrunc.f32 v10;
	v27 =	vsub.f32 $9.999899860e+00, v24;
	v30 =	vpop (erf)  }
.Ltmp0:
0xa1: {  	v10 =	vcvt.f32.s32 v10;
	v23 =	vmul.f32 $9.999899860e+00, v20;
	v31 =	vadd.f32 $9.250321310e-04, v21;
	v29 =	vpop (erf);
	(pc) =	sbr.rel @p1 .LBB2_2-.Ltmp0, $4  }
0xa2: {  	v21 =	vmul.f32 $9.999899860e+00, v30;
	v30 =	vadd.f32 $9.797534340e-01, v15;
	v15 =	vtrunc.f32 v32  }
0xa3: {  	v10 =	vshll.u32 v10, $0x7;
	v20 =	vcvt.f32.s32 v15;
	v15 =	vadd.f32 v31, v22  }
0xa4: {  	s29 =	sadd.s32 $0x4, s29;
	s31 =	sadd.s32 $0x2, s31;
	s30 =	sadd.s32 $0x40, s30;
	v26 =	vmul.f32 v26, v13;
	v10 =	vor.u32 v2, v10;
	v22 =	vmul.f32 v30, v25  }
0xa5: {  	s0 =	sadd.s32 $0x40, s0;
	p0 =	por !p0, !p0;
	s1 =	sadd.s32 $0x80, s1;
	v25 =	vadd.f32 $9.797534340e-01, v28;
	v28 =	vmul.f32 $9.999899860e+00, v33;
	v30 =	vadd.f32 $9.250321310e-04, v34  }
0xa6: {  	v31 =	vsub.f32 $9.999899860e+00, v23;
	v14 =	vmul.f32 v19, v14  }
0xa7: {  	v19 =	vmul.f32 $9.999899860e+00, v29;
	v24 =	vsel vm3, v24, v27;
	v29 =	vsub.f32 $9.999899860e+00, v21  }
0xa8: {  	v61 =	vsub.f32 $9.999899860e+00, v16;
	v20 =	vshll.u32 v20, $0x7;
	v12 =	vadd.f32 $-3.935357930e-01, v12  }
0xa9: {  	v27 =	vsub.f32 $9.999899860e+00, v28;
	v24 =	vtrunc.f32 v24;
	v20 =	vor.u32 v2, v20  }
0xaa: {  	v23 =	vsel vm0, v23, v31;
	v21 =	vsel vm5, v21, v29;
	v29 =	vmul.f32 $1.066847290e-01, v5  }
0xab: {  	v11 =	vmul.f32 v25, v11;
	v14 =	vadd.f32 $9.250321310e-04, v14;
	v23 =	vtrunc.f32 v23  }
0xac: {  	v24 =	vcvt.f32.s32 v24;
	v23 =	vcvt.f32.s32 v23;
	v29 =	vadd.f32 $-3.935357930e-01, v29  }
0xad: {  	v16 =	vsel vm1, v16, v61;
	v12 =	vmul.f32 v12, v8;
	v21 =	vtrunc.f32 v21  }
0xae: {  	v14 =	vadd.f32 v14, v18;
	v23 =	vshll.u32 v23, $0x7;
	v18 =	vmul.f32 v29, v5  }
0xaf: {  	v27 =	vsel vm2, v28, v27;
	v21 =	vcvt.f32.s32 v21;
	v23 =	vor.u32 v2, v23  }
0xb0: {  	v28 =	vsub.f32 $9.999899860e+00, v19;
	v16 =	vtrunc.f32 v16;
	v18 =	vadd.f32 $9.797534340e-01, v18  }
0xb1: {  	v27 =	vtrunc.f32 v27;
	v12 =	vadd.f32 $9.797534340e-01, v12;
	v21 =	vshll.u32 v21, $0x7  }
0xb2: {  	[tilespmem:v20+s21+$0x0] =	vst.idx.add.f32.msk $0xffff, v1;
	v21 =	vor.u32 v2, v21;
	v5 =	vmul.f32 v18, v5;
	v18 =	vcvt.f32.s32 v27  }
0xb3: {  	v11 =	vadd.f32 $9.250321310e-04, v11;
	v16 =	vcvt.f32.s32 v16;
	v19 =	vsel vm4, v19, v28;
	[tilespmem:v20+s22+$0x0] =	vst.idx.add.f32.msk $0xffff, v14  }
0xb4: {  	v8 =	vmul.f32 v12, v8;
	[tilespmem:v23+s21+$0x0] =	vst.idx.add.f32.msk $0xffff, v1;
	v5 =	vadd.f32 $9.250321310e-04, v5;
	v12 =	vshll.u32 v18, $0x7  }
0xb5: {  	[tilespmem:v23+s22+$0x0] =	vst.idx.add.f32.msk $0xffff, v15;
	v15 =	vshll.u32 v16, $0x7;
	v16 =	vtrunc.f32 v19;
	v12 =	vor.u32 v2, v12  }
0xb6: {  	v9 =	vadd.f32 v11, v9;
	[tilespmem:v10+s21+$0x0] =	vst.idx.add.f32.msk $0xffff, v1;
	v15 =	vor.u32 v2, v15;
	v16 =	vcvt.f32.s32 v16  }
0xb7: {  	[tilespmem:v21+s21+$0x0] =	vst.idx.add.f32.msk $0xffff, v1;
	v4 =	vadd.f32 v5, v4  }
0xb8: {  	v8 =	vadd.f32 $9.250321310e-04, v8;
	v19 =	vshll.u32 v24, $0x7;
	[tilespmem:v21+s22+$0x0] =	vst.idx.add.f32.msk $0xffff, v9;
	v14 =	vshll.u32 v16, $0x7  }
0xb9: {  	v11 =	vor.u32 v2, v19;
	[tilespmem:v10+s22+$0x0] =	vst.idx.add.f32.msk $0xffff, v4;
	v9 =	vor.u32 v2, v14;
	v14 =	vadd.f32 $9.797534340e-01, v26  }
0xba: {  	v6 =	vadd.f32 v8, v6;
	[tilespmem:v12+s21+$0x0] =	vst.idx.add.f32.msk $0xffff, v1  }
0xbb: {  	v17 =	vadd.f32 v30, v17;
	[tilespmem:v15+s21+$0x0] =	vst.idx.add.f32.msk $0xffff, v1;
	v5 =	vmul.f32 v14, v13  }
0xbc: {  	v4 =	vadd.f32 $9.250321310e-04, v22;
	[tilespmem:v12+s22+$0x0] =	vst.idx.add.f32.msk $0xffff, v6  }
0xbd: {  	[tilespmem:v15+s22+$0x0] =	vst.idx.add.f32.msk $0xffff, v17;
	v5 =	vadd.f32 $9.250321310e-04, v5  }
0xbe: {  	v3 =	vnsel vm4, $0x0, v3;
	v4 =	vadd.f32 v4, v7;
	[tilespmem:v11+s21+$0x0] =	vst.idx.add.f32.msk $0xffff, v1  }
0xbf: {  	[tilespmem:v9+s21+$0x0] =	vst.idx.add.f32.msk $0xffff, v1;
	v3 =	vadd.f32 v5, v3  }
0xc0: {  	[tilespmem:v11+s22+$0x0] =	vst.idx.add.f32.msk $0xffff, v4  }
0xc1: {  	[tilespmem:v9+s22+$0x0] =	vst.idx.add.f32.msk $0xffff, v3  }
0xc2: {  	s0 =	simm.s32 $0x0;
	s1 =	rddreg [dreg:$0x6]  }
0xc3: {  	[tilespmem:s0], [sflag:$0x1] =	stream.linear.gather [hbm4b:s1+s0], $0x8000, $0x38;
	[tilespmem:$0x19000] =	vst v63  }
0xc4: {  	s6 =	rddreg [dreg:$0x7]  }
0xc5: {  	[tilespmem:s16], [sflag:$0x3] =	stream.linear.gather [hbm4b:s6+s0], $0x4000, $0x38;
	[tilespmem:$0x19000] =	vst v63  }
0xc6: {  	_ =	swait.ge [sflag:s23], $0x8000  }
0xc7: {  	[sflag:s23] =	ssyncset.done $0x0  }
0xc8: {  	[sflag:s23] =	ssyncadd.s32 $0xFFFF8000  }
0xc9: {  	s5 =	simm.s32 $0x0;
	s7 =	sand.u32 $0x7F00, s0;
	_ =	swait.ge [sflag:s24], $0x4000  }
0xca: {  	s5 =	sand.u32 $0x40, s5;
	s1 =	sor.u32 $0x8000, s7;
	[sflag:s24] =	ssyncset.done $0x0  }
0xcb: {  	s5 =	sor.u32 s5, s1;
	[sflag:s24] =	ssyncadd.s32 $0xFFFFC000  }
0xcc: {  	v4 =	vld [tilespmem:s5+$0x0]  }
0xcd: {  	p0 =	por $0x0, $0x0;
	s9 =	sand.u32 $0x7, s0  }
0xce: {  	s8 =	simm.s32 $0x20;
	s9 =	sshll.u32 s9, $0x4;
	s7 =	simm.s32 $0x10  }
0xcf: {  	s8 =	sand.u32 $0x60, s8;
	s9 =	sadd.s32 $0x0, s9;
	s7 =	sand.u32 $0x50, s7  }
0xd0: {  	s6 =	simm.s32 $0x30;
	s7 =	sor.u32 s7, s1;
	s5 =	simm.s32 $0x1  }
0xd1: {  	s8 =	sor.u32 s8, s1;
	s6 =	sand.u32 $0x70, s6;
	v5 =	vld [tilespmem:s7+$0x0];
	s5 =	simm.s32 @!p0 $0x0;
	v9 =	vand.u32 $0x7FFFFFFF, v4  }
0xd2: {  	s10 =	sadd.s32 $0x30, s9;
	s1 =	sor.u32 s6, s1;
	v6 =	vld [tilespmem:s8+$0x0];
	s5 =	sshll.u32 s5, $0x6;
	v3 =	vsub.f32 $0.0e+00, v9  }
0xd3: {  	s12 =	sor.u32 $0x80, s10;
	v8 =	vld [tilespmem:s1+$0x0];
	s5 =	sadd.s32 $0x0, s5  }
0xd4: {  	v10 =	vld [tilespmem:s12+$0x8000];
	s5 =	sor.u32 $0x80, s5;
	v3 =	vmul.f32 $1.442695020e+00, v3  }
0xd5: {  	v7 =	vld [tilespmem:s5+$0x8000]  }
0xd6: {  	s18 =	simm.s32 $0x14020;
	s17 =	sadd.s32 $0x10, s9;
	s0 =	sand.u32 $0x3, s0;
	(erf) = vpow2.f32 v3  }
0xd7: {  	s0 =	sshll.u32 s0, $0x5;
	s1 =	sor.u32 $0x80, s17;
	v21 =	vld [tilespmem:s18+$0xFFFFFFF0]  }
0xd8: {  	s0 =	sadd.s32 $0x0, s0;
	v11 =	vld [tilespmem:s1+$0x8000];
	vm1 =	vge.f32 v4, $0.0e+00;
	vm0 =	vge.f32 v5, $0.0e+00;
	vm5 =	vge.f32 v6, $0.0e+00  }
0xd9: {  	s0 =	sadd.s32 $0x20, s0;
	v12 =	vand.u32 $0x7FFFFFFF, v8;
	v13 =	vand.u32 $0x7FFFFFFF, v10;
	vm2 =	vge.f32 v10, $0.0e+00  }
0xda: {  	s0 =	sor.u32 $0x80, s0;
	v16 =	vand.u32 $0x7FFFFFFF, v6;
	v3 =	vand.u32 $0x7FFFFFFF, v5;
	v17 =	vand.u32 $0x7FFFFFFF, v7  }
0xdb: {  	v5 =	vld [tilespmem:s0+$0x8000];
	vm4 =	vge.f32 v7, $0.0e+00;
	v4 =	vsub.f32 $0.0e+00, v3;
	v7 =	vsub.f32 $0.0e+00, v17  }
0xdc: {  	vm6 =	veq.s32 v21, $0x0;
	v14 =	vsub.f32 $0.0e+00, v12;
	v15 =	vsub.f32 $0.0e+00, v13  }
0xdd: {  	vm10 =	vmneg vm2;
	vm3 =	vge.f32 v11, $0.0e+00;
	v4 =	vmul.f32 $1.442695020e+00, v4  }
0xde: {  	v18 =	vand.u32 $0x7FFFFFFF, v11;
	v19 =	vsub.f32 $0.0e+00, v16;
	vm7 =	vmneg vm3  }
0xdf: {  	vm3 =	vmxor vm0, vm6;
	(erf) = vpow2.f32 v4;
	v4 =	vmul.f32 $1.442695020e+00, v7;
	v7 =	vpop (erf)  }
0xe0: {  	v14 =	vmul.f32 $1.442695020e+00, v14;
	v20 =	vand.u32 $0x7FFFFFFF, v5;
	v10 =	vmul.f32 $1.066847290e-01, v7  }
0xe1: {  	vm2 =	vge.f32 v5, $0.0e+00;
	v5 =	vmul.f32 $1.442695020e+00, v15;
	v15 =	vld [tilespmem:s18+$0xFFFFFFE0];
	v6 =	vadd.f32 $1.000000000e+00, v7  }
0xe2: {  	v19 =	vmul.f32 $1.442695020e+00, v19;
	vm4 =	vmneg vm4;
	v10 =	vadd.f32 $-3.935357930e-01, v10  }
0xe3: {  	v22 =	vsub.f32 $0.0e+00, v20;
	vm0 =	vmneg vm2;
	(erf) = vrcp.f32 v6  }
0xe4: {  	vm2 =	vge.f32 v8, $0.0e+00;
	(erf) = vpow2.f32 v4;
	v4 =	vmul.f32 v10, v7;
	v10 =	vld [tilespmem:s18+$0x0]  }
0xe5: {  	v11 =	vmul.f32 $1.442695020e+00, v22;
	v6 =	vsub.f32 $0.0e+00, v18;
	(erf) = vpow2.f32 v19  }
0xe6: {  	vm8 =	veq.s32 v15, $0x0;
	(erf) = vpow2.f32 v14;
	v14 =	vld [tilespmem:s18+$0x10];
	v19 =	vadd.f32 $9.797534340e-01, v4  }
0xe7: {  	vm12 =	vmxor vm1, vm8;
	vm4 =	vmxor vm4, vm8;
	v6 =	vmul.f32 $1.442695020e+00, v6  }
0xe8: {  	v25 =	vnsel vm12, $0x0, v9;
	v4 =	vpop (erf);
	(erf) = vpow2.f32 v11;
	v11 =	vmul.f32 v19, v7  }
0xe9: {  	v7 =	vadd.f32 $1.000000000e+00, v4;
	(erf) = vpow2.f32 v6;
	vm9 =	veq.s32 v10, $0x0  }
0xea: {  	v6 =	vmul.f32 $1.066847290e-01, v4;
	(erf) = vpow2.f32 v5;
	vm0 =	vmxor vm0, vm9  }
0xeb: {  	vm11 =	veq.s32 v14, $0x0;
	v11 =	vadd.f32 $9.250321310e-04, v11;
	vm9 =	vmxor vm5, vm9  }
0xec: {  	vm5 =	vmxor vm7, vm6;
	(erf) = vrcp.f32 v7;
	v10 =	vadd.f32 $-3.935357930e-01, v6;
	v5 =	vpop (erf)  }
0xed: {  	vm2 =	vmxor vm2, vm11;
	vm1 =	vmxor vm10, vm11;
	v6 =	vmul.f32 $9.999899860e+00, v5  }
0xee: {  	v7 =	vnsel vm0, $0x0, v20;
	v14 =	vpop (erf);
	v5 =	vnsel vm1, $0x0, v13;
	v25 =	vadd.f32 v11, v25  }
0xef: {  	v19 =	vmul.f32 $1.066847290e-01, v14;
	v20 =	vpop (erf);
	v21 =	vadd.f32 $1.000000000e+00, v14;
	v8 =	vsub.f32 $9.999899860e+00, v6  }
0xf0: {  	v10 =	vmul.f32 v10, v4;
	v22 =	vmul.f32 $1.066847290e-01, v20;
	v13 =	vpop (erf);
	v24 =	vadd.f32 $1.000000000e+00, v20  }
0xf1: {  	v28 =	vadd.f32 $1.000000000e+00, v13;
	v23 =	vsel vm12, v6, v8;
	v6 =	vnsel vm2, $0x0, v12  }
0xf2: {  	v12 =	vadd.f32 $-3.935357930e-01, v19;
	v19 =	vadd.f32 $-3.935357930e-01, v22;
	v15 =	vpop (erf);
	v23 =	vtrunc.f32 v23  }
0xf3: {  	v10 =	vadd.f32 $9.797534340e-01, v10;
	(erf) = vrcp.f32 v24;
	v22 =	vmul.f32 $1.066847290e-01, v15  }
0xf4: {  	v8 =	vpop (erf);
	v27 =	vadd.f32 $1.000000000e+00, v15;
	v23 =	vcvt.f32.s32 v23;
	v19 =	vmul.f32 v19, v20  }
0xf5: {  	v12 =	vmul.f32 v12, v14;
	v26 =	vmul.f32 $1.066847290e-01, v8;
	v9 =	vpop (erf);
	v24 =	vadd.f32 $1.000000000e+00, v8  }
0xf6: {  	(erf) = vrcp.f32 v27;
	v27 =	vadd.f32 $1.000000000e+00, v9;
	v11 =	vadd.f32 $9.797534340e-01, v19  }
0xf7: {  	v19 =	vmul.f32 $1.066847290e-01, v13;
	v12 =	vadd.f32 $9.797534340e-01, v12;
	(erf) = vrcp.f32 v28  }
0xf8: {  	v11 =	vmul.f32 v11, v20;
	(erf) = vrcp.f32 v24;
	v20 =	vadd.f32 $-3.935357930e-01, v22  }
0xf9: {  	v23 =	vshll.u32 v23, $0x7;
	v19 =	vadd.f32 $-3.935357930e-01, v19;
	v22 =	vadd.f32 $-3.935357930e-01, v26  }
0xfa: {  	v28 =	vor.u32 v2, v23;
	v29 =	vmul.f32 v12, v14;
	(erf) = vrcp.f32 v21  }
0xfb: {  	v21 =	vpop (erf);
	v26 =	vadd.f32 $9.250321310e-04, v11;
	v11 =	vmul.f32 v19, v13;
	v19 =	vmul.f32 v22, v8  }
0xfc: {  	v24 =	vnsel vm9, $0x0, v16;
	(erf) = vrcp.f32 v27;
	v27 =	vmul.f32 $9.999899860e+00, v21;
	v16 =	vpop (erf)  }
0xfd: {  	v20 =	vmul.f32 v20, v15;
	v23 =	vadd.f32 $9.797534340e-01, v11;
	v62 =	vmul.f32 $9.999899860e+00, v16  }
0xfe: {  	v11 =	vnsel vm5, $0x0, v18;
	v12 =	vadd.f32 v26, v24;
	v63 =	vsub.f32 $9.999899860e+00, v27  }
0xff: {  	v26 =	vmul.f32 $1.066847290e-01, v9;
	v16 =	vadd.f32 $9.797534340e-01, v19;
	v22 =	vpop (erf);
	v19 =	vsub.f32 $9.999899860e+00, v62  }
0x100: {  	v24 =	vadd.f32 $9.797534340e-01, v20;
	v18 =	vnsel vm4, $0x0, v17;
	v27 =	vsel vm3, v27, v63;
	v21 =	vpop (erf)  }
0x101: {  	s28 =	simm.s32 $0x0;
	v14 =	vmul.f32 $9.999899860e+00, v22;
	v19 =	vsel vm9, v62, v19;
	v20 =	vpop (erf);
	v21 =	vmul.f32 $9.999899860e+00, v21  }
0x102: {  	s29 =	simm.s32 $0x4;
	s30 =	simm.s32 $0x14060;
	s31 =	simm.s32 $0x2;
	[tilespmem:v28+s21+$0x0] =	vst.idx.add.f32.msk $0xffff, v1;
	v26 =	vadd.f32 $-3.935357930e-01, v26;
	v22 =	vmul.f32 $9.999899860e+00, v20;
	v17 =	vtrunc.f32 v19  }
0x103: {  	s1 =	simm.s32 $0x80;
	p0 =	por !p0, !p0;
	s0 =	simm.s32 $0x70;
	[tilespmem:v28+s22+$0x0] =	vst.idx.add.f32.msk $0xffff, v25;
	v25 =	vpop (erf);
	v20 =	vadd.f32 $9.250321310e-04, v29;
	v19 =	vcvt.f32.s32 v17;
	v17 =	vsub.f32 $9.999899860e+00, v14  }
.LBB2_4:
0x104: {  	s5 =	sand.u32 $0x7F00, s1  }
0x105: {  	s6 =	sadd.s32 $0xFFFFFFD0, s0;
	s7 =	sadd.s32 $0xFFFFFFE0, s0;
	v27 =	vtrunc.f32 v27;
	v3 =	vnsel vm3, $0x0, v3;
	v24 =	vmul.f32 v24, v15;
	s8 =	simm.s32 $0x1  }
0x106: {  	s9 =	sadd.s32 $0xFFFFFFF0, s0;
	s10 =	sand.u32 $0x70, s0;
	v13 =	vmul.f32 v23, v13;
	s8 =	simm.s32 @!p0 $0x0;
	v15 =	vadd.f32 v20, v18;
	v18 =	vcvt.f32.s32 v27  }
0x107: {  	s12 =	sand.u32 $0x7, s29;
	v23 =	vsub.f32 $9.999899860e+00, v22;
	s5 =	sor.u32 $0x8000, s5;
	v20 =	vmul.f32 $9.999899860e+00, v25;
	v25 =	vmul.f32 v26, v9;
	s8 =	sshll.u32 s8, $0x6;
	v26 =	vpop (erf)  }
0x108: {  	s7 =	sand.u32 $0x50, s7;
	s9 =	sand.u32 $0x60, s9;
	v24 =	vadd.f32 $9.250321310e-04, v24;
	v13 =	vadd.f32 $9.250321310e-04, v13;
	s8 =	sadd.s32 s8, s1;
	v26 =	vmul.f32 $9.999899860e+00, v26  }
0x109: {  	s12 =	sshll.u32 s12, $0x4;
	s6 =	sand.u32 $0x40, s6;
	s7 =	sor.u32 s7, s5;
	v22 =	vsel vm5, v22, v23;
	v23 =	vsub.f32 $9.999899860e+00, v21;
	v25 =	vadd.f32 $9.797534340e-01, v25  }
0x10a: {  	s17 =	sand.u32 $0x3, s31;
	s6 =	sor.u32 s6, s5;
	s12 =	sadd.s32 s12, s1;
	v27 =	vsub.f32 $9.999899860e+00, v20;
	v22 =	vtrunc.f32 v22;
	v24 =	vadd.f32 v24, v7  }
0x10b: {  	v19 =	vshll.u32 v19, $0x7;
	s17 =	sshll.u32 s17, $0x5;
	v22 =	vcvt.f32.s32 v22;
	v21 =	vsel vm2, v21, v23;
	v7 =	vld [tilespmem:s6+$0x0];
	s6 =	sadd.s32 $0x10, s12;
	s12 =	sadd.s32 $0x30, s12  }
0x10c: {  	s8 =	sor.u32 $0x80, s8;
	v21 =	vtrunc.f32 v21;
	v28 =	vsub.f32 $9.999899860e+00, v26;
	v9 =	vmul.f32 v25, v9;
	v23 =	vld [tilespmem:s7+$0x0];
	s6 =	sor.u32 $0x80, s6;
	s7 =	sor.u32 $0x80, s12  }
0x10d: {  	v8 =	vmul.f32 v16, v8;
	s9 =	sor.u32 s9, s5;
	s5 =	sor.u32 s10, s5;
	v16 =	vshll.u32 v22, $0x7;
	v21 =	vcvt.f32.s32 v21;
	s12 =	sadd.s32 s1, s17  }
0x10e: {  	s28 =	sadd.s32 $0x4, s28;
	v16 =	vor.u32 v2, v16;
	v25 =	vsel vm1, v26, v28;
	v26 =	vadd.f32 $9.250321310e-04, v9;
	v22 =	vld [tilespmem:s6+$0x8000];
	s6 =	sadd.s32 $0x20, s12  }
0x10f: {  	p1 =	slt.u32 s28, $0x3FC;
	v8 =	vadd.f32 $9.250321310e-04, v8;
	v21 =	vshll.u32 v21, $0x7;
	v25 =	vtrunc.f32 v25;
	s6 =	sor.u32 $0x80, s6  }
0x110: {  	v25 =	vcvt.f32.s32 v25;
	v9 =	vand.u32 $0x7FFFFFFF, v7;
	vm1 =	vge.f32 v7, $0.0e+00;
	v7 =	vld [tilespmem:s5+$0x0]  }
0x111: {  	v18 =	vshll.u32 v18, $0x7;
	v5 =	vadd.f32 v26, v5;
	v28 =	vsub.f32 $0.0e+00, v9;
	v29 =	vld [tilespmem:s7+$0x8000]  }
0x112: {  	v4 =	vmul.f32 v10, v4;
	v10 =	vor.u32 v2, v18;
	v18 =	vor.u32 v2, v21;
	v26 =	vld [tilespmem:s30+$0xFFFFFFE0]  }
0x113: {  	v14 =	vsel vm0, v14, v17;
	v19 =	vor.u32 v2, v19;
	v21 =	vmul.f32 $1.442695020e+00, v28;
	v28 =	vld [tilespmem:s9+$0x0]  }
0x114: {  	v14 =	vtrunc.f32 v14;
	v6 =	vadd.f32 v13, v6;
	v13 =	vshll.u32 v25, $0x7;
	v30 =	vld [tilespmem:s6+$0x8000]  }
0x115: {  	v4 =	vadd.f32 $9.250321310e-04, v4;
	v14 =	vcvt.f32.s32 v14;
	v25 =	vld [tilespmem:s8+$0x8000];
	(erf) = vpow2.f32 v21  }
0x116: {  	v17 =	vsel vm4, v20, v27;
	vm0 =	vge.f32 v23, $0.0e+00;
	v13 =	vor.u32 v2, v13;
	v21 =	vld [tilespmem:s30+$0xFFFFFFF0]  }
0x117: {  	v4 =	vadd.f32 v4, v3;
	v14 =	vshll.u32 v14, $0x7;
	v17 =	vtrunc.f32 v17;
	[tilespmem:v10+s21+$0x0] =	vst.idx.add.f32.msk $0xffff, v1  }
0x118: {  	v8 =	vadd.f32 v8, v11;
	v14 =	vor.u32 v2, v14;
	v3 =	vand.u32 $0x7FFFFFFF, v23;
	[tilespmem:v19+s21+$0x0] =	vst.idx.add.f32.msk $0xffff, v1  }
0x119: {  	v20 =	vcvt.f32.s32 v17;
	v11 =	vsub.f32 $0.0e+00, v3;
	vm5 =	vge.f32 v28, $0.0e+00;
	[tilespmem:v19+s22+$0x0] =	vst.idx.add.f32.msk $0xffff, v12  }
0x11a: {  	v19 =	vand.u32 $0x7FFFFFFF, v29;
	v17 =	vand.u32 $0x7FFFFFFF, v25;
	vm4 =	vge.f32 v25, $0.0e+00;
	[tilespmem:v18+s21+$0x0] =	vst.idx.add.f32.msk $0xffff, v1  }
0x11b: {  	v11 =	vmul.f32 $1.442695020e+00, v11;
	v23 =	vand.u32 $0x7FFFFFFF, v7;
	v12 =	vsub.f32 $0.0e+00, v17;
	[tilespmem:v18+s22+$0x0] =	vst.idx.add.f32.msk $0xffff, v6  }
0x11c: {  	vm2 =	vge.f32 v29, $0.0e+00;
	v6 =	vsub.f32 $0.0e+00, v23;
	v18 =	vsub.f32 $0.0e+00, v19;
	[tilespmem:v10+s22+$0x0] =	vst.idx.add.f32.msk $0xffff, v4  }
0x11d: {  	vm9 =	vmneg vm2;
	v4 =	vmul.f32 $1.442695020e+00, v12;
	(erf) = vpow2.f32 v11;
	[tilespmem:v16+s21+$0x0] =	vst.idx.add.f32.msk $0xffff, v1  }
0x11e: {  	v20 =	vshll.u32 v20, $0x7;
	v11 =	vand.u32 $0x7FFFFFFF, v22;
	v12 =	vand.u32 $0x7FFFFFFF, v28;
	v10 =	vpop (erf);
	[tilespmem:v14+s21+$0x0] =	vst.idx.add.f32.msk $0xffff, v1  }
0x11f: {  	v20 =	vor.u32 v2, v20;
	v25 =	vadd.f32 $1.000000000e+00, v10;
	v27 =	vmul.f32 $1.066847290e-01, v10;
	[tilespmem:v13+s21+$0x0] =	vst.idx.add.f32.msk $0xffff, v1  }
0x120: {  	v29 =	vand.u32 $0x7FFFFFFF, v30;
	v6 =	vmul.f32 $1.442695020e+00, v6;
	v28 =	vsub.f32 $0.0e+00, v12;
	[tilespmem:v14+s22+$0x0] =	vst.idx.add.f32.msk $0xffff, v24  }
0x121: {  	v24 =	vsub.f32 $0.0e+00, v29;
	v14 =	vadd.f32 $-3.935357930e-01, v27;
	(erf) = vrcp.f32 v25;
	[tilespmem:v13+s22+$0x0] =	vst.idx.add.f32.msk $0xffff, v5  }
0x122: {  	v5 =	vsub.f32 $0.0e+00, v11;
	v13 =	vmul.f32 $1.442695020e+00, v28;
	(erf) = vpow2.f32 v4;
	[tilespmem:v16+s22+$0x0] =	vst.idx.add.f32.msk $0xffff, v8  }
0x123: {  	vm2 =	vge.f32 v30, $0.0e+00;
	v25 =	vmul.f32 v14, v10;
	v8 =	vld [tilespmem:s30+$0x0];
	v14 =	vmul.f32 $1.442695020e+00, v18  }
0x124: {  	vm3 =	vge.f32 v22, $0.0e+00;
	v16 =	vmul.f32 $1.442695020e+00, v24;
	(erf) = vpow2.f32 v13;
	[tilespmem:v20+s21+$0x0] =	vst.idx.add.f32.msk $0xffff, v1  }
0x125: {  	v5 =	vmul.f32 $1.442695020e+00, v5;
	v13 =	vadd.f32 $9.797534340e-01, v25;
	(erf) = vpow2.f32 v6;
	[tilespmem:v20+s22+$0x0] =	vst.idx.add.f32.msk $0xffff, v15  }
0x126: {  	vm7 =	vmneg vm3;
	vm6 =	veq.s32 v21, $0x0;
	v6 =	vld [tilespmem:s30+$0x10];
	v4 =	vpop (erf);
	(erf) = vpow2.f32 v16  }
0x127: {  	v10 =	vmul.f32 v13, v10;
	v13 =	vadd.f32 $1.000000000e+00, v4;
	(erf) = vpow2.f32 v5  }
0x128: {  	vm3 =	vmxor vm0, vm6;
	v15 =	vmul.f32 $1.066847290e-01, v4;
	(erf) = vpow2.f32 v14  }
0x129: {  	vm0 =	vmneg vm2;
	vm10 =	veq.s32 v8, $0x0;
	(erf) = vrcp.f32 v13  }
0x12a: {  	vm8 =	veq.s32 v26, $0x0;
	vm2 =	vge.f32 v7, $0.0e+00;
	v14 =	vadd.f32 $-3.935357930e-01, v15;
	v5 =	vpop (erf)  }
0x12b: {  	vm0 =	vmxor vm0, vm10;
	v8 =	vmul.f32 $9.999899860e+00, v5;
	vm11 =	veq.s32 v6, $0x0;
	v16 =	vpop (erf)  }
0x12c: {  	vm12 =	vmxor vm1, vm8;
	vm2 =	vmxor vm2, vm11;
	vm1 =	vmxor vm9, vm11  }
0x12d: {  	v7 =	vnsel vm0, $0x0, v29;
	v18 =	vmul.f32 $1.066847290e-01, v16;
	v6 =	vsub.f32 $9.999899860e+00, v8;
	v20 =	vpop (erf)  }
0x12e: {  	v21 =	vadd.f32 $1.000000000e+00, v16;
	v5 =	vnsel vm1, $0x0, v19;
	v22 =	vmul.f32 $1.066847290e-01, v20;
	v13 =	vpop (erf)  }
0x12f: {  	v24 =	vadd.f32 $1.000000000e+00, v20;
	v19 =	vsel vm12, v8, v6;
	v6 =	vnsel vm2, $0x0, v23;
	v15 =	vpop (erf)  }
0x130: {  	v18 =	vadd.f32 $-3.935357930e-01, v18;
	v22 =	vadd.f32 $-3.935357930e-01, v22;
	v23 =	vmul.f32 $1.066847290e-01, v15;
	v8 =	vpop (erf)  }
0x131: {  	v25 =	vnsel vm12, $0x0, v9;
	v27 =	vadd.f32 $1.000000000e+00, v15;
	v26 =	vmul.f32 $1.066847290e-01, v8;
	v9 =	vpop (erf)  }
0x132: {  	v28 =	vadd.f32 $1.000000000e+00, v13;
	v19 =	vtrunc.f32 v19;
	v29 =	vpop (erf);
	(erf) = vrcp.f32 v24  }
0x133: {  	v19 =	vcvt.f32.s32 v19;
	v24 =	vadd.f32 $1.000000000e+00, v8;
	(erf) = vrcp.f32 v27  }
0x134: {  	v10 =	vadd.f32 $9.250321310e-04, v10;
	v22 =	vmul.f32 v22, v20;
	v27 =	vadd.f32 $1.000000000e+00, v9  }
0x135: {  	v14 =	vmul.f32 v14, v4;
	v18 =	vmul.f32 v18, v16;
	v19 =	vshll.u32 v19, $0x7  }
0x136: {  	v25 =	vadd.f32 v10, v25;
	v22 =	vadd.f32 $9.797534340e-01, v22;
	(erf) = vrcp.f32 v28  }
0x137: {  	v10 =	vadd.f32 $9.797534340e-01, v14;
	v14 =	vmul.f32 $1.066847290e-01, v13;
	v19 =	vor.u32 v2, v19  }
0x138: {  	v18 =	vadd.f32 $9.797534340e-01, v18;
	v20 =	vmul.f32 v22, v20;
	(erf) = vrcp.f32 v24  }
0x139: {  	vm9 =	vmxor vm5, vm10;
	v22 =	vadd.f32 $-3.935357930e-01, v23;
	v28 =	vadd.f32 $-3.935357930e-01, v14  }
0x13a: {  	v12 =	vnsel vm9, $0x0, v12;
	v23 =	vadd.f32 $-3.935357930e-01, v26;
	(erf) = vrcp.f32 v21  }
0x13b: {  	vm4 =	vmneg vm4;
	v20 =	vadd.f32 $9.250321310e-04, v20;
	v21 =	vmul.f32 v28, v13;
	v14 =	vpop (erf)  }
0x13c: {  	vm5 =	vmxor vm7, vm6;
	v23 =	vmul.f32 v23, v8;
	v22 =	vmul.f32 v22, v15;
	[tilespmem:v19+s21+$0x0] =	vst.idx.add.f32.msk $0xffff, v1;
	v24 =	vpop (erf)  }
0x13d: {  	vm4 =	vmxor vm4, vm8;
	v26 =	vmul.f32 v18, v16;
	v18 =	vmul.f32 $9.999899860e+00, v14;
	[tilespmem:v19+s22+$0x0] =	vst.idx.add.f32.msk $0xffff, v25  }
0x13e: {  	v16 =	vadd.f32 $9.797534340e-01, v23;
	v14 =	vmul.f32 $9.999899860e+00, v24;
	(erf) = vrcp.f32 v27  }
0x13f: {  	v23 =	vadd.f32 $9.797534340e-01, v21;
	v27 =	vmul.f32 $9.999899860e+00, v29;
	v19 =	vsub.f32 $9.999899860e+00, v18;
	v21 =	vpop (erf)  }
.Ltmp1:
0x140: {  	v11 =	vnsel vm5, $0x0, v11;
	v12 =	vadd.f32 v20, v12;
	v28 =	vmul.f32 $1.066847290e-01, v9;
	(pc) =	sbr.rel @p1 .LBB2_4-.Ltmp1, $4  }
0x141: {  	v24 =	vadd.f32 $9.797534340e-01, v22;
	v29 =	vsub.f32 $9.999899860e+00, v27;
	v19 =	vsel vm9, v18, v19;
	v20 =	vpop (erf)  }
0x142: {  	v18 =	vnsel vm4, $0x0, v17;
	v17 =	vtrunc.f32 v19;
	v22 =	vmul.f32 $9.999899860e+00, v20  }
0x143: {  	s29 =	sadd.s32 $0x4, s29;
	s31 =	sadd.s32 $0x2, s31;
	s30 =	sadd.s32 $0x40, s30;
	v21 =	vmul.f32 $9.999899860e+00, v21;
	v19 =	vcvt.f32.s32 v17;
	v17 =	vsub.f32 $9.999899860e+00, v14;
	v25 =	vpop (erf)  }
0x144: {  	s0 =	sadd.s32 $0x40, s0;
	p0 =	por !p0, !p0;
	s1 =	sadd.s32 $0x80, s1;
	v20 =	vadd.f32 $9.250321310e-04, v26;
	v27 =	vsel vm3, v27, v29;
	v26 =	vadd.f32 $-3.935357930e-01, v28  }
0x145: {  	v27 =	vtrunc.f32 v27;
	v3 =	vnsel vm3, $0x0, v3;
	v15 =	vmul.f32 v24, v15  }
0x146: {  	v13 =	vmul.f32 v23, v13;
	v23 =	vsub.f32 $9.999899860e+00, v22;
	v25 =	vmul.f32 $9.999899860e+00, v25  }
0x147: {  	v19 =	vshll.u32 v19, $0x7;
	v14 =	vsel vm0, v14, v17;
	v4 =	vmul.f32 v10, v4  }
0x148: {  	v24 =	vcvt.f32.s32 v27;
	v27 =	vsub.f32 $9.999899860e+00, v21;
	v26 =	vmul.f32 v26, v9  }
0x149: {  	v19 =	vor.u32 v2, v19;
	v14 =	vtrunc.f32 v14;
	v28 =	vpop (erf);
	v13 =	vadd.f32 $9.250321310e-04, v13  }
0x14a: {  	v22 =	vsel vm5, v22, v23;
	v23 =	vmul.f32 $9.999899860e+00, v28;
	v21 =	vsel vm2, v21, v27  }
0x14b: {  	v10 =	vcvt.f32.s32 v14;
	v14 =	vsub.f32 $9.999899860e+00, v25;
	v21 =	vtrunc.f32 v21  }
0x14c: {  	v24 =	vshll.u32 v24, $0x7;
	v27 =	vsub.f32 $9.999899860e+00, v23;
	v21 =	vcvt.f32.s32 v21  }
0x14d: {  	v4 =	vadd.f32 $9.250321310e-04, v4;
	v22 =	vtrunc.f32 v22;
	v24 =	vor.u32 v2, v24  }
0x14e: {  	v26 =	vadd.f32 $9.797534340e-01, v26;
	v23 =	vsel vm1, v23, v27;
	v21 =	vshll.u32 v21, $0x7  }
0x14f: {  	v22 =	vcvt.f32.s32 v22;
	v17 =	vtrunc.f32 v23;
	v21 =	vor.u32 v2, v21  }
0x150: {  	v6 =	vadd.f32 v13, v6;
	v10 =	vshll.u32 v10, $0x7;
	[tilespmem:v19+s21+$0x0] =	vst.idx.add.f32.msk $0xffff, v1;
	v17 =	vcvt.f32.s32 v17  }
0x151: {  	v3 =	vadd.f32 v4, v3;
	v10 =	vor.u32 v2, v10;
	v22 =	vshll.u32 v22, $0x7;
	[tilespmem:v19+s22+$0x0] =	vst.idx.add.f32.msk $0xffff, v12  }
0x152: {  	v14 =	vsel vm4, v25, v14;
	v22 =	vor.u32 v2, v22;
	[tilespmem:v24+s21+$0x0] =	vst.idx.add.f32.msk $0xffff, v1;
	v13 =	vshll.u32 v17, $0x7  }
0x153: {  	[tilespmem:v24+s22+$0x0] =	vst.idx.add.f32.msk $0xffff, v3;
	v12 =	vor.u32 v2, v13;
	v13 =	vtrunc.f32 v14  }
0x154: {  	v4 =	vmul.f32 v26, v9;
	[tilespmem:v21+s21+$0x0] =	vst.idx.add.f32.msk $0xffff, v1;
	v9 =	vcvt.f32.s32 v13  }
0x155: {  	v8 =	vmul.f32 v16, v8;
	[tilespmem:v21+s22+$0x0] =	vst.idx.add.f32.msk $0xffff, v6;
	v6 =	vadd.f32 $9.250321310e-04, v15  }
0x156: {  	v3 =	vadd.f32 $9.250321310e-04, v4;
	[tilespmem:v10+s21+$0x0] =	vst.idx.add.f32.msk $0xffff, v1;
	v4 =	vshll.u32 v9, $0x7  }
0x157: {  	[tilespmem:v22+s21+$0x0] =	vst.idx.add.f32.msk $0xffff, v1;
	v6 =	vadd.f32 v6, v7;
	v7 =	vadd.f32 $9.250321310e-04, v8;
	v4 =	vor.u32 v2, v4  }
0x158: {  	v3 =	vadd.f32 v3, v5;
	[tilespmem:v12+s21+$0x0] =	vst.idx.add.f32.msk $0xffff, v1  }
0x159: {  	v5 =	vadd.f32 v7, v11;
	[tilespmem:v10+s22+$0x0] =	vst.idx.add.f32.msk $0xffff, v6  }
0x15a: {  	[tilespmem:v12+s22+$0x0] =	vst.idx.add.f32.msk $0xffff, v3  }
0x15b: {  	v3 =	vadd.f32 v20, v18;
	[tilespmem:v22+s22+$0x0] =	vst.idx.add.f32.msk $0xffff, v5  }
0x15c: {  	[tilespmem:v4+s21+$0x0] =	vst.idx.add.f32.msk $0xffff, v1  }
0x15d: {  	[tilespmem:v4+s22+$0x0] =	vst.idx.add.f32.msk $0xffff, v3  }
0x15e: {  	s0 =	simm.s32 $0x0;
	s5 =	simm.s32 $0x8000;
	s1 =	rddreg [dreg:$0x8]  }
0x15f: {  	[tilespmem:s5], [sflag:$0x2] =	stream.linear.gather [hbm4b:s1+s0], $0x8000, $0x38;
	[tilespmem:$0x19000] =	vst v63  }
0x160: {  	s10 =	simm.s32 $0x14000;
	s9 =	rddreg [dreg:$0x9]  }
0x161: {  	[tilespmem:s10], [sflag:$0x4] =	stream.linear.gather [hbm4b:s9+s0], $0x4000, $0x38;
	[tilespmem:$0x19000] =	vst v63  }
0x162: {  	s17 =	simm.s32 $0x30;
	_ =	swait.ge [sflag:s19], $0x8000  }
0x163: {  	s7 =	simm.s32 $0x10;
	s12 =	sand.u32 $0x3, s0;
	[sflag:s19] =	ssyncset.done $0x0  }
0x164: {  	s6 =	sand.u32 $0x7, s0;
	s1 =	sshll.u32 s12, $0x5;
	[sflag:s19] =	ssyncadd.s32 $0xFFFF8000  }
0x165: {  	s6 =	sshll.u32 s6, $0x4;
	s1 =	sadd.s32 $0x0, s1;
	_ =	swait.ge [sflag:s20], $0x4000  }
0x166: {  	s5 =	sand.u32 $0x70, s17;
	s1 =	sadd.s32 $0x20, s1;
	[sflag:s20] =	ssyncset.done $0x0  }
0x167: {  	s0 =	sand.u32 $0x7F00, s0;
	s1 =	sor.u32 $0x80, s1;
	[sflag:s20] =	ssyncadd.s32 $0xFFFFC000  }
0x168: {  	s7 =	sand.u32 $0x50, s7;
	s6 =	sadd.s32 $0x0, s6;
	s5 =	sor.u32 s5, s0;
	v3 =	vld [tilespmem:s1+$0x0]  }
0x169: {  	s8 =	simm.s32 $0x20;
	s9 =	sadd.s32 $0x10, s6;
	s7 =	sor.u32 s7, s0;
	v4 =	vld [tilespmem:s5+$0x0]  }
0x16a: {  	s8 =	sand.u32 $0x60, s8;
	s18 =	sor.u32 $0x80, s9;
	v5 =	vld [tilespmem:s7+$0x0]  }
0x16b: {  	p0 =	por $0x0, $0x0;
	s6 =	sadd.s32 $0x30, s6;
	s9 =	sor.u32 s8, s0;
	v6 =	vld [tilespmem:s18+$0x0]  }
0x16c: {  	s12 =	simm.s32 $0x0;
	s10 =	sor.u32 $0x80, s6;
	s1 =	simm.s32 $0x1;
	v8 =	vld [tilespmem:s9+$0x0]  }
0x16d: {  	s17 =	sand.u32 $0x40, s12;
	v7 =	vld [tilespmem:s10+$0x0];
	s1 =	simm.s32 @!p0 $0x0  }
0x16e: {  	s0 =	sor.u32 s17, s0;
	s1 =	sshll.u32 s1, $0x6  }
0x16f: {  	v14 =	vld [tilespmem:s0+$0x0];
	s1 =	sadd.s32 $0x0, s1;
	v9 =	vand.u32 $0x7FFFFFFF, v3  }
0x170: {  	s1 =	sor.u32 $0x80, s1;
	vm0 =	vge.f32 v4, $0.0e+00;
	v10 =	vand.u32 $0x7FFFFFFF, v4;
	v15 =	vand.u32 $0x7FFFFFFF, v5  }
0x171: {  	v4 =	vld [tilespmem:s1+$0x0];
	vm1 =	vge.f32 v5, $0.0e+00;
	v13 =	vand.u32 $0x7FFFFFFF, v6;
	vm2 =	vge.f32 v3, $0.0e+00  }
0x172: {  	v18 =	vand.u32 $0x7FFFFFFF, v8;
	v3 =	vand.u32 $0x7FFFFFFF, v7;
	v11 =	vsub.f32 $0.0e+00, v9  }
0x173: {  	vm4 =	vge.f32 v7, $0.0e+00;
	vm3 =	vge.f32 v6, $0.0e+00;
	v16 =	vsub.f32 $0.0e+00, v13  }
0x174: {  	v20 =	vand.u32 $0x7FFFFFFF, v14;
	v17 =	vsub.f32 $0.0e+00, v18;
	v11 =	vmul.f32 $1.442695020e+00, v11  }
0x175: {  	vm5 =	vge.f32 v14, $0.0e+00;
	vm15 =	vge.f32 v8, $0.0e+00;
	v7 =	vmul.f32 $1.442695020e+00, v16  }
0x176: {  	s18 =	simm.s32 $0x10020;
	v6 =	vmul.f32 $1.442695020e+00, v17;
	(erf) = vpow2.f32 v11;
	v11 =	vand.u32 $0x7FFFFFFF, v4  }
0x177: {  	v12 =	vsub.f32 $0.0e+00, v10;
	v17 =	vld [tilespmem:s18+$0xFFFFFFE0];
	v16 =	vsub.f32 $0.0e+00, v11;
	(erf) = vpow2.f32 v7  }
0x178: {  	v5 =	vsub.f32 $0.0e+00, v15;
	vm3 =	vmneg vm3;
	(erf) = vpow2.f32 v6  }
0x179: {  	vm2 =	vmneg vm2;
	v14 =	vsub.f32 $0.0e+00, v20;
	v7 =	vld [tilespmem:s18+$0x0];
	v16 =	vmul.f32 $1.442695020e+00, v16  }
0x17a: {  	vm4 =	vmneg vm4;
	v5 =	vmul.f32 $1.442695020e+00, v5;
	v12 =	vmul.f32 $1.442695020e+00, v12;
	v6 =	vld [tilespmem:s18+$0xFFFFFFF0]  }
0x17b: {  	v14 =	vmul.f32 $1.442695020e+00, v14;
	vm6 =	vge.f32 v4, $0.0e+00;
	(erf) = vpow2.f32 v16  }
0x17c: {  	vm9 =	veq.s32 v17, $0x0;
	v16 =	vsub.f32 $0.0e+00, v3;
	(erf) = vpow2.f32 v5  }
0x17d: {  	vm10 =	vmneg vm6;
	vm5 =	vmxor vm5, vm9;
	(erf) = vpow2.f32 v12  }
0x17e: {  	v4 =	vld [tilespmem:s18+$0x10];
	vm8 =	veq.s32 v7, $0x0;
	v7 =	vmul.f32 $1.442695020e+00, v16;
	(erf) = vpow2.f32 v14  }
0x17f: {  	vm6 =	vmxor vm2, vm8;
	vm11 =	veq.s32 v6, $0x0;
	vm2 =	vmxor vm10, vm9;
	v5 =	vpop (erf)  }
0x180: {  	vm3 =	vmxor vm3, vm11;
	(erf) = vpow2.f32 v7;
	v6 =	vadd.f32 $1.000000000e+00, v5;
	v22 =	vpop (erf)  }
0x181: {  	v7 =	vnsel vm3, $0x0, v13;
	v12 =	vadd.f32 $1.000000000e+00, v22;
	v13 =	vmul.f32 $1.066847290e-01, v22;
	v14 =	vpop (erf)  }
0x182: {  	(erf) = vrcp.f32 v6;
	v6 =	vnsel vm2, $0x0, v11;
	v11 =	vadd.f32 $1.000000000e+00, v14  }
0x183: {  	vm7 =	veq.s32 v4, $0x0;
	v16 =	vmul.f32 $1.066847290e-01, v14;
	(erf) = vrcp.f32 v12  }
0x184: {  	vm0 =	vmxor vm0, vm7;
	v13 =	vadd.f32 $-3.935357930e-01, v13;
	v8 =	vpop (erf);
	(erf) = vrcp.f32 v11  }
0x185: {  	vm4 =	vmxor vm4, vm7;
	v4 =	vnsel vm6, $0x0, v9;
	v9 =	vadd.f32 $-3.935357930e-01, v16;
	v21 =	vpop (erf)  }
0x186: {  	vm1 =	vmxor vm1, vm11;
	v24 =	vadd.f32 $1.000000000e+00, v8;
	v28 =	vmul.f32 v13, v22;
	v23 =	vpop (erf)  }
0x187: {  	v16 =	vadd.f32 $1.000000000e+00, v21;
	v17 =	vmul.f32 $1.066847290e-01, v21;
	v9 =	vmul.f32 v9, v14;
	v11 =	vpop (erf)  }
0x188: {  	v25 =	vmul.f32 $1.066847290e-01, v23;
	v27 =	vadd.f32 $1.000000000e+00, v23;
	v26 =	vadd.f32 $1.000000000e+00, v11  }
0x189: {  	v19 =	vadd.f32 $9.797534340e-01, v9;
	(erf) = vrcp.f32 v16;
	v13 =	vpop (erf);
	v9 =	vadd.f32 $-3.935357930e-01, v17  }
0x18a: {  	v17 =	vnsel vm1, $0x0, v15;
	(erf) = vrcp.f32 v24;
	v15 =	vadd.f32 $1.000000000e+00, v13  }
0x18b: {  	(erf) = vrcp.f32 v27;
	v27 =	vmul.f32 v9, v21;
	v9 =	vadd.f32 $-3.935357930e-01, v25;
	v16 =	vpop (erf)  }
0x18c: {  	v10 =	vnsel vm0, $0x0, v10;
	vm8 =	vmxor vm15, vm8;
	(erf) = vrcp.f32 v26;
	v24 =	vpop (erf)  }
0x18d: {  	v18 =	vnsel vm8, $0x0, v18;
	(erf) = vrcp.f32 v15;
	v15 =	vmul.f32 v9, v23;
	v26 =	vpop (erf)  }
0x18e: {  	v25 =	vmul.f32 $1.066847290e-01, v11;
	v9 =	vnsel vm5, $0x0, v20;
	v20 =	vmul.f32 $9.999899860e+00, v26  }
0x18f: {  	v12 =	vmul.f32 $1.066847290e-01, v8;
	v26 =	vmul.f32 $9.999899860e+00, v16;
	v15 =	vadd.f32 $9.797534340e-01, v15  }
0x190: {  	v29 =	vmul.f32 $1.066847290e-01, v13;
	v16 =	vadd.f32 $-3.935357930e-01, v25;
	v25 =	vsub.f32 $9.999899860e+00, v20  }
0x191: {  	v27 =	vadd.f32 $9.797534340e-01, v27;
	v24 =	vmul.f32 $9.999899860e+00, v24;
	v30 =	vsub.f32 $9.999899860e+00, v26  }
0x192: {  	v32 =	vmul.f32 v16, v11;
	v15 =	vmul.f32 v15, v23;
	v31 =	vpop (erf);
	v20 =	vsel vm8, v20, v25  }
0x193: {  	v33 =	vpop (erf);
	v16 =	vmul.f32 $9.999899860e+00, v31;
	v31 =	vmul.f32 v27, v21;
	v21 =	vsel vm6, v26, v30  }
0x194: {  	v27 =	vsub.f32 $9.999899860e+00, v24;
	v26 =	vadd.f32 $-3.935357930e-01, v29;
	v23 =	vpop (erf);
	v21 =	vtrunc.f32 v21  }
0x195: {  	v15 =	vadd.f32 $9.250321310e-04, v15;
	v20 =	vtrunc.f32 v20;
	v25 =	vpop (erf);
	v29 =	vcvt.f32.s32 v21  }
0x196: {  	v23 =	vmul.f32 $9.999899860e+00, v23;
	v21 =	vmul.f32 $9.999899860e+00, v25;
	v25 =	vadd.f32 $9.797534340e-01, v28  }
0x197: {  	s28 =	simm.s32 $0x0;
	v20 =	vcvt.f32.s32 v20;
	v15 =	vadd.f32 v15, v10;
	v26 =	vmul.f32 v26, v13  }
0x198: {  	s29 =	simm.s32 $0x4;
	s30 =	simm.s32 $0x10060;
	s31 =	simm.s32 $0x2;
	v30 =	vadd.f32 $9.250321310e-04, v31;
	v28 =	vshll.u32 v29, $0x7;
	v22 =	vmul.f32 v25, v22  }
0x199: {  	s0 =	simm.s32 $0x80;
	p0 =	por !p0, !p0;
	s1 =	simm.s32 $0x70;
	v10 =	vor.u32 v2, v28;
	v25 =	vadd.f32 $9.797534340e-01, v32;
	v28 =	vmul.f32 $9.999899860e+00, v33;
	v29 =	vpop (erf)  }
.LBB2_6:
0x19a: {  	s5 =	sand.u32 $0x7, s29  }
0x19b: {  	s6 =	sand.u32 $0x7F00, s0;
	s7 =	sadd.s32 $0xFFFFFFE0, s1;
	v19 =	vmul.f32 v19, v14;
	v29 =	vmul.f32 $9.999899860e+00, v29;
	v26 =	vadd.f32 $9.797534340e-01, v26;
	s8 =	sand.u32 $0x3, s31  }
0x19c: {  	s9 =	sadd.s32 $0xFFFFFFD0, s1;
	s10 =	sadd.s32 $0xFFFFFFF0, s1;
	s12 =	simm.s32 $0x1;
	v31 =	vsub.f32 $9.999899860e+00, v28;
	v14 =	vadd.f32 v30, v17;
	v17 =	vsel vm3, v24, v27  }
0x19d: {  	s12 =	simm.s32 @!p0 $0x0;
	s5 =	sshll.u32 s5, $0x4;
	s7 =	sand.u32 $0x50, s7;
	v24 =	vsub.f32 $9.999899860e+00, v21;
	v17 =	vtrunc.f32 v17;
	v19 =	vadd.f32 $9.250321310e-04, v19  }
0x19e: {  	s17 =	sand.u32 $0x70, s1;
	s8 =	sshll.u32 s8, $0x5;
	s9 =	sand.u32 $0x40, s9;
	v26 =	vmul.f32 v26, v13;
	v27 =	vsel vm2, v28, v31;
	v28 =	vsub.f32 $9.999899860e+00, v29  }
0x19f: {  	s17 =	sor.u32 s17, s6;
	s7 =	sor.u32 s7, s6;
	s5 =	sadd.s32 s5, s0;
	v13 =	vadd.f32 $9.250321310e-04, v22;
	v17 =	vcvt.f32.s32 v17;
	v19 =	vadd.f32 v19, v18  }
0x1a0: {  	v12 =	vadd.f32 $-3.935357930e-01, v12;
	s12 =	sshll.u32 s12, $0x6;
	s8 =	sadd.s32 s0, s8;
	v22 =	vsub.f32 $9.999899860e+00, v23;
	s18 =	sadd.s32 $0x10, s5;
	v18 =	vtrunc.f32 v27  }
0x1a1: {  	s10 =	sand.u32 $0x60, s10;
	v30 =	vmul.f32 $1.066847290e-01, v5;
	s5 =	sadd.s32 $0x30, s5;
	s18 =	sor.u32 $0x80, s18;
	v13 =	vadd.f32 v13, v7;
	v7 =	vshll.u32 v17, $0x7;
	v27 =	vld [tilespmem:s17+$0x0]  }
0x1a2: {  	s10 =	sor.u32 s10, s6;
	v12 =	vmul.f32 v12, v8;
	s8 =	sadd.s32 $0x20, s8;
	s5 =	sor.u32 $0x80, s5;
	v17 =	vor.u32 v2, v7;
	v7 =	vadd.f32 $9.250321310e-04, v26  }
0x1a3: {  	v25 =	vmul.f32 v25, v11;
	s6 =	sor.u32 s9, s6;
	s9 =	sadd.s32 s12, s0;
	v30 =	vadd.f32 $-3.935357930e-01, v30;
	v28 =	vsel vm4, v29, v28;
	v26 =	vld [tilespmem:s7+$0x0];
	s7 =	sor.u32 $0x80, s8  }
0x1a4: {  	s28 =	sadd.s32 $0x4, s28;
	v31 =	vsub.f32 $9.999899860e+00, v16;
	v12 =	vadd.f32 $9.797534340e-01, v12;
	v29 =	vcvt.f32.s32 v18;
	s8 =	sor.u32 $0x80, s9;
	v11 =	vld [tilespmem:s10+$0x0]  }
0x1a5: {  	p1 =	slt.u32 s28, $0x3FC;
	v22 =	vsel vm0, v23, v22;
	v23 =	vnsel vm4, $0x0, v3;
	v18 =	vmul.f32 v30, v5  }
0x1a6: {  	v3 =	vsel vm5, v21, v24;
	v8 =	vmul.f32 v12, v8;
	vm0 =	vge.f32 v27, $0.0e+00  }
0x1a7: {  	v24 =	vshll.u32 v20, $0x7;
	v21 =	vtrunc.f32 v28;
	v20 =	vadd.f32 $9.797534340e-01, v18;
	v12 =	vld [tilespmem:s7+$0x0]  }
0x1a8: {  	v22 =	vtrunc.f32 v22;
	v8 =	vadd.f32 $9.250321310e-04, v8;
	v18 =	vand.u32 $0x7FFFFFFF, v27;
	v28 =	vld [tilespmem:s5+$0x0]  }
0x1a9: {  	v31 =	vsel vm1, v16, v31;
	v16 =	vcvt.f32.s32 v22;
	v30 =	vsub.f32 $0.0e+00, v18;
	v27 =	vld [tilespmem:s18+$0x0]  }
0x1aa: {  	v25 =	vadd.f32 $9.250321310e-04, v25;
	v5 =	vmul.f32 v20, v5;
	v22 =	vadd.f32 v8, v6  }
0x1ab: {  	v6 =	vcvt.f32.s32 v21;
	v20 =	vand.u32 $0x7FFFFFFF, v26;
	vm1 =	vge.f32 v26, $0.0e+00  }
0x1ac: {  	v21 =	vtrunc.f32 v3;
	v26 =	vsub.f32 $0.0e+00, v20;
	v8 =	vld [tilespmem:s8+$0x0];
	vm3 =	vge.f32 v12, $0.0e+00  }
0x1ad: {  	v16 =	vshll.u32 v16, $0x7;
	v12 =	vand.u32 $0x7FFFFFFF, v12;
	v3 =	vand.u32 $0x7FFFFFFF, v28  }
0x1ae: {  	v35 =	vor.u32 v2, v16;
	v34 =	vsub.f32 $0.0e+00, v12;
	v32 =	vld [tilespmem:s6+$0x0];
	v33 =	vand.u32 $0x7FFFFFFF, v27  }
0x1af: {  	v16 =	vshll.u32 v29, $0x7;
	vm4 =	vge.f32 v28, $0.0e+00;
	v36 =	vsub.f32 $0.0e+00, v33  }
0x1b0: {  	v28 =	vor.u32 v2, v16;
	vm2 =	vge.f32 v27, $0.0e+00;
	v27 =	vmul.f32 $1.442695020e+00, v34  }
0x1b1: {  	v29 =	vtrunc.f32 v31;
	v21 =	vcvt.f32.s32 v21;
	v16 =	vand.u32 $0x7FFFFFFF, v11  }
0x1b2: {  	v29 =	vcvt.f32.s32 v29;
	vm3 =	vmneg vm3;
	vm2 =	vmneg vm2;
	v31 =	vld [tilespmem:s30+$0xFFFFFFE0]  }
0x1b3: {  	v37 =	vshll.u32 v21, $0x7;
	v34 =	vmul.f32 $1.442695020e+00, v36;
	v36 =	vsub.f32 $0.0e+00, v16;
	[tilespmem:v35+s21+$0x0] =	vst.idx.add.f32.msk $0xffff, v1  }
0x1b4: {  	v21 =	vand.u32 $0x7FFFFFFF, v32;
	vm5 =	vge.f32 v32, $0.0e+00;
	v32 =	vor.u32 v2, v37;
	[tilespmem:v35+s22+$0x0] =	vst.idx.add.f32.msk $0xffff, v15  }
0x1b5: {  	v24 =	vor.u32 v2, v24;
	v35 =	vmul.f32 $1.442695020e+00, v36;
	v15 =	vld [tilespmem:s30+$0x0];
	(erf) = vpow2.f32 v27  }
0x1b6: {  	vm6 =	vge.f32 v8, $0.0e+00;
	v27 =	vand.u32 $0x7FFFFFFF, v8;
	v8 =	vadd.f32 $9.250321310e-04, v5  }
0x1b7: {  	vm11 =	vmneg vm6;
	v37 =	vsub.f32 $0.0e+00, v3;
	v5 =	vsub.f32 $0.0e+00, v27;
	v36 =	vld [tilespmem:s30+$0xFFFFFFF0]  }
0x1b8: {  	v29 =	vshll.u32 v29, $0x7;
	vm7 =	veq.s32 v31, $0x0;
	v31 =	vld [tilespmem:s30+$0x10];
	(erf) = vpow2.f32 v34  }
0x1b9: {  	v29 =	vor.u32 v2, v29;
	v5 =	vmul.f32 $1.442695020e+00, v5;
	(erf) = vpow2.f32 v35;
	[tilespmem:v32+s21+$0x0] =	vst.idx.add.f32.msk $0xffff, v1  }
0x1ba: {  	v26 =	vmul.f32 $1.442695020e+00, v26;
	v34 =	vsub.f32 $0.0e+00, v21;
	vm8 =	veq.s32 v15, $0x0;
	[tilespmem:v24+s21+$0x0] =	vst.idx.add.f32.msk $0xffff, v1  }
0x1bb: {  	v9 =	vadd.f32 v25, v9;
	v15 =	vmul.f32 $1.442695020e+00, v30;
	(erf) = vpow2.f32 v5;
	[tilespmem:v24+s22+$0x0] =	vst.idx.add.f32.msk $0xffff, v19  }
0x1bc: {  	v19 =	vmul.f32 $1.442695020e+00, v34;
	vm6 =	vmxor vm3, vm8;
	(erf) = vpow2.f32 v26;
	[tilespmem:v10+s21+$0x0] =	vst.idx.add.f32.msk $0xffff, v1  }
0x1bd: {  	v6 =	vshll.u32 v6, $0x7;
	vm9 =	veq.s32 v31, $0x0;
	(erf) = vpow2.f32 v15  }
0x1be: {  	v15 =	vmul.f32 $1.442695020e+00, v37;
	(erf) = vpow2.f32 v19;
	v5 =	vpop (erf);
	[tilespmem:v32+s22+$0x0] =	vst.idx.add.f32.msk $0xffff, v9;
	v9 =	vor.u32 v2, v6  }
0x1bf: {  	v4 =	vadd.f32 v8, v4;
	vm10 =	veq.s32 v36, $0x0;
	v6 =	vadd.f32 $1.000000000e+00, v5;
	[tilespmem:v29+s21+$0x0] =	vst.idx.add.f32.msk $0xffff, v1  }
0x1c0: {  	vm3 =	vmxor vm2, vm10;
	(erf) = vpow2.f32 v15;
	[tilespmem:v29+s22+$0x0] =	vst.idx.add.f32.msk $0xffff, v14;
	v15 =	vadd.f32 v7, v23  }
0x1c1: {  	vm2 =	vmxor vm11, vm7;
	v7 =	vnsel vm3, $0x0, v33;
	v25 =	vpop (erf);
	(erf) = vrcp.f32 v6;
	[tilespmem:v10+s22+$0x0] =	vst.idx.add.f32.msk $0xffff, v4  }
0x1c2: {  	vm0 =	vmxor vm0, vm9;
	v10 =	vadd.f32 $1.000000000e+00, v25;
	v19 =	vmul.f32 $1.066847290e-01, v25;
	v14 =	vpop (erf);
	[tilespmem:v17+s21+$0x0] =	vst.idx.add.f32.msk $0xffff, v1  }
0x1c3: {  	v6 =	vnsel vm2, $0x0, v27;
	v23 =	vadd.f32 $1.000000000e+00, v14;
	v24 =	vmul.f32 $1.066847290e-01, v14;
	[tilespmem:v9+s21+$0x0] =	vst.idx.add.f32.msk $0xffff, v1  }
0x1c4: {  	vm11 =	vge.f32 v11, $0.0e+00;
	v4 =	vnsel vm6, $0x0, v12;
	v8 =	vpop (erf);
	(erf) = vrcp.f32 v10;
	[tilespmem:v28+s21+$0x0] =	vst.idx.add.f32.msk $0xffff, v1  }
0x1c5: {  	v12 =	vmul.f32 $1.066847290e-01, v8;
	v10 =	vadd.f32 $-3.935357930e-01, v24;
	v26 =	vpop (erf);
	(erf) = vrcp.f32 v23;
	[tilespmem:v28+s22+$0x0] =	vst.idx.add.f32.msk $0xffff, v22  }
0x1c6: {  	v19 =	vadd.f32 $-3.935357930e-01, v19;
	v22 =	vadd.f32 $1.000000000e+00, v26;
	v23 =	vmul.f32 $1.066847290e-01, v26;
	v27 =	vpop (erf);
	[tilespmem:v17+s22+$0x0] =	vst.idx.add.f32.msk $0xffff, v13  }
0x1c7: {  	v24 =	vadd.f32 $1.000000000e+00, v8;
	v10 =	vmul.f32 v10, v14;
	v28 =	vmul.f32 $1.066847290e-01, v27;
	v11 =	vpop (erf);
	[tilespmem:v9+s22+$0x0] =	vst.idx.add.f32.msk $0xffff, v15  }
0x1c8: {  	v15 =	vmul.f32 v19, v25;
	v29 =	vadd.f32 $1.000000000e+00, v27;
	v9 =	vadd.f32 $1.000000000e+00, v11  }
0x1c9: {  	vm1 =	vmxor vm1, vm10;
	v19 =	vadd.f32 $9.797534340e-01, v10;
	(erf) = vrcp.f32 v22;
	v13 =	vpop (erf)  }
0x1ca: {  	v17 =	vnsel vm1, $0x0, v20;
	v10 =	vadd.f32 $-3.935357930e-01, v23;
	(erf) = vrcp.f32 v24;
	v20 =	vpop (erf)  }
0x1cb: {  	v22 =	vnsel vm0, $0x0, v18;
	v18 =	vadd.f32 $1.000000000e+00, v13;
	(erf) = vrcp.f32 v29  }
0x1cc: {  	v10 =	vmul.f32 v10, v26;
	v29 =	vadd.f32 $-3.935357930e-01, v28;
	(erf) = vrcp.f32 v9  }
0x1cd: {  	vm5 =	vmxor vm5, vm7;
	v28 =	vmul.f32 $1.066847290e-01, v11;
	v24 =	vpop (erf);
	(erf) = vrcp.f32 v18  }
0x1ce: {  	vm4 =	vmneg vm4;
	vm7 =	vmxor vm11, vm8;
	v18 =	vmul.f32 v29, v27;
	v23 =	vpop (erf)  }
0x1cf: {  	v9 =	vnsel vm5, $0x0, v21;
	v24 =	vmul.f32 $9.999899860e+00, v24;
	v21 =	vmul.f32 $9.999899860e+00, v23  }
0x1d0: {  	vm4 =	vmxor vm4, vm9;
	v20 =	vmul.f32 $9.999899860e+00, v20;
	v23 =	vadd.f32 $9.797534340e-01, v18  }
0x1d1: {  	v30 =	vmul.f32 $1.066847290e-01, v13;
	v28 =	vadd.f32 $-3.935357930e-01, v28;
	v29 =	vsub.f32 $9.999899860e+00, v21  }
0x1d2: {  	v10 =	vadd.f32 $9.797534340e-01, v10;
	v31 =	vsub.f32 $9.999899860e+00, v20;
	v18 =	vnsel vm7, $0x0, v16;
	v16 =	vpop (erf)  }
0x1d3: {  	v28 =	vmul.f32 v28, v11;
	v32 =	vsel vm7, v21, v29;
	v21 =	vmul.f32 v23, v27;
	v33 =	vpop (erf)  }
0x1d4: {  	v34 =	vmul.f32 v10, v26;
	v10 =	vsel vm6, v20, v31;
	v16 =	vmul.f32 $9.999899860e+00, v16;
	v20 =	vpop (erf)  }
0x1d5: {  	v26 =	vadd.f32 $-3.935357930e-01, v30;
	v10 =	vtrunc.f32 v10;
	v27 =	vsub.f32 $9.999899860e+00, v24;
	v30 =	vpop (erf)  }
.Ltmp2:
0x1d6: {  	v10 =	vcvt.f32.s32 v10;
	v23 =	vmul.f32 $9.999899860e+00, v20;
	v31 =	vadd.f32 $9.250321310e-04, v21;
	v29 =	vpop (erf);
	(pc) =	sbr.rel @p1 .LBB2_6-.Ltmp2, $4  }
0x1d7: {  	v21 =	vmul.f32 $9.999899860e+00, v30;
	v30 =	vadd.f32 $9.797534340e-01, v15;
	v15 =	vtrunc.f32 v32  }
0x1d8: {  	v10 =	vshll.u32 v10, $0x7;
	v20 =	vcvt.f32.s32 v15;
	v15 =	vadd.f32 v31, v22  }
0x1d9: {  	s29 =	sadd.s32 $0x4, s29;
	s31 =	sadd.s32 $0x2, s31;
	s30 =	sadd.s32 $0x40, s30;
	v26 =	vmul.f32 v26, v13;
	v10 =	vor.u32 v2, v10;
	v22 =	vmul.f32 v30, v25  }
0x1da: {  	s1 =	sadd.s32 $0x40, s1;
	p0 =	por !p0, !p0;
	s0 =	sadd.s32 $0x80, s0;
	v25 =	vadd.f32 $9.797534340e-01, v28;
	v28 =	vmul.f32 $9.999899860e+00, v33;
	v30 =	vadd.f32 $9.250321310e-04, v34  }
0x1db: {  	v31 =	vsub.f32 $9.999899860e+00, v23;
	v14 =	vmul.f32 v19, v14  }
0x1dc: {  	v19 =	vmul.f32 $9.999899860e+00, v29;
	v24 =	vsel vm3, v24, v27;
	v29 =	vsub.f32 $9.999899860e+00, v21  }
0x1dd: {  	v61 =	vsub.f32 $9.999899860e+00, v16;
	v20 =	vshll.u32 v20, $0x7;
	v12 =	vadd.f32 $-3.935357930e-01, v12  }
0x1de: {  	v27 =	vsub.f32 $9.999899860e+00, v28;
	v24 =	vtrunc.f32 v24;
	v20 =	vor.u32 v2, v20  }
0x1df: {  	v23 =	vsel vm0, v23, v31;
	v21 =	vsel vm5, v21, v29;
	v29 =	vmul.f32 $1.066847290e-01, v5  }
0x1e0: {  	v11 =	vmul.f32 v25, v11;
	v14 =	vadd.f32 $9.250321310e-04, v14;
	v23 =	vtrunc.f32 v23  }
0x1e1: {  	v24 =	vcvt.f32.s32 v24;
	v23 =	vcvt.f32.s32 v23;
	v29 =	vadd.f32 $-3.935357930e-01, v29  }
0x1e2: {  	v16 =	vsel vm1, v16, v61;
	v12 =	vmul.f32 v12, v8;
	v21 =	vtrunc.f32 v21  }
0x1e3: {  	v14 =	vadd.f32 v14, v18;
	v23 =	vshll.u32 v23, $0x7;
	v18 =	vmul.f32 v29, v5  }
0x1e4: {  	v27 =	vsel vm2, v28, v27;
	v21 =	vcvt.f32.s32 v21;
	v23 =	vor.u32 v2, v23  }
0x1e5: {  	v28 =	vsub.f32 $9.999899860e+00, v19;
	v16 =	vtrunc.f32 v16;
	v18 =	vadd.f32 $9.797534340e-01, v18  }
0x1e6: {  	v27 =	vtrunc.f32 v27;
	v12 =	vadd.f32 $9.797534340e-01, v12;
	v21 =	vshll.u32 v21, $0x7  }
0x1e7: {  	[tilespmem:v20+s21+$0x0] =	vst.idx.add.f32.msk $0xffff, v1;
	v21 =	vor.u32 v2, v21;
	v5 =	vmul.f32 v18, v5;
	v18 =	vcvt.f32.s32 v27  }
0x1e8: {  	v11 =	vadd.f32 $9.250321310e-04, v11;
	v16 =	vcvt.f32.s32 v16;
	v19 =	vsel vm4, v19, v28;
	[tilespmem:v20+s22+$0x0] =	vst.idx.add.f32.msk $0xffff, v14  }
0x1e9: {  	v8 =	vmul.f32 v12, v8;
	[tilespmem:v23+s21+$0x0] =	vst.idx.add.f32.msk $0xffff, v1;
	v5 =	vadd.f32 $9.250321310e-04, v5;
	v12 =	vshll.u32 v18, $0x7  }
0x1ea: {  	[tilespmem:v23+s22+$0x0] =	vst.idx.add.f32.msk $0xffff, v15;
	v15 =	vshll.u32 v16, $0x7;
	v16 =	vtrunc.f32 v19;
	v12 =	vor.u32 v2, v12  }
0x1eb: {  	v9 =	vadd.f32 v11, v9;
	[tilespmem:v10+s21+$0x0] =	vst.idx.add.f32.msk $0xffff, v1;
	v15 =	vor.u32 v2, v15;
	v16 =	vcvt.f32.s32 v16  }
0x1ec: {  	[tilespmem:v21+s21+$0x0] =	vst.idx.add.f32.msk $0xffff, v1;
	v4 =	vadd.f32 v5, v4  }
0x1ed: {  	v8 =	vadd.f32 $9.250321310e-04, v8;
	v19 =	vshll.u32 v24, $0x7;
	[tilespmem:v21+s22+$0x0] =	vst.idx.add.f32.msk $0xffff, v9;
	v14 =	vshll.u32 v16, $0x7  }
0x1ee: {  	v11 =	vor.u32 v2, v19;
	[tilespmem:v10+s22+$0x0] =	vst.idx.add.f32.msk $0xffff, v4;
	v9 =	vor.u32 v2, v14;
	v14 =	vadd.f32 $9.797534340e-01, v26  }
0x1ef: {  	v6 =	vadd.f32 v8, v6;
	[tilespmem:v12+s21+$0x0] =	vst.idx.add.f32.msk $0xffff, v1  }
0x1f0: {  	v17 =	vadd.f32 v30, v17;
	[tilespmem:v15+s21+$0x0] =	vst.idx.add.f32.msk $0xffff, v1;
	v5 =	vmul.f32 v14, v13  }
0x1f1: {  	v4 =	vadd.f32 $9.250321310e-04, v22;
	[tilespmem:v12+s22+$0x0] =	vst.idx.add.f32.msk $0xffff, v6  }
0x1f2: {  	[tilespmem:v15+s22+$0x0] =	vst.idx.add.f32.msk $0xffff, v17;
	v5 =	vadd.f32 $9.250321310e-04, v5  }
0x1f3: {  	v3 =	vnsel vm4, $0x0, v3;
	v4 =	vadd.f32 v4, v7;
	[tilespmem:v11+s21+$0x0] =	vst.idx.add.f32.msk $0xffff, v1  }
0x1f4: {  	[tilespmem:v9+s21+$0x0] =	vst.idx.add.f32.msk $0xffff, v1;
	v3 =	vadd.f32 v5, v3  }
0x1f5: {  	[tilespmem:v11+s22+$0x0] =	vst.idx.add.f32.msk $0xffff, v4  }
0x1f6: {  	[tilespmem:v9+s22+$0x0] =	vst.idx.add.f32.msk $0xffff, v3  }
0x1f7: {  	s0 =	simm.s32 $0x0;
	s1 =	rddreg [dreg:$0xa]  }
0x1f8: {  	[tilespmem:s0], [sflag:$0x1] =	stream.linear.gather [hbm4b:s1+s0], $0x8000, $0x38;
	[tilespmem:$0x19000] =	vst v63  }
0x1f9: {  	_ = 	snop  }
0x1fa: {  	[tilespmem:s16], [sflag:$0x3] =	stream.linear.gather [hbm4b:s13+s0], $0x4000, $0x38;
	[tilespmem:$0x19000] =	vst v63  }
0x1fb: {  	_ =	swait.ge [sflag:s23], $0x8000  }
0x1fc: {  	[sflag:s23] =	ssyncset.done $0x0  }
0x1fd: {  	[sflag:s23] =	ssyncadd.s32 $0xFFFF8000  }
0x1fe: {  	s5 =	simm.s32 $0x0;
	s7 =	sand.u32 $0x7F00, s0;
	_ =	swait.ge [sflag:s24], $0x4000  }
0x1ff: {  	s5 =	sand.u32 $0x40, s5;
	s1 =	sor.u32 $0x8000, s7;
	[sflag:s24] =	ssyncset.done $0x0  }
0x200: {  	s5 =	sor.u32 s5, s1;
	[sflag:s24] =	ssyncadd.s32 $0xFFFFC000  }
0x201: {  	v4 =	vld [tilespmem:s5+$0x0]  }
0x202: {  	p0 =	por $0x0, $0x0;
	s6 =	simm.s32 $0x30  }
0x203: {  	s8 =	simm.s32 $0x20;
	s9 =	sand.u32 $0x7, s0;
	s7 =	simm.s32 $0x10  }
0x204: {  	s8 =	sand.u32 $0x60, s8;
	s6 =	sand.u32 $0x70, s6;
	s7 =	sand.u32 $0x50, s7  }
0x205: {  	s9 =	sshll.u32 s9, $0x4;
	s7 =	sor.u32 s7, s1;
	s5 =	simm.s32 $0x1  }
0x206: {  	s9 =	sadd.s32 $0x0, s9;
	s8 =	sor.u32 s8, s1;
	v5 =	vld [tilespmem:s7+$0x0];
	s5 =	simm.s32 @!p0 $0x0;
	v9 =	vand.u32 $0x7FFFFFFF, v4  }
0x207: {  	s10 =	sadd.s32 $0x30, s9;
	s1 =	sor.u32 s6, s1;
	v6 =	vld [tilespmem:s8+$0x0];
	s5 =	sshll.u32 s5, $0x6;
	v3 =	vsub.f32 $0.0e+00, v9  }
0x208: {  	s12 =	sor.u32 $0x80, s10;
	v8 =	vld [tilespmem:s1+$0x0];
	s5 =	sadd.s32 $0x0, s5  }
0x209: {  	v10 =	vld [tilespmem:s12+$0x8000];
	s5 =	sor.u32 $0x80, s5;
	v3 =	vmul.f32 $1.442695020e+00, v3  }
0x20a: {  	v7 =	vld [tilespmem:s5+$0x8000]  }
0x20b: {  	s18 =	simm.s32 $0x14020;
	s17 =	sadd.s32 $0x10, s9;
	s0 =	sand.u32 $0x3, s0;
	(erf) = vpow2.f32 v3  }
0x20c: {  	s0 =	sshll.u32 s0, $0x5;
	s1 =	sor.u32 $0x80, s17;
	v21 =	vld [tilespmem:s18+$0xFFFFFFF0]  }
0x20d: {  	s0 =	sadd.s32 $0x0, s0;
	v11 =	vld [tilespmem:s1+$0x8000];
	vm1 =	vge.f32 v4, $0.0e+00;
	vm0 =	vge.f32 v5, $0.0e+00;
	vm5 =	vge.f32 v6, $0.0e+00  }
0x20e: {  	s0 =	sadd.s32 $0x20, s0;
	v12 =	vand.u32 $0x7FFFFFFF, v8;
	v13 =	vand.u32 $0x7FFFFFFF, v10;
	vm2 =	vge.f32 v10, $0.0e+00  }
0x20f: {  	s0 =	sor.u32 $0x80, s0;
	v16 =	vand.u32 $0x7FFFFFFF, v6;
	v3 =	vand.u32 $0x7FFFFFFF, v5;
	v17 =	vand.u32 $0x7FFFFFFF, v7  }
0x210: {  	v5 =	vld [tilespmem:s0+$0x8000];
	vm4 =	vge.f32 v7, $0.0e+00;
	v4 =	vsub.f32 $0.0e+00, v3;
	v7 =	vsub.f32 $0.0e+00, v17  }
0x211: {  	vm6 =	veq.s32 v21, $0x0;
	v14 =	vsub.f32 $0.0e+00, v12;
	v15 =	vsub.f32 $0.0e+00, v13  }
0x212: {  	vm10 =	vmneg vm2;
	vm3 =	vge.f32 v11, $0.0e+00;
	v4 =	vmul.f32 $1.442695020e+00, v4  }
0x213: {  	v18 =	vand.u32 $0x7FFFFFFF, v11;
	v19 =	vsub.f32 $0.0e+00, v16;
	vm7 =	vmneg vm3  }
0x214: {  	vm3 =	vmxor vm0, vm6;
	(erf) = vpow2.f32 v4;
	v4 =	vmul.f32 $1.442695020e+00, v7;
	v7 =	vpop (erf)  }
0x215: {  	v14 =	vmul.f32 $1.442695020e+00, v14;
	v20 =	vand.u32 $0x7FFFFFFF, v5;
	v10 =	vmul.f32 $1.066847290e-01, v7  }
0x216: {  	vm2 =	vge.f32 v5, $0.0e+00;
	v5 =	vmul.f32 $1.442695020e+00, v15;
	v15 =	vld [tilespmem:s18+$0xFFFFFFE0];
	v6 =	vadd.f32 $1.000000000e+00, v7  }
0x217: {  	v19 =	vmul.f32 $1.442695020e+00, v19;
	vm4 =	vmneg vm4;
	v10 =	vadd.f32 $-3.935357930e-01, v10  }
0x218: {  	v22 =	vsub.f32 $0.0e+00, v20;
	vm0 =	vmneg vm2;
	(erf) = vrcp.f32 v6  }
0x219: {  	vm2 =	vge.f32 v8, $0.0e+00;
	(erf) = vpow2.f32 v4;
	v4 =	vmul.f32 v10, v7;
	v10 =	vld [tilespmem:s18+$0x0]  }
0x21a: {  	v11 =	vmul.f32 $1.442695020e+00, v22;
	v6 =	vsub.f32 $0.0e+00, v18;
	(erf) = vpow2.f32 v19  }
0x21b: {  	vm8 =	veq.s32 v15, $0x0;
	(erf) = vpow2.f32 v14;
	v14 =	vld [tilespmem:s18+$0x10];
	v19 =	vadd.f32 $9.797534340e-01, v4  }
0x21c: {  	vm12 =	vmxor vm1, vm8;
	vm4 =	vmxor vm4, vm8;
	v6 =	vmul.f32 $1.442695020e+00, v6  }
0x21d: {  	v25 =	vnsel vm12, $0x0, v9;
	v4 =	vpop (erf);
	(erf) = vpow2.f32 v11;
	v11 =	vmul.f32 v19, v7  }
0x21e: {  	v7 =	vadd.f32 $1.000000000e+00, v4;
	(erf) = vpow2.f32 v6;
	vm9 =	veq.s32 v10, $0x0  }
0x21f: {  	v6 =	vmul.f32 $1.066847290e-01, v4;
	(erf) = vpow2.f32 v5;
	vm0 =	vmxor vm0, vm9  }
0x220: {  	vm11 =	veq.s32 v14, $0x0;
	v11 =	vadd.f32 $9.250321310e-04, v11;
	vm9 =	vmxor vm5, vm9  }
0x221: {  	vm5 =	vmxor vm7, vm6;
	(erf) = vrcp.f32 v7;
	v10 =	vadd.f32 $-3.935357930e-01, v6;
	v5 =	vpop (erf)  }
0x222: {  	vm2 =	vmxor vm2, vm11;
	vm1 =	vmxor vm10, vm11;
	v6 =	vmul.f32 $9.999899860e+00, v5  }
0x223: {  	v7 =	vnsel vm0, $0x0, v20;
	v14 =	vpop (erf);
	v5 =	vnsel vm1, $0x0, v13;
	v25 =	vadd.f32 v11, v25  }
0x224: {  	v19 =	vmul.f32 $1.066847290e-01, v14;
	v20 =	vpop (erf);
	v21 =	vadd.f32 $1.000000000e+00, v14;
	v8 =	vsub.f32 $9.999899860e+00, v6  }
0x225: {  	v10 =	vmul.f32 v10, v4;
	v22 =	vmul.f32 $1.066847290e-01, v20;
	v13 =	vpop (erf);
	v24 =	vadd.f32 $1.000000000e+00, v20  }
0x226: {  	v28 =	vadd.f32 $1.000000000e+00, v13;
	v23 =	vsel vm12, v6, v8;
	v6 =	vnsel vm2, $0x0, v12  }
0x227: {  	v12 =	vadd.f32 $-3.935357930e-01, v19;
	v19 =	vadd.f32 $-3.935357930e-01, v22;
	v15 =	vpop (erf);
	v23 =	vtrunc.f32 v23  }
0x228: {  	v10 =	vadd.f32 $9.797534340e-01, v10;
	(erf) = vrcp.f32 v24;
	v22 =	vmul.f32 $1.066847290e-01, v15  }
0x229: {  	v8 =	vpop (erf);
	v27 =	vadd.f32 $1.000000000e+00, v15;
	v23 =	vcvt.f32.s32 v23;
	v19 =	vmul.f32 v19, v20  }
0x22a: {  	v12 =	vmul.f32 v12, v14;
	v26 =	vmul.f32 $1.066847290e-01, v8;
	v9 =	vpop (erf);
	v24 =	vadd.f32 $1.000000000e+00, v8  }
0x22b: {  	(erf) = vrcp.f32 v27;
	v27 =	vadd.f32 $1.000000000e+00, v9;
	v11 =	vadd.f32 $9.797534340e-01, v19  }
0x22c: {  	v19 =	vmul.f32 $1.066847290e-01, v13;
	v12 =	vadd.f32 $9.797534340e-01, v12;
	(erf) = vrcp.f32 v28  }
0x22d: {  	v11 =	vmul.f32 v11, v20;
	(erf) = vrcp.f32 v24;
	v20 =	vadd.f32 $-3.935357930e-01, v22  }
0x22e: {  	v23 =	vshll.u32 v23, $0x7;
	v19 =	vadd.f32 $-3.935357930e-01, v19;
	v22 =	vadd.f32 $-3.935357930e-01, v26  }
0x22f: {  	v28 =	vor.u32 v2, v23;
	v29 =	vmul.f32 v12, v14;
	(erf) = vrcp.f32 v21  }
0x230: {  	v21 =	vpop (erf);
	v26 =	vadd.f32 $9.250321310e-04, v11;
	v11 =	vmul.f32 v19, v13;
	v19 =	vmul.f32 v22, v8  }
0x231: {  	v24 =	vnsel vm9, $0x0, v16;
	(erf) = vrcp.f32 v27;
	v27 =	vmul.f32 $9.999899860e+00, v21;
	v16 =	vpop (erf)  }
0x232: {  	v20 =	vmul.f32 v20, v15;
	v23 =	vadd.f32 $9.797534340e-01, v11;
	v62 =	vmul.f32 $9.999899860e+00, v16  }
0x233: {  	v11 =	vnsel vm5, $0x0, v18;
	v12 =	vadd.f32 v26, v24;
	v63 =	vsub.f32 $9.999899860e+00, v27  }
0x234: {  	v26 =	vmul.f32 $1.066847290e-01, v9;
	v16 =	vadd.f32 $9.797534340e-01, v19;
	v22 =	vpop (erf);
	v19 =	vsub.f32 $9.999899860e+00, v62  }
0x235: {  	v24 =	vadd.f32 $9.797534340e-01, v20;
	v18 =	vnsel vm4, $0x0, v17;
	v27 =	vsel vm3, v27, v63;
	v21 =	vpop (erf)  }
0x236: {  	s28 =	simm.s32 $0x0;
	v14 =	vmul.f32 $9.999899860e+00, v22;
	v19 =	vsel vm9, v62, v19;
	v20 =	vpop (erf);
	v21 =	vmul.f32 $9.999899860e+00, v21  }
0x237: {  	s29 =	simm.s32 $0x4;
	s30 =	simm.s32 $0x14060;
	s31 =	simm.s32 $0x2;
	[tilespmem:v28+s21+$0x0] =	vst.idx.add.f32.msk $0xffff, v1;
	v26 =	vadd.f32 $-3.935357930e-01, v26;
	v22 =	vmul.f32 $9.999899860e+00, v20;
	v17 =	vtrunc.f32 v19  }
0x238: {  	s1 =	simm.s32 $0x80;
	p0 =	por !p0, !p0;
	s0 =	simm.s32 $0x70;
	[tilespmem:v28+s22+$0x0] =	vst.idx.add.f32.msk $0xffff, v25;
	v25 =	vpop (erf);
	v20 =	vadd.f32 $9.250321310e-04, v29;
	v19 =	vcvt.f32.s32 v17;
	v17 =	vsub.f32 $9.999899860e+00, v14  }
.LBB2_8:
0x239: {  	s5 =	sand.u32 $0x7F00, s1  }
0x23a: {  	s6 =	sadd.s32 $0xFFFFFFD0, s0;
	s7 =	sadd.s32 $0xFFFFFFE0, s0;
	v27 =	vtrunc.f32 v27;
	v3 =	vnsel vm3, $0x0, v3;
	v24 =	vmul.f32 v24, v15;
	s8 =	simm.s32 $0x1  }
0x23b: {  	s9 =	sadd.s32 $0xFFFFFFF0, s0;
	s10 =	sand.u32 $0x70, s0;
	v13 =	vmul.f32 v23, v13;
	s8 =	simm.s32 @!p0 $0x0;
	v15 =	vadd.f32 v20, v18;
	v18 =	vcvt.f32.s32 v27  }
0x23c: {  	s12 =	sand.u32 $0x7, s29;
	v23 =	vsub.f32 $9.999899860e+00, v22;
	s5 =	sor.u32 $0x8000, s5;
	v20 =	vmul.f32 $9.999899860e+00, v25;
	v25 =	vmul.f32 v26, v9;
	s8 =	sshll.u32 s8, $0x6;
	v26 =	vpop (erf)  }
0x23d: {  	s7 =	sand.u32 $0x50, s7;
	s9 =	sand.u32 $0x60, s9;
	v24 =	vadd.f32 $9.250321310e-04, v24;
	v13 =	vadd.f32 $9.250321310e-04, v13;
	s8 =	sadd.s32 s8, s1;
	v26 =	vmul.f32 $9.999899860e+00, v26  }
0x23e: {  	s12 =	sshll.u32 s12, $0x4;
	s6 =	sand.u32 $0x40, s6;
	s7 =	sor.u32 s7, s5;
	v22 =	vsel vm5, v22, v23;
	v23 =	vsub.f32 $9.999899860e+00, v21;
	v25 =	vadd.f32 $9.797534340e-01, v25  }
0x23f: {  	s17 =	sand.u32 $0x3, s31;
	s6 =	sor.u32 s6, s5;
	s12 =	sadd.s32 s12, s1;
	v27 =	vsub.f32 $9.999899860e+00, v20;
	v22 =	vtrunc.f32 v22;
	v24 =	vadd.f32 v24, v7  }
0x240: {  	v19 =	vshll.u32 v19, $0x7;
	s17 =	sshll.u32 s17, $0x5;
	v22 =	vcvt.f32.s32 v22;
	v21 =	vsel vm2, v21, v23;
	v7 =	vld [tilespmem:s6+$0x0];
	s6 =	sadd.s32 $0x10, s12;
	s12 =	sadd.s32 $0x30, s12  }
0x241: {  	s8 =	sor.u32 $0x80, s8;
	v21 =	vtrunc.f32 v21;
	v28 =	vsub.f32 $9.999899860e+00, v26;
	v9 =	vmul.f32 v25, v9;
	v23 =	vld [tilespmem:s7+$0x0];
	s6 =	sor.u32 $0x80, s6;
	s7 =	sor.u32 $0x80, s12  }
0x242: {  	v8 =	vmul.f32 v16, v8;
	s9 =	sor.u32 s9, s5;
	s5 =	sor.u32 s10, s5;
	v16 =	vshll.u32 v22, $0x7;
	v21 =	vcvt.f32.s32 v21;
	s12 =	sadd.s32 s1, s17  }
0x243: {  	s28 =	sadd.s32 $0x4, s28;
	v16 =	vor.u32 v2, v16;
	v25 =	vsel vm1, v26, v28;
	v26 =	vadd.f32 $9.250321310e-04, v9;
	v22 =	vld [tilespmem:s6+$0x8000];
	s6 =	sadd.s32 $0x20, s12  }
0x244: {  	p1 =	slt.u32 s28, $0x3FC;
	v8 =	vadd.f32 $9.250321310e-04, v8;
	v21 =	vshll.u32 v21, $0x7;
	v25 =	vtrunc.f32 v25;
	s6 =	sor.u32 $0x80, s6  }
0x245: {  	v25 =	vcvt.f32.s32 v25;
	v9 =	vand.u32 $0x7FFFFFFF, v7;
	vm1 =	vge.f32 v7, $0.0e+00;
	v7 =	vld [tilespmem:s5+$0x0]  }
0x246: {  	v18 =	vshll.u32 v18, $0x7;
	v5 =	vadd.f32 v26, v5;
	v28 =	vsub.f32 $0.0e+00, v9;
	v29 =	vld [tilespmem:s7+$0x8000]  }
0x247: {  	v4 =	vmul.f32 v10, v4;
	v10 =	vor.u32 v2, v18;
	v18 =	vor.u32 v2, v21;
	v26 =	vld [tilespmem:s30+$0xFFFFFFE0]  }
0x248: {  	v14 =	vsel vm0, v14, v17;
	v19 =	vor.u32 v2, v19;
	v21 =	vmul.f32 $1.442695020e+00, v28;
	v28 =	vld [tilespmem:s9+$0x0]  }
0x249: {  	v14 =	vtrunc.f32 v14;
	v6 =	vadd.f32 v13, v6;
	v13 =	vshll.u32 v25, $0x7;
	v30 =	vld [tilespmem:s6+$0x8000]  }
0x24a: {  	v4 =	vadd.f32 $9.250321310e-04, v4;
	v14 =	vcvt.f32.s32 v14;
	v25 =	vld [tilespmem:s8+$0x8000];
	(erf) = vpow2.f32 v21  }
0x24b: {  	v17 =	vsel vm4, v20, v27;
	vm0 =	vge.f32 v23, $0.0e+00;
	v13 =	vor.u32 v2, v13;
	v21 =	vld [tilespmem:s30+$0xFFFFFFF0]  }
0x24c: {  	v4 =	vadd.f32 v4, v3;
	v14 =	vshll.u32 v14, $0x7;
	v17 =	vtrunc.f32 v17;
	[tilespmem:v10+s21+$0x0] =	vst.idx.add.f32.msk $0xffff, v1  }
0x24d: {  	v8 =	vadd.f32 v8, v11;
	v14 =	vor.u32 v2, v14;
	v3 =	vand.u32 $0x7FFFFFFF, v23;
	[tilespmem:v19+s21+$0x0] =	vst.idx.add.f32.msk $0xffff, v1  }
0x24e: {  	v20 =	vcvt.f32.s32 v17;
	v11 =	vsub.f32 $0.0e+00, v3;
	vm5 =	vge.f32 v28, $0.0e+00;
	[tilespmem:v19+s22+$0x0] =	vst.idx.add.f32.msk $0xffff, v12  }
0x24f: {  	v19 =	vand.u32 $0x7FFFFFFF, v29;
	v17 =	vand.u32 $0x7FFFFFFF, v25;
	vm4 =	vge.f32 v25, $0.0e+00;
	[tilespmem:v18+s21+$0x0] =	vst.idx.add.f32.msk $0xffff, v1  }
0x250: {  	v11 =	vmul.f32 $1.442695020e+00, v11;
	v23 =	vand.u32 $0x7FFFFFFF, v7;
	v12 =	vsub.f32 $0.0e+00, v17;
	[tilespmem:v18+s22+$0x0] =	vst.idx.add.f32.msk $0xffff, v6  }
0x251: {  	vm2 =	vge.f32 v29, $0.0e+00;
	v6 =	vsub.f32 $0.0e+00, v23;
	v18 =	vsub.f32 $0.0e+00, v19;
	[tilespmem:v10+s22+$0x0] =	vst.idx.add.f32.msk $0xffff, v4  }
0x252: {  	vm9 =	vmneg vm2;
	v4 =	vmul.f32 $1.442695020e+00, v12;
	(erf) = vpow2.f32 v11;
	[tilespmem:v16+s21+$0x0] =	vst.idx.add.f32.msk $0xffff, v1  }
0x253: {  	v20 =	vshll.u32 v20, $0x7;
	v11 =	vand.u32 $0x7FFFFFFF, v22;
	v12 =	vand.u32 $0x7FFFFFFF, v28;
	v10 =	vpop (erf);
	[tilespmem:v14+s21+$0x0] =	vst.idx.add.f32.msk $0xffff, v1  }
0x254: {  	v20 =	vor.u32 v2, v20;
	v25 =	vadd.f32 $1.000000000e+00, v10;
	v27 =	vmul.f32 $1.066847290e-01, v10;
	[tilespmem:v13+s21+$0x0] =	vst.idx.add.f32.msk $0xffff, v1  }
0x255: {  	v29 =	vand.u32 $0x7FFFFFFF, v30;
	v6 =	vmul.f32 $1.442695020e+00, v6;
	v28 =	vsub.f32 $0.0e+00, v12;
	[tilespmem:v14+s22+$0x0] =	vst.idx.add.f32.msk $0xffff, v24  }
0x256: {  	v24 =	vsub.f32 $0.0e+00, v29;
	v14 =	vadd.f32 $-3.935357930e-01, v27;
	(erf) = vrcp.f32 v25;
	[tilespmem:v13+s22+$0x0] =	vst.idx.add.f32.msk $0xffff, v5  }
0x257: {  	v5 =	vsub.f32 $0.0e+00, v11;
	v13 =	vmul.f32 $1.442695020e+00, v28;
	(erf) = vpow2.f32 v4;
	[tilespmem:v16+s22+$0x0] =	vst.idx.add.f32.msk $0xffff, v8  }
0x258: {  	vm2 =	vge.f32 v30, $0.0e+00;
	v25 =	vmul.f32 v14, v10;
	v8 =	vld [tilespmem:s30+$0x0];
	v14 =	vmul.f32 $1.442695020e+00, v18  }
0x259: {  	vm3 =	vge.f32 v22, $0.0e+00;
	v16 =	vmul.f32 $1.442695020e+00, v24;
	(erf) = vpow2.f32 v13;
	[tilespmem:v20+s21+$0x0] =	vst.idx.add.f32.msk $0xffff, v1  }
0x25a: {  	v5 =	vmul.f32 $1.442695020e+00, v5;
	v13 =	vadd.f32 $9.797534340e-01, v25;
	(erf) = vpow2.f32 v6;
	[tilespmem:v20+s22+$0x0] =	vst.idx.add.f32.msk $0xffff, v15  }
0x25b: {  	vm7 =	vmneg vm3;
	vm6 =	veq.s32 v21, $0x0;
	v6 =	vld [tilespmem:s30+$0x10];
	v4 =	vpop (erf);
	(erf) = vpow2.f32 v16  }
0x25c: {  	v10 =	vmul.f32 v13, v10;
	v13 =	vadd.f32 $1.000000000e+00, v4;
	(erf) = vpow2.f32 v5  }
0x25d: {  	vm3 =	vmxor vm0, vm6;
	v15 =	vmul.f32 $1.066847290e-01, v4;
	(erf) = vpow2.f32 v14  }
0x25e: {  	vm0 =	vmneg vm2;
	vm10 =	veq.s32 v8, $0x0;
	(erf) = vrcp.f32 v13  }
0x25f: {  	vm8 =	veq.s32 v26, $0x0;
	vm2 =	vge.f32 v7, $0.0e+00;
	v14 =	vadd.f32 $-3.935357930e-01, v15;
	v5 =	vpop (erf)  }
0x260: {  	vm0 =	vmxor vm0, vm10;
	v8 =	vmul.f32 $9.999899860e+00, v5;
	vm11 =	veq.s32 v6, $0x0;
	v16 =	vpop (erf)  }
0x261: {  	vm12 =	vmxor vm1, vm8;
	vm2 =	vmxor vm2, vm11;
	vm1 =	vmxor vm9, vm11  }
0x262: {  	v7 =	vnsel vm0, $0x0, v29;
	v18 =	vmul.f32 $1.066847290e-01, v16;
	v6 =	vsub.f32 $9.999899860e+00, v8;
	v20 =	vpop (erf)  }
0x263: {  	v21 =	vadd.f32 $1.000000000e+00, v16;
	v5 =	vnsel vm1, $0x0, v19;
	v22 =	vmul.f32 $1.066847290e-01, v20;
	v13 =	vpop (erf)  }
0x264: {  	v24 =	vadd.f32 $1.000000000e+00, v20;
	v19 =	vsel vm12, v8, v6;
	v6 =	vnsel vm2, $0x0, v23;
	v15 =	vpop (erf)  }
0x265: {  	v18 =	vadd.f32 $-3.935357930e-01, v18;
	v22 =	vadd.f32 $-3.935357930e-01, v22;
	v23 =	vmul.f32 $1.066847290e-01, v15;
	v8 =	vpop (erf)  }
0x266: {  	v25 =	vnsel vm12, $0x0, v9;
	v27 =	vadd.f32 $1.000000000e+00, v15;
	v26 =	vmul.f32 $1.066847290e-01, v8;
	v9 =	vpop (erf)  }
0x267: {  	v28 =	vadd.f32 $1.000000000e+00, v13;
	v19 =	vtrunc.f32 v19;
	v29 =	vpop (erf);
	(erf) = vrcp.f32 v24  }
0x268: {  	v19 =	vcvt.f32.s32 v19;
	v24 =	vadd.f32 $1.000000000e+00, v8;
	(erf) = vrcp.f32 v27  }
0x269: {  	v10 =	vadd.f32 $9.250321310e-04, v10;
	v22 =	vmul.f32 v22, v20;
	v27 =	vadd.f32 $1.000000000e+00, v9  }
0x26a: {  	v14 =	vmul.f32 v14, v4;
	v18 =	vmul.f32 v18, v16;
	v19 =	vshll.u32 v19, $0x7  }
0x26b: {  	v25 =	vadd.f32 v10, v25;
	v22 =	vadd.f32 $9.797534340e-01, v22;
	(erf) = vrcp.f32 v28  }
0x26c: {  	v10 =	vadd.f32 $9.797534340e-01, v14;
	v14 =	vmul.f32 $1.066847290e-01, v13;
	v19 =	vor.u32 v2, v19  }
0x26d: {  	v18 =	vadd.f32 $9.797534340e-01, v18;
	v20 =	vmul.f32 v22, v20;
	(erf) = vrcp.f32 v24  }
0x26e: {  	vm9 =	vmxor vm5, vm10;
	v22 =	vadd.f32 $-3.935357930e-01, v23;
	v28 =	vadd.f32 $-3.935357930e-01, v14  }
0x26f: {  	v12 =	vnsel vm9, $0x0, v12;
	v23 =	vadd.f32 $-3.935357930e-01, v26;
	(erf) = vrcp.f32 v21  }
0x270: {  	vm4 =	vmneg vm4;
	v20 =	vadd.f32 $9.250321310e-04, v20;
	v21 =	vmul.f32 v28, v13;
	v14 =	vpop (erf)  }
0x271: {  	vm5 =	vmxor vm7, vm6;
	v23 =	vmul.f32 v23, v8;
	v22 =	vmul.f32 v22, v15;
	[tilespmem:v19+s21+$0x0] =	vst.idx.add.f32.msk $0xffff, v1;
	v24 =	vpop (erf)  }
0x272: {  	vm4 =	vmxor vm4, vm8;
	v26 =	vmul.f32 v18, v16;
	v18 =	vmul.f32 $9.999899860e+00, v14;
	[tilespmem:v19+s22+$0x0] =	vst.idx.add.f32.msk $0xffff, v25  }
0x273: {  	v16 =	vadd.f32 $9.797534340e-01, v23;
	v14 =	vmul.f32 $9.999899860e+00, v24;
	(erf) = vrcp.f32 v27  }
0x274: {  	v23 =	vadd.f32 $9.797534340e-01, v21;
	v27 =	vmul.f32 $9.999899860e+00, v29;
	v19 =	vsub.f32 $9.999899860e+00, v18;
	v21 =	vpop (erf)  }
.Ltmp3:
0x275: {  	v11 =	vnsel vm5, $0x0, v11;
	v12 =	vadd.f32 v20, v12;
	v28 =	vmul.f32 $1.066847290e-01, v9;
	(pc) =	sbr.rel @p1 .LBB2_8-.Ltmp3, $4  }
0x276: {  	v24 =	vadd.f32 $9.797534340e-01, v22;
	v29 =	vsub.f32 $9.999899860e+00, v27;
	v19 =	vsel vm9, v18, v19;
	v20 =	vpop (erf)  }
0x277: {  	v18 =	vnsel vm4, $0x0, v17;
	v17 =	vtrunc.f32 v19;
	v22 =	vmul.f32 $9.999899860e+00, v20  }
0x278: {  	s29 =	sadd.s32 $0x4, s29;
	s31 =	sadd.s32 $0x2, s31;
	s30 =	sadd.s32 $0x40, s30;
	v21 =	vmul.f32 $9.999899860e+00, v21;
	v19 =	vcvt.f32.s32 v17;
	v17 =	vsub.f32 $9.999899860e+00, v14;
	v25 =	vpop (erf)  }
0x279: {  	s0 =	sadd.s32 $0x40, s0;
	p0 =	por !p0, !p0;
	s1 =	sadd.s32 $0x80, s1;
	v20 =	vadd.f32 $9.250321310e-04, v26;
	v27 =	vsel vm3, v27, v29;
	v26 =	vadd.f32 $-3.935357930e-01, v28  }
0x27a: {  	v27 =	vtrunc.f32 v27;
	v3 =	vnsel vm3, $0x0, v3;
	v15 =	vmul.f32 v24, v15  }
0x27b: {  	v13 =	vmul.f32 v23, v13;
	v23 =	vsub.f32 $9.999899860e+00, v22;
	v25 =	vmul.f32 $9.999899860e+00, v25  }
0x27c: {  	v19 =	vshll.u32 v19, $0x7;
	v14 =	vsel vm0, v14, v17;
	v4 =	vmul.f32 v10, v4  }
0x27d: {  	v24 =	vcvt.f32.s32 v27;
	v27 =	vsub.f32 $9.999899860e+00, v21;
	v26 =	vmul.f32 v26, v9  }
0x27e: {  	v19 =	vor.u32 v2, v19;
	v14 =	vtrunc.f32 v14;
	v28 =	vpop (erf);
	v13 =	vadd.f32 $9.250321310e-04, v13  }
0x27f: {  	v22 =	vsel vm5, v22, v23;
	v23 =	vmul.f32 $9.999899860e+00, v28;
	v21 =	vsel vm2, v21, v27  }
0x280: {  	v10 =	vcvt.f32.s32 v14;
	v14 =	vsub.f32 $9.999899860e+00, v25;
	v21 =	vtrunc.f32 v21  }
0x281: {  	v24 =	vshll.u32 v24, $0x7;
	v27 =	vsub.f32 $9.999899860e+00, v23;
	v21 =	vcvt.f32.s32 v21  }
0x282: {  	v4 =	vadd.f32 $9.250321310e-04, v4;
	v22 =	vtrunc.f32 v22;
	v24 =	vor.u32 v2, v24  }
0x283: {  	v26 =	vadd.f32 $9.797534340e-01, v26;
	v23 =	vsel vm1, v23, v27;
	v21 =	vshll.u32 v21, $0x7  }
0x284: {  	v22 =	vcvt.f32.s32 v22;
	v17 =	vtrunc.f32 v23;
	v21 =	vor.u32 v2, v21  }
0x285: {  	v6 =	vadd.f32 v13, v6;
	v10 =	vshll.u32 v10, $0x7;
	[tilespmem:v19+s21+$0x0] =	vst.idx.add.f32.msk $0xffff, v1;
	v17 =	vcvt.f32.s32 v17  }
0x286: {  	v3 =	vadd.f32 v4, v3;
	v10 =	vor.u32 v2, v10;
	v22 =	vshll.u32 v22, $0x7;
	[tilespmem:v19+s22+$0x0] =	vst.idx.add.f32.msk $0xffff, v12  }
0x287: {  	v14 =	vsel vm4, v25, v14;
	v22 =	vor.u32 v2, v22;
	[tilespmem:v24+s21+$0x0] =	vst.idx.add.f32.msk $0xffff, v1;
	v13 =	vshll.u32 v17, $0x7  }
0x288: {  	[tilespmem:v24+s22+$0x0] =	vst.idx.add.f32.msk $0xffff, v3;
	v12 =	vor.u32 v2, v13;
	v13 =	vtrunc.f32 v14  }
0x289: {  	v4 =	vmul.f32 v26, v9;
	[tilespmem:v21+s21+$0x0] =	vst.idx.add.f32.msk $0xffff, v1;
	v9 =	vcvt.f32.s32 v13  }
0x28a: {  	v8 =	vmul.f32 v16, v8;
	[tilespmem:v21+s22+$0x0] =	vst.idx.add.f32.msk $0xffff, v6;
	v6 =	vadd.f32 $9.250321310e-04, v15  }
0x28b: {  	v3 =	vadd.f32 $9.250321310e-04, v4;
	[tilespmem:v10+s21+$0x0] =	vst.idx.add.f32.msk $0xffff, v1;
	v4 =	vshll.u32 v9, $0x7  }
0x28c: {  	[tilespmem:v22+s21+$0x0] =	vst.idx.add.f32.msk $0xffff, v1;
	v6 =	vadd.f32 v6, v7;
	v7 =	vadd.f32 $9.250321310e-04, v8;
	v4 =	vor.u32 v2, v4  }
0x28d: {  	v3 =	vadd.f32 v3, v5;
	[tilespmem:v12+s21+$0x0] =	vst.idx.add.f32.msk $0xffff, v1  }
0x28e: {  	v5 =	vadd.f32 v7, v11;
	[tilespmem:v10+s22+$0x0] =	vst.idx.add.f32.msk $0xffff, v6  }
0x28f: {  	[tilespmem:v12+s22+$0x0] =	vst.idx.add.f32.msk $0xffff, v3  }
0x290: {  	v3 =	vadd.f32 v20, v18;
	[tilespmem:v22+s22+$0x0] =	vst.idx.add.f32.msk $0xffff, v5  }
0x291: {  	[tilespmem:v4+s21+$0x0] =	vst.idx.add.f32.msk $0xffff, v1  }
0x292: {  	[tilespmem:v4+s22+$0x0] =	vst.idx.add.f32.msk $0xffff, v3  }
0x293: {  	s0 =	simm.s32 $0x0;
	s5 =	simm.s32 $0x30;
	_ =	swait.ge [sflag:s19], $0x8000  }
0x294: {  	s7 =	simm.s32 $0x10;
	s1 =	sand.u32 $0x3, s0;
	[sflag:s19] =	ssyncset.done $0x0  }
0x295: {  	s6 =	sand.u32 $0x7, s0;
	s1 =	sshll.u32 s1, $0x5;
	[sflag:s19] =	ssyncadd.s32 $0xFFFF8000  }
0x296: {  	s0 =	sand.u32 $0x7F00, s0;
	s1 =	sadd.s32 $0x0, s1;
	_ =	swait.ge [sflag:s20], $0x4000  }
0x297: {  	s5 =	sand.u32 $0x70, s5;
	s1 =	sadd.s32 $0x20, s1;
	[sflag:s20] =	ssyncset.done $0x0  }
0x298: {  	s6 =	sshll.u32 s6, $0x4;
	s1 =	sor.u32 $0x80, s1;
	[sflag:s20] =	ssyncadd.s32 $0xFFFFC000  }
0x299: {  	s7 =	sand.u32 $0x50, s7;
	s5 =	sor.u32 s5, s0;
	s6 =	sadd.s32 $0x0, s6;
	v3 =	vld [tilespmem:s1+$0x0]  }
0x29a: {  	s8 =	simm.s32 $0x20;
	s7 =	sor.u32 s7, s0;
	s9 =	sadd.s32 $0x10, s6;
	v4 =	vld [tilespmem:s5+$0x0]  }
0x29b: {  	s8 =	sand.u32 $0x60, s8;
	s18 =	sor.u32 $0x80, s9;
	v5 =	vld [tilespmem:s7+$0x0]  }
0x29c: {  	p0 =	por $0x0, $0x0;
	s6 =	sadd.s32 $0x30, s6;
	s9 =	sor.u32 s8, s0;
	v6 =	vld [tilespmem:s18+$0x0]  }
0x29d: {  	s12 =	simm.s32 $0x0;
	s10 =	sor.u32 $0x80, s6;
	s1 =	simm.s32 $0x1;
	v8 =	vld [tilespmem:s9+$0x0]  }
0x29e: {  	s17 =	sand.u32 $0x40, s12;
	v7 =	vld [tilespmem:s10+$0x0];
	s1 =	simm.s32 @!p0 $0x0  }
0x29f: {  	s0 =	sor.u32 s17, s0;
	s1 =	sshll.u32 s1, $0x6  }
0x2a0: {  	v14 =	vld [tilespmem:s0+$0x0];
	s1 =	sadd.s32 $0x0, s1;
	v9 =	vand.u32 $0x7FFFFFFF, v3  }
0x2a1: {  	s1 =	sor.u32 $0x80, s1;
	vm0 =	vge.f32 v4, $0.0e+00;
	v10 =	vand.u32 $0x7FFFFFFF, v4;
	v15 =	vand.u32 $0x7FFFFFFF, v5  }
0x2a2: {  	v4 =	vld [tilespmem:s1+$0x0];
	vm1 =	vge.f32 v5, $0.0e+00;
	v13 =	vand.u32 $0x7FFFFFFF, v6;
	vm2 =	vge.f32 v3, $0.0e+00  }
0x2a3: {  	v18 =	vand.u32 $0x7FFFFFFF, v8;
	v3 =	vand.u32 $0x7FFFFFFF, v7;
	v11 =	vsub.f32 $0.0e+00, v9  }
0x2a4: {  	vm4 =	vge.f32 v7, $0.0e+00;
	vm3 =	vge.f32 v6, $0.0e+00;
	v16 =	vsub.f32 $0.0e+00, v13  }
0x2a5: {  	v20 =	vand.u32 $0x7FFFFFFF, v14;
	v17 =	vsub.f32 $0.0e+00, v18;
	v11 =	vmul.f32 $1.442695020e+00, v11  }
0x2a6: {  	vm5 =	vge.f32 v14, $0.0e+00;
	vm15 =	vge.f32 v8, $0.0e+00;
	v7 =	vmul.f32 $1.442695020e+00, v16  }
0x2a7: {  	s18 =	simm.s32 $0x10020;
	v6 =	vmul.f32 $1.442695020e+00, v17;
	(erf) = vpow2.f32 v11;
	v11 =	vand.u32 $0x7FFFFFFF, v4  }
0x2a8: {  	v12 =	vsub.f32 $0.0e+00, v10;
	v17 =	vld [tilespmem:s18+$0xFFFFFFE0];
	v16 =	vsub.f32 $0.0e+00, v11;
	(erf) = vpow2.f32 v7  }
0x2a9: {  	v5 =	vsub.f32 $0.0e+00, v15;
	vm3 =	vmneg vm3;
	(erf) = vpow2.f32 v6  }
0x2aa: {  	vm2 =	vmneg vm2;
	v14 =	vsub.f32 $0.0e+00, v20;
	v7 =	vld [tilespmem:s18+$0x0];
	v16 =	vmul.f32 $1.442695020e+00, v16  }
0x2ab: {  	vm4 =	vmneg vm4;
	v5 =	vmul.f32 $1.442695020e+00, v5;
	v12 =	vmul.f32 $1.442695020e+00, v12;
	v6 =	vld [tilespmem:s18+$0xFFFFFFF0]  }
0x2ac: {  	v14 =	vmul.f32 $1.442695020e+00, v14;
	vm6 =	vge.f32 v4, $0.0e+00;
	(erf) = vpow2.f32 v16  }
0x2ad: {  	vm9 =	veq.s32 v17, $0x0;
	v16 =	vsub.f32 $0.0e+00, v3;
	(erf) = vpow2.f32 v5  }
0x2ae: {  	vm10 =	vmneg vm6;
	vm5 =	vmxor vm5, vm9;
	(erf) = vpow2.f32 v12  }
0x2af: {  	v4 =	vld [tilespmem:s18+$0x10];
	vm8 =	veq.s32 v7, $0x0;
	v7 =	vmul.f32 $1.442695020e+00, v16;
	(erf) = vpow2.f32 v14  }
0x2b0: {  	vm6 =	vmxor vm2, vm8;
	vm11 =	veq.s32 v6, $0x0;
	vm2 =	vmxor vm10, vm9;
	v5 =	vpop (erf)  }
0x2b1: {  	vm3 =	vmxor vm3, vm11;
	(erf) = vpow2.f32 v7;
	v6 =	vadd.f32 $1.000000000e+00, v5;
	v22 =	vpop (erf)  }
0x2b2: {  	v7 =	vnsel vm3, $0x0, v13;
	v12 =	vadd.f32 $1.000000000e+00, v22;
	v13 =	vmul.f32 $1.066847290e-01, v22;
	v14 =	vpop (erf)  }
0x2b3: {  	(erf) = vrcp.f32 v6;
	v6 =	vnsel vm2, $0x0, v11;
	v11 =	vadd.f32 $1.000000000e+00, v14  }
0x2b4: {  	vm7 =	veq.s32 v4, $0x0;
	v16 =	vmul.f32 $1.066847290e-01, v14;
	(erf) = vrcp.f32 v12  }
0x2b5: {  	vm0 =	vmxor vm0, vm7;
	v13 =	vadd.f32 $-3.935357930e-01, v13;
	v8 =	vpop (erf);
	(erf) = vrcp.f32 v11  }
0x2b6: {  	vm4 =	vmxor vm4, vm7;
	v4 =	vnsel vm6, $0x0, v9;
	v9 =	vadd.f32 $-3.935357930e-01, v16;
	v21 =	vpop (erf)  }
0x2b7: {  	vm1 =	vmxor vm1, vm11;
	v24 =	vadd.f32 $1.000000000e+00, v8;
	v28 =	vmul.f32 v13, v22;
	v23 =	vpop (erf)  }
0x2b8: {  	v16 =	vadd.f32 $1.000000000e+00, v21;
	v17 =	vmul.f32 $1.066847290e-01, v21;
	v9 =	vmul.f32 v9, v14;
	v11 =	vpop (erf)  }
0x2b9: {  	v25 =	vmul.f32 $1.066847290e-01, v23;
	v27 =	vadd.f32 $1.000000000e+00, v23;
	v26 =	vadd.f32 $1.000000000e+00, v11  }
0x2ba: {  	v19 =	vadd.f32 $9.797534340e-01, v9;
	(erf) = vrcp.f32 v16;
	v13 =	vpop (erf);
	v9 =	vadd.f32 $-3.935357930e-01, v17  }
0x2bb: {  	v17 =	vnsel vm1, $0x0, v15;
	(erf) = vrcp.f32 v24;
	v15 =	vadd.f32 $1.000000000e+00, v13  }
0x2bc: {  	(erf) = vrcp.f32 v27;
	v27 =	vmul.f32 v9, v21;
	v9 =	vadd.f32 $-3.935357930e-01, v25;
	v16 =	vpop (erf)  }
0x2bd: {  	v10 =	vnsel vm0, $0x0, v10;
	vm8 =	vmxor vm15, vm8;
	(erf) = vrcp.f32 v26;
	v24 =	vpop (erf)  }
0x2be: {  	v18 =	vnsel vm8, $0x0, v18;
	(erf) = vrcp.f32 v15;
	v15 =	vmul.f32 v9, v23;
	v26 =	vpop (erf)  }
0x2bf: {  	v25 =	vmul.f32 $1.066847290e-01, v11;
	v9 =	vnsel vm5, $0x0, v20;
	v20 =	vmul.f32 $9.999899860e+00, v26  }
0x2c0: {  	v12 =	vmul.f32 $1.066847290e-01, v8;
	v26 =	vmul.f32 $9.999899860e+00, v16;
	v15 =	vadd.f32 $9.797534340e-01, v15  }
0x2c1: {  	v29 =	vmul.f32 $1.066847290e-01, v13;
	v16 =	vadd.f32 $-3.935357930e-01, v25;
	v25 =	vsub.f32 $9.999899860e+00, v20  }
0x2c2: {  	v27 =	vadd.f32 $9.797534340e-01, v27;
	v24 =	vmul.f32 $9.999899860e+00, v24;
	v30 =	vsub.f32 $9.999899860e+00, v26  }
0x2c3: {  	v32 =	vmul.f32 v16, v11;
	v15 =	vmul.f32 v15, v23;
	v31 =	vpop (erf);
	v20 =	vsel vm8, v20, v25  }
0x2c4: {  	v33 =	vpop (erf);
	v16 =	vmul.f32 $9.999899860e+00, v31;
	v31 =	vmul.f32 v27, v21;
	v21 =	vsel vm6, v26, v30  }
0x2c5: {  	v27 =	vsub.f32 $9.999899860e+00, v24;
	v26 =	vadd.f32 $-3.935357930e-01, v29;
	v23 =	vpop (erf);
	v21 =	vtrunc.f32 v21  }
0x2c6: {  	v15 =	vadd.f32 $9.250321310e-04, v15;
	v20 =	vtrunc.f32 v20;
	v25 =	vpop (erf);
	v29 =	vcvt.f32.s32 v21  }
0x2c7: {  	v23 =	vmul.f32 $9.999899860e+00, v23;
	v21 =	vmul.f32 $9.999899860e+00, v25;
	v25 =	vadd.f32 $9.797534340e-01, v28  }
0x2c8: {  	s28 =	simm.s32 $0x0;
	v20 =	vcvt.f32.s32 v20;
	v15 =	vadd.f32 v15, v10;
	v26 =	vmul.f32 v26, v13  }
0x2c9: {  	s29 =	simm.s32 $0x4;
	s30 =	simm.s32 $0x10060;
	s31 =	simm.s32 $0x2;
	v30 =	vadd.f32 $9.250321310e-04, v31;
	v28 =	vshll.u32 v29, $0x7;
	v22 =	vmul.f32 v25, v22  }
0x2ca: {  	s0 =	simm.s32 $0x80;
	p0 =	por !p0, !p0;
	s1 =	simm.s32 $0x70;
	v10 =	vor.u32 v2, v28;
	v25 =	vadd.f32 $9.797534340e-01, v32;
	v28 =	vmul.f32 $9.999899860e+00, v33;
	v29 =	vpop (erf)  }
.LBB2_10:
0x2cb: {  	s5 =	sand.u32 $0x7, s29  }
0x2cc: {  	s6 =	sand.u32 $0x7F00, s0;
	s7 =	sadd.s32 $0xFFFFFFE0, s1;
	v19 =	vmul.f32 v19, v14;
	v29 =	vmul.f32 $9.999899860e+00, v29;
	v26 =	vadd.f32 $9.797534340e-01, v26;
	s8 =	sand.u32 $0x3, s31  }
0x2cd: {  	s9 =	sadd.s32 $0xFFFFFFD0, s1;
	s10 =	sadd.s32 $0xFFFFFFF0, s1;
	s12 =	simm.s32 $0x1;
	v31 =	vsub.f32 $9.999899860e+00, v28;
	v14 =	vadd.f32 v30, v17;
	v17 =	vsel vm3, v24, v27  }
0x2ce: {  	s12 =	simm.s32 @!p0 $0x0;
	s5 =	sshll.u32 s5, $0x4;
	s7 =	sand.u32 $0x50, s7;
	v24 =	vsub.f32 $9.999899860e+00, v21;
	v17 =	vtrunc.f32 v17;
	v19 =	vadd.f32 $9.250321310e-04, v19  }
0x2cf: {  	s17 =	sand.u32 $0x70, s1;
	s8 =	sshll.u32 s8, $0x5;
	s9 =	sand.u32 $0x40, s9;
	v26 =	vmul.f32 v26, v13;
	v27 =	vsel vm2, v28, v31;
	v28 =	vsub.f32 $9.999899860e+00, v29  }
0x2d0: {  	s17 =	sor.u32 s17, s6;
	s7 =	sor.u32 s7, s6;
	s5 =	sadd.s32 s5, s0;
	v13 =	vadd.f32 $9.250321310e-04, v22;
	v17 =	vcvt.f32.s32 v17;
	v19 =	vadd.f32 v19, v18  }
0x2d1: {  	v12 =	vadd.f32 $-3.935357930e-01, v12;
	s12 =	sshll.u32 s12, $0x6;
	s8 =	sadd.s32 s0, s8;
	v22 =	vsub.f32 $9.999899860e+00, v23;
	s18 =	sadd.s32 $0x10, s5;
	v18 =	vtrunc.f32 v27  }
0x2d2: {  	s10 =	sand.u32 $0x60, s10;
	v30 =	vmul.f32 $1.066847290e-01, v5;
	s5 =	sadd.s32 $0x30, s5;
	s18 =	sor.u32 $0x80, s18;
	v13 =	vadd.f32 v13, v7;
	v7 =	vshll.u32 v17, $0x7;
	v27 =	vld [tilespmem:s17+$0x0]  }
0x2d3: {  	s10 =	sor.u32 s10, s6;
	v12 =	vmul.f32 v12, v8;
	s8 =	sadd.s32 $0x20, s8;
	s5 =	sor.u32 $0x80, s5;
	v17 =	vor.u32 v2, v7;
	v7 =	vadd.f32 $9.250321310e-04, v26  }
0x2d4: {  	v25 =	vmul.f32 v25, v11;
	s6 =	sor.u32 s9, s6;
	s9 =	sadd.s32 s12, s0;
	v30 =	vadd.f32 $-3.935357930e-01, v30;
	v28 =	vsel vm4, v29, v28;
	v26 =	vld [tilespmem:s7+$0x0];
	s7 =	sor.u32 $0x80, s8  }
0x2d5: {  	s28 =	sadd.s32 $0x4, s28;
	v31 =	vsub.f32 $9.999899860e+00, v16;
	v12 =	vadd.f32 $9.797534340e-01, v12;
	v29 =	vcvt.f32.s32 v18;
	s8 =	sor.u32 $0x80, s9;
	v11 =	vld [tilespmem:s10+$0x0]  }
0x2d6: {  	p1 =	slt.u32 s28, $0x3FC;
	v22 =	vsel vm0, v23, v22;
	v23 =	vnsel vm4, $0x0, v3;
	v18 =	vmul.f32 v30, v5  }
0x2d7: {  	v3 =	vsel vm5, v21, v24;
	v8 =	vmul.f32 v12, v8;
	vm0 =	vge.f32 v27, $0.0e+00  }
0x2d8: {  	v24 =	vshll.u32 v20, $0x7;
	v21 =	vtrunc.f32 v28;
	v20 =	vadd.f32 $9.797534340e-01, v18;
	v12 =	vld [tilespmem:s7+$0x0]  }
0x2d9: {  	v22 =	vtrunc.f32 v22;
	v8 =	vadd.f32 $9.250321310e-04, v8;
	v18 =	vand.u32 $0x7FFFFFFF, v27;
	v28 =	vld [tilespmem:s5+$0x0]  }
0x2da: {  	v31 =	vsel vm1, v16, v31;
	v16 =	vcvt.f32.s32 v22;
	v30 =	vsub.f32 $0.0e+00, v18;
	v27 =	vld [tilespmem:s18+$0x0]  }
0x2db: {  	v25 =	vadd.f32 $9.250321310e-04, v25;
	v5 =	vmul.f32 v20, v5;
	v22 =	vadd.f32 v8, v6  }
0x2dc: {  	v6 =	vcvt.f32.s32 v21;
	v20 =	vand.u32 $0x7FFFFFFF, v26;
	vm1 =	vge.f32 v26, $0.0e+00  }
0x2dd: {  	v21 =	vtrunc.f32 v3;
	v26 =	vsub.f32 $0.0e+00, v20;
	v8 =	vld [tilespmem:s8+$0x0];
	vm3 =	vge.f32 v12, $0.0e+00  }
0x2de: {  	v16 =	vshll.u32 v16, $0x7;
	v12 =	vand.u32 $0x7FFFFFFF, v12;
	v3 =	vand.u32 $0x7FFFFFFF, v28  }
0x2df: {  	v35 =	vor.u32 v2, v16;
	v34 =	vsub.f32 $0.0e+00, v12;
	v32 =	vld [tilespmem:s6+$0x0];
	v33 =	vand.u32 $0x7FFFFFFF, v27  }
0x2e0: {  	v16 =	vshll.u32 v29, $0x7;
	vm4 =	vge.f32 v28, $0.0e+00;
	v36 =	vsub.f32 $0.0e+00, v33  }
0x2e1: {  	v28 =	vor.u32 v2, v16;
	vm2 =	vge.f32 v27, $0.0e+00;
	v27 =	vmul.f32 $1.442695020e+00, v34  }
0x2e2: {  	v29 =	vtrunc.f32 v31;
	v21 =	vcvt.f32.s32 v21;
	v16 =	vand.u32 $0x7FFFFFFF, v11  }
0x2e3: {  	v29 =	vcvt.f32.s32 v29;
	vm3 =	vmneg vm3;
	vm2 =	vmneg vm2;
	v31 =	vld [tilespmem:s30+$0xFFFFFFE0]  }
0x2e4: {  	v37 =	vshll.u32 v21, $0x7;
	v34 =	vmul.f32 $1.442695020e+00, v36;
	v36 =	vsub.f32 $0.0e+00, v16;
	[tilespmem:v35+s21+$0x0] =	vst.idx.add.f32.msk $0xffff, v1  }
0x2e5: {  	v21 =	vand.u32 $0x7FFFFFFF, v32;
	vm5 =	vge.f32 v32, $0.0e+00;
	v32 =	vor.u32 v2, v37;
	[tilespmem:v35+s22+$0x0] =	vst.idx.add.f32.msk $0xffff, v15  }
0x2e6: {  	v24 =	vor.u32 v2, v24;
	v35 =	vmul.f32 $1.442695020e+00, v36;
	v15 =	vld [tilespmem:s30+$0x0];
	(erf) = vpow2.f32 v27  }
0x2e7: {  	vm6 =	vge.f32 v8, $0.0e+00;
	v27 =	vand.u32 $0x7FFFFFFF, v8;
	v8 =	vadd.f32 $9.250321310e-04, v5  }
0x2e8: {  	vm11 =	vmneg vm6;
	v37 =	vsub.f32 $0.0e+00, v3;
	v5 =	vsub.f32 $0.0e+00, v27;
	v36 =	vld [tilespmem:s30+$0xFFFFFFF0]  }
0x2e9: {  	v29 =	vshll.u32 v29, $0x7;
	vm7 =	veq.s32 v31, $0x0;
	v31 =	vld [tilespmem:s30+$0x10];
	(erf) = vpow2.f32 v34  }
0x2ea: {  	v29 =	vor.u32 v2, v29;
	v5 =	vmul.f32 $1.442695020e+00, v5;
	(erf) = vpow2.f32 v35;
	[tilespmem:v32+s21+$0x0] =	vst.idx.add.f32.msk $0xffff, v1  }
0x2eb: {  	v26 =	vmul.f32 $1.442695020e+00, v26;
	v34 =	vsub.f32 $0.0e+00, v21;
	vm8 =	veq.s32 v15, $0x0;
	[tilespmem:v24+s21+$0x0] =	vst.idx.add.f32.msk $0xffff, v1  }
0x2ec: {  	v9 =	vadd.f32 v25, v9;
	v15 =	vmul.f32 $1.442695020e+00, v30;
	(erf) = vpow2.f32 v5;
	[tilespmem:v24+s22+$0x0] =	vst.idx.add.f32.msk $0xffff, v19  }
0x2ed: {  	v19 =	vmul.f32 $1.442695020e+00, v34;
	vm6 =	vmxor vm3, vm8;
	(erf) = vpow2.f32 v26;
	[tilespmem:v10+s21+$0x0] =	vst.idx.add.f32.msk $0xffff, v1  }
0x2ee: {  	v6 =	vshll.u32 v6, $0x7;
	vm9 =	veq.s32 v31, $0x0;
	(erf) = vpow2.f32 v15  }
0x2ef: {  	v15 =	vmul.f32 $1.442695020e+00, v37;
	(erf) = vpow2.f32 v19;
	v5 =	vpop (erf);
	[tilespmem:v32+s22+$0x0] =	vst.idx.add.f32.msk $0xffff, v9;
	v9 =	vor.u32 v2, v6  }
0x2f0: {  	v4 =	vadd.f32 v8, v4;
	vm10 =	veq.s32 v36, $0x0;
	v6 =	vadd.f32 $1.000000000e+00, v5;
	[tilespmem:v29+s21+$0x0] =	vst.idx.add.f32.msk $0xffff, v1  }
0x2f1: {  	vm3 =	vmxor vm2, vm10;
	(erf) = vpow2.f32 v15;
	[tilespmem:v29+s22+$0x0] =	vst.idx.add.f32.msk $0xffff, v14;
	v15 =	vadd.f32 v7, v23  }
0x2f2: {  	vm2 =	vmxor vm11, vm7;
	v7 =	vnsel vm3, $0x0, v33;
	v25 =	vpop (erf);
	(erf) = vrcp.f32 v6;
	[tilespmem:v10+s22+$0x0] =	vst.idx.add.f32.msk $0xffff, v4  }
0x2f3: {  	vm0 =	vmxor vm0, vm9;
	v10 =	vadd.f32 $1.000000000e+00, v25;
	v19 =	vmul.f32 $1.066847290e-01, v25;
	v14 =	vpop (erf);
	[tilespmem:v17+s21+$0x0] =	vst.idx.add.f32.msk $0xffff, v1  }
0x2f4: {  	v6 =	vnsel vm2, $0x0, v27;
	v23 =	vadd.f32 $1.000000000e+00, v14;
	v24 =	vmul.f32 $1.066847290e-01, v14;
	[tilespmem:v9+s21+$0x0] =	vst.idx.add.f32.msk $0xffff, v1  }
0x2f5: {  	vm11 =	vge.f32 v11, $0.0e+00;
	v4 =	vnsel vm6, $0x0, v12;
	v8 =	vpop (erf);
	(erf) = vrcp.f32 v10;
	[tilespmem:v28+s21+$0x0] =	vst.idx.add.f32.msk $0xffff, v1  }
0x2f6: {  	v12 =	vmul.f32 $1.066847290e-01, v8;
	v10 =	vadd.f32 $-3.935357930e-01, v24;
	v26 =	vpop (erf);
	(erf) = vrcp.f32 v23;
	[tilespmem:v28+s22+$0x0] =	vst.idx.add.f32.msk $0xffff, v22  }
0x2f7: {  	v19 =	vadd.f32 $-3.935357930e-01, v19;
	v22 =	vadd.f32 $1.000000000e+00, v26;
	v23 =	vmul.f32 $1.066847290e-01, v26;
	v27 =	vpop (erf);
	[tilespmem:v17+s22+$0x0] =	vst.idx.add.f32.msk $0xffff, v13  }
0x2f8: {  	v24 =	vadd.f32 $1.000000000e+00, v8;
	v10 =	vmul.f32 v10, v14;
	v28 =	vmul.f32 $1.066847290e-01, v27;
	v11 =	vpop (erf);
	[tilespmem:v9+s22+$0x0] =	vst.idx.add.f32.msk $0xffff, v15  }
0x2f9: {  	v15 =	vmul.f32 v19, v25;
	v29 =	vadd.f32 $1.000000000e+00, v27;
	v9 =	vadd.f32 $1.000000000e+00, v11  }
0x2fa: {  	vm1 =	vmxor vm1, vm10;
	v19 =	vadd.f32 $9.797534340e-01, v10;
	(erf) = vrcp.f32 v22;
	v13 =	vpop (erf)  }
0x2fb: {  	v17 =	vnsel vm1, $0x0, v20;
	v10 =	vadd.f32 $-3.935357930e-01, v23;
	(erf) = vrcp.f32 v24;
	v20 =	vpop (erf)  }
0x2fc: {  	v22 =	vnsel vm0, $0x0, v18;
	v18 =	vadd.f32 $1.000000000e+00, v13;
	(erf) = vrcp.f32 v29  }
0x2fd: {  	v10 =	vmul.f32 v10, v26;
	v29 =	vadd.f32 $-3.935357930e-01, v28;
	(erf) = vrcp.f32 v9  }
0x2fe: {  	vm5 =	vmxor vm5, vm7;
	v28 =	vmul.f32 $1.066847290e-01, v11;
	v24 =	vpop (erf);
	(erf) = vrcp.f32 v18  }
0x2ff: {  	vm4 =	vmneg vm4;
	vm7 =	vmxor vm11, vm8;
	v18 =	vmul.f32 v29, v27;
	v23 =	vpop (erf)  }
0x300: {  	v9 =	vnsel vm5, $0x0, v21;
	v24 =	vmul.f32 $9.999899860e+00, v24;
	v21 =	vmul.f32 $9.999899860e+00, v23  }
0x301: {  	vm4 =	vmxor vm4, vm9;
	v20 =	vmul.f32 $9.999899860e+00, v20;
	v23 =	vadd.f32 $9.797534340e-01, v18  }
0x302: {  	v30 =	vmul.f32 $1.066847290e-01, v13;
	v28 =	vadd.f32 $-3.935357930e-01, v28;
	v29 =	vsub.f32 $9.999899860e+00, v21  }
0x303: {  	v10 =	vadd.f32 $9.797534340e-01, v10;
	v31 =	vsub.f32 $9.999899860e+00, v20;
	v18 =	vnsel vm7, $0x0, v16;
	v16 =	vpop (erf)  }
0x304: {  	v28 =	vmul.f32 v28, v11;
	v32 =	vsel vm7, v21, v29;
	v21 =	vmul.f32 v23, v27;
	v33 =	vpop (erf)  }
0x305: {  	v34 =	vmul.f32 v10, v26;
	v10 =	vsel vm6, v20, v31;
	v16 =	vmul.f32 $9.999899860e+00, v16;
	v20 =	vpop (erf)  }
0x306: {  	v26 =	vadd.f32 $-3.935357930e-01, v30;
	v10 =	vtrunc.f32 v10;
	v27 =	vsub.f32 $9.999899860e+00, v24;
	v30 =	vpop (erf)  }
.Ltmp4:
0x307: {  	v10 =	vcvt.f32.s32 v10;
	v23 =	vmul.f32 $9.999899860e+00, v20;
	v31 =	vadd.f32 $9.250321310e-04, v21;
	v29 =	vpop (erf);
	(pc) =	sbr.rel @p1 .LBB2_10-.Ltmp4, $4  }
0x308: {  	v21 =	vmul.f32 $9.999899860e+00, v30;
	v30 =	vadd.f32 $9.797534340e-01, v15;
	v15 =	vtrunc.f32 v32  }
0x309: {  	v10 =	vshll.u32 v10, $0x7;
	v20 =	vcvt.f32.s32 v15;
	v15 =	vadd.f32 v31, v22  }
0x30a: {  	s29 =	sadd.s32 $0x4, s29;
	s31 =	sadd.s32 $0x2, s31;
	s30 =	sadd.s32 $0x40, s30;
	v26 =	vmul.f32 v26, v13;
	v10 =	vor.u32 v2, v10;
	v22 =	vmul.f32 v30, v25  }
0x30b: {  	s1 =	sadd.s32 $0x40, s1;
	p0 =	por !p0, !p0;
	s0 =	sadd.s32 $0x80, s0;
	v25 =	vadd.f32 $9.797534340e-01, v28;
	v28 =	vmul.f32 $9.999899860e+00, v33;
	v30 =	vadd.f32 $9.250321310e-04, v34  }
0x30c: {  	v31 =	vsub.f32 $9.999899860e+00, v23;
	v14 =	vmul.f32 v19, v14;
	v44 =	vmul.f32 $9.999899860e+00, v29  }
0x30d: {  	v24 =	vsel vm3, v24, v27;
	v46 =	vsub.f32 $9.999899860e+00, v21;
	v48 =	vmul.f32 $1.066847290e-01, v5  }
0x30e: {  	v49 =	vsub.f32 $9.999899860e+00, v16;
	v20 =	vshll.u32 v20, $0x7;
	v12 =	vadd.f32 $-3.935357930e-01, v12  }
0x30f: {  	v45 =	vsub.f32 $9.999899860e+00, v28;
	v20 =	vor.u32 v2, v20;
	v11 =	vmul.f32 v25, v11  }
0x310: {  	v23 =	vsel vm0, v23, v31;
	v14 =	vadd.f32 $9.250321310e-04, v14;
	v21 =	vsel vm5, v21, v46  }
0x311: {  	v47 =	vsub.f32 $9.999899860e+00, v44;
	v29 =	vadd.f32 $-3.935357930e-01, v48;
	v12 =	vmul.f32 v12, v8  }
0x312: {  	v16 =	vsel vm1, v16, v49;
	v23 =	vtrunc.f32 v23;
	v21 =	vtrunc.f32 v21  }
0x313: {  	v27 =	vsel vm2, v28, v45;
	v16 =	vtrunc.f32 v16;
	v23 =	vcvt.f32.s32 v23  }
0x314: {  	v11 =	vadd.f32 $9.250321310e-04, v11;
	v21 =	vcvt.f32.s32 v21;
	v14 =	vadd.f32 v14, v18  }
0x315: {  	v50 =	vmul.f32 v29, v5;
	v16 =	vcvt.f32.s32 v16;
	v23 =	vshll.u32 v23, $0x7  }
0x316: {  	v19 =	vsel vm4, v44, v47;
	v21 =	vshll.u32 v21, $0x7;
	v23 =	vor.u32 v2, v23  }
0x317: {  	v52 =	vtrunc.f32 v19;
	v18 =	vadd.f32 $9.797534340e-01, v50;
	v21 =	vor.u32 v2, v21  }
0x318: {  	v27 =	vtrunc.f32 v27;
	v51 =	vshll.u32 v16, $0x7;
	v16 =	vcvt.f32.s32 v52;
	[tilespmem:v20+s21+$0x0] =	vst.idx.add.f32.msk $0xffff, v1  }
0x319: {  	v61 =	vadd.f32 $9.797534340e-01, v26;
	v55 =	vcvt.f32.s32 v27;
	[tilespmem:v20+s22+$0x0] =	vst.idx.add.f32.msk $0xffff, v14;
	v54 =	vmul.f32 v18, v5  }
0x31a: {  	v12 =	vadd.f32 $9.797534340e-01, v12;
	v9 =	vadd.f32 v11, v9;
	[tilespmem:v10+s21+$0x0] =	vst.idx.add.f32.msk $0xffff, v1;
	v57 =	vshll.u32 v16, $0x7  }
0x31b: {  	v59 =	vshll.u32 v55, $0x7;
	v60 =	vor.u32 v2, v57;
	v5 =	vadd.f32 $9.250321310e-04, v54;
	[tilespmem:v23+s21+$0x0] =	vst.idx.add.f32.msk $0xffff, v1  }
0x31c: {  	v58 =	vmul.f32 v12, v8;
	v12 =	vor.u32 v2, v59;
	[tilespmem:v21+s21+$0x0] =	vst.idx.add.f32.msk $0xffff, v1  }
0x31d: {  	v24 =	vtrunc.f32 v24;
	v62 =	vmul.f32 v61, v13;
	v4 =	vadd.f32 v5, v4;
	[tilespmem:v23+s22+$0x0] =	vst.idx.add.f32.msk $0xffff, v15  }
0x31e: {  	v24 =	vcvt.f32.s32 v24;
	v8 =	vadd.f32 $9.250321310e-04, v58;
	[tilespmem:v21+s22+$0x0] =	vst.idx.add.f32.msk $0xffff, v9  }
0x31f: {  	v5 =	vadd.f32 $9.250321310e-04, v62;
	v15 =	vor.u32 v2, v51;
	[tilespmem:v10+s22+$0x0] =	vst.idx.add.f32.msk $0xffff, v4  }
0x320: {  	v3 =	vnsel vm4, $0x0, v3;
	v53 =	vshll.u32 v24, $0x7;
	v6 =	vadd.f32 v8, v6;
	[tilespmem:v60+s21+$0x0] =	vst.idx.add.f32.msk $0xffff, v1  }
0x321: {  	v56 =	vor.u32 v2, v53;
	[tilespmem:v12+s21+$0x0] =	vst.idx.add.f32.msk $0xffff, v1;
	v3 =	vadd.f32 v5, v3  }
0x322: {  	[tilespmem:v12+s22+$0x0] =	vst.idx.add.f32.msk $0xffff, v6  }
0x323: {  	v63 =	vadd.f32 $9.250321310e-04, v22;
	v17 =	vadd.f32 v30, v17;
	[tilespmem:v60+s22+$0x0] =	vst.idx.add.f32.msk $0xffff, v3  }
0x324: {  	[tilespmem:v15+s21+$0x0] =	vst.idx.add.f32.msk $0xffff, v1  }
0x325: {  	v4 =	vadd.f32 v63, v7;
	[tilespmem:v15+s22+$0x0] =	vst.idx.add.f32.msk $0xffff, v17  }
0x326: {  	[tilespmem:v56+s21+$0x0] =	vst.idx.add.f32.msk $0xffff, v1  }
0x327: {  	[tilespmem:v56+s22+$0x0] =	vst.idx.add.f32.msk $0xffff, v4  }
0x328: {  	[hbm4b:s11+s2] =	stream.linear.scatter [tilespmem:s21], [sflag:$0x5], $0x500, $0x38;
	[tilespmem:$0x19000] =	vst v63  }
0x329: {  	s26 =	sadd.s32 $0x1, s26;
	_ =	swait.ge [sflag:s25], $0x500  }
0x32a: {  	p0 =	sne.s32 s26, s15;
	[sflag:s25] =	ssyncset.done $0x0  }
.Ltmp5:
0x32b: {  	[sflag:s25] =	ssyncadd.s32 $0xFFFFFB00;
	(pc) =	sbr.rel @p0 .LBB2_1-.Ltmp5, $4  }
0x32c: {  	[hbm4b:s14+s2] =	stream.linear.scatter [tilespmem:s22], [sflag:$0x5], $0x500, $0x38;
	[tilespmem:$0x19000] =	vst v63  }
0x32d: {  	_ =	swait.ge [sflag:s25], $0x500  }
0x32e: {  	[sflag:s25] =	ssyncset.done $0x0  }
0x32f: {  	[sflag:s25] =	ssyncadd.s32 $0xFFFFFB00  }
0x330: {  	_ =	sfence.sel $0x180000  }
0x331: {  	[bflag:$0x0] =	sbarrier.arrive $0xFFFF  }
0x332: {  	_ =	strace $0x90000047  }
0x333: {  	s0 =	stileid.u32;
	[bflag:$0x2] =	sbarrier.arrive $0xFFFF  }
0x334: {  	p0 =	sne.s32 s0, $0x0;
	s0 =	rddreg [dreg:$0x3]  }
0x335: {  	s0 =	sadd.s32 @!p0 $0x100000, s0  }
0x336: {  	[sflag:s0] =	ssyncadd.tile.s32 @!p0 $0x1;
	_ =	shalt  }
.Lfunc_end2:
_tile_overlayer_lowered:
.L_overlay_start_2:
0x337: {  	(tag) =	ssettag $0x2  }
0x338: {  	s0 =	rddreg [dreg:$0x0];
	s2 =	stileid.u32  }
0x339: {  	s1 =	rddreg [dreg:$0x1];
	p0 =	sne.s32 s2, $0x0  }
0x33a: {  	s3 =	rddreg [dreg:$0x2];
	[bflag:$0x3] =	sbarrier.arrive $0xFFFF;
	s2 =	simm.s32 @!p0 $0x1C05  }
0x33b: {  	[timem:s3], [sflag:s2] =	dma.local @!p0 [hbm:s0], s1  }
0x33c: {  	s0 =	simm.s32 @!p0 $0x5  }
0x33d: {  	_ =	swait.ge @!p0 [sflag:s0], s1  }
0x33e: {  	s1 =	ssub.s32 @!p0 $0x0, s1;
	[sflag:s0] =	ssyncset.done @!p0 $0x0  }
0x33f: {  	[sflag:s0] =	ssyncadd.s32 @!p0 s1  }
0x340: {  	[bflag:$0x3] =	sbarrier.arrive $0xFFFF  }
0x341: {  	_ =	shalt  }

</sc_bundles>
